<compile_context>
chip_gen: v7x
topology: tpu7x:2x2x1
jax: 0.10.2.dev20260603
libtpu: 0.0.44.dev20260713+nightly
codegen_flags: <defaults>
</compile_context>

<pallas_src>
import jax
import jax.numpy as jnp
from jax import lax
from jax.experimental import pallas as pl
from jax.experimental.pallas import tpu as pltpu
from jax.experimental.pallas import tpu_sc as plsc

_NC, _NS = 2, 16
_NW = _NC * _NS

_RG = 8


def _make_body(B, L, D, V, M):
    ROWS = B // _NW
    NFULL = L // 16
    TAIL0 = L - 16
    TAILLO = TAIL0 - 16 * (NFULL - 1)
    PAD = ((L + 15) // 16) * 16

    def body(ids_hbm, ws_hbm, tok_hbm, sm_hbm, out_hbm,
             ids8_v, ws8_v, idx2_v, p2_v, tok2_v, pos_v,
             word_v, wse_v, gam_v, bet_v, out_v, sem):
        wid = lax.axis_index("s") * _NC + lax.axis_index("c")
        lane = lax.iota(jnp.int32, 16)

        o_pos, o_word, o_wse, o_gam, o_bet = (
            0, L * D, L * D + M * D, L * D + M * D + 2 * D,
            L * D + M * D + 2 * D + D)
        pltpu.sync_copy(sm_hbm.at[pl.ds(o_pos, L * D)], pos_v)
        pltpu.sync_copy(sm_hbm.at[pl.ds(o_word, M * D)], word_v)
        pltpu.sync_copy(sm_hbm.at[pl.ds(o_wse, 2 * D)], wse_v)
        pltpu.sync_copy(sm_hbm.at[pl.ds(o_gam, D)], gam_v)
        pltpu.sync_copy(sm_hbm.at[pl.ds(o_bet, D)], bet_v)

        ws0 = [wse_v[pl.ds(16 * j, 16)] for j in range(4)]
        wsd = [wse_v[pl.ds(D + 16 * j, 16)] - ws0[j] for j in range(4)]
        gam = [gam_v[pl.ds(16 * j, 16)] for j in range(4)]
        bet = [bet_v[pl.ds(16 * j, 16)] for j in range(4)]

        def stage_group(b8):
            b8 = pl.multiple_of(b8, _RG)
            pltpu.sync_copy(ids_hbm.at[pl.ds(b8, _RG)], ids8_v)
            pltpu.sync_copy(ws_hbm.at[pl.ds(b8, _RG)], ws8_v)

        def pre_row(rnxt):
            i = rnxt & (_RG - 1)
            pbase = pl.multiple_of((rnxt & 1) * PAD, 16)

            def do_chunk(dst16, v, idv, runbc):
                cum = plsc.cumsum(v) + runbc
                p2_v[dst16] = (lax.shift_left(cum, 8)
                               | lax.shift_left(idv & 1, 7)
                               | lax.shift_left(v, 6))
                idx2_v[dst16] = lax.shift_right_logical(idv, 1)

            run = jnp.int32(0)
            s_tail = jnp.int32(0)
            for k in range(NFULL):
                v = ws8_v[i, pl.ds(16 * k, 16)]
                idv = ids8_v[i, pl.ds(16 * k, 16)]
                do_chunk(pl.ds(pbase + 16 * k, 16), v, idv, lax.broadcast(run, (16,)))
                if k == NFULL - 1:
                    s_tail = run + jnp.sum(jnp.where(lane < TAILLO, v, 0))
                run = run + jnp.sum(v)
            if L > 16 * NFULL:
                vB = ws8_v[i, pl.ds(TAIL0, 16)]
                idvB = ids8_v[i, pl.ds(TAIL0, 16)]
                do_chunk(pl.ds(pbase + TAIL0, 16), vB, idvB,
                         lax.broadcast(s_tail, (16,)))

            pltpu.async_copy(
                tok_hbm.at[idx2_v.at[pl.ds(pbase, L)]],
                tok2_v.at[pl.ds(pl.multiple_of((rnxt & 1) * L, 8), L)], sem)

        stage_group(pl.multiple_of(wid * ROWS, _RG))
        pre_row(jnp.int32(0))

        def row_body(r, carry0):
            par = r & 1
            pltpu.make_async_copy(tok_hbm.at[pl.ds(0, L)],
                                  tok2_v.at[pl.ds(0, L)], sem).wait()

            nxt = r + 1

            @pl.when(((nxt & (_RG - 1)) == 0) & (nxt < ROWS))
            def _stage():
                stage_group(pl.multiple_of(wid * ROWS, _RG) + (nxt & ~(_RG - 1)))

            pre_row(nxt)

            pbase = par * PAD
            tbase = par * L

            @plsc.parallel_loop(0, L, step=1, unroll=20)
            def tok_loop(t):
                pvec = lax.broadcast(pbase + t, (16,))
                p2 = plsc.load_gather(p2_v, [pvec])
                wsf = (lax.shift_right_logical(p2, 6) & 1).astype(jnp.float32)
                colb = lax.shift_right_logical(p2, 1) & 64
                wofs = (lax.shift_right_logical(p2, 2) & ~jnp.int32(63)) + lane
                tvec = lax.broadcast(tbase + t, (16,))
                po = pl.multiple_of(t * D, 8)
                xs = []
                for j in range(4):
                    tok_j = plsc.load_gather(tok2_v, [tvec, colb + (lane + 16 * j)])
                    pos_j = pos_v[pl.ds(po + 16 * j, 16)]
                    wrd_j = plsc.load_gather(word_v, [wofs + 16 * j])
                    xs.append((tok_j + pos_j) + (wrd_j + ws0[j]) + wsf * wsd[j])
                s = (xs[0] + xs[1]) + (xs[2] + xs[3])
                sq = (xs[0] * xs[0] + xs[1] * xs[1]) + (xs[2] * xs[2] + xs[3] * xs[3])
                meanv = lax.broadcast(jnp.sum(s), (16,)) * jnp.float32(1.0 / D)
                msqv = lax.broadcast(jnp.sum(sq), (16,)) * jnp.float32(1.0 / D)
                var = msqv - meanv * meanv + jnp.float32(1e-5)
                ivar = plsc.bitcast(var, jnp.int32)
                y = plsc.bitcast(jnp.int32(0x5F3759DF) - lax.shift_right_logical(ivar, 1),
                                 jnp.float32)
                for _ in range(2):
                    y = y * (jnp.float32(1.5) - jnp.float32(0.5) * var * y * y)
                for j in range(4):
                    out_v[t, pl.ds(16 * j, 16)] = (xs[j] - meanv) * y * gam[j] + bet[j]

            b = wid * ROWS + r
            pltpu.sync_copy(out_v, out_hbm.at[b])
            return carry0

        lax.fori_loop(0, ROWS, row_body, jnp.int32(0))
        pltpu.make_async_copy(tok_hbm.at[pl.ds(0, L)],
                              tok2_v.at[pl.ds(0, L)], sem).wait()

    return body


def kernel(input_ids, word_start, token_emb, pos_emb, word_start_emb,
           word_emb, ln_gamma, ln_beta):
    B, L = input_ids.shape
    V, D = token_emb.shape
    M = word_emb.shape[0]
    LP = ((L + 15) // 16) * 16

    ids = input_ids.astype(jnp.int32)
    ws = word_start.astype(jnp.int32)

    mesh = plsc.VectorSubcoreMesh(core_axis_name="c", subcore_axis_name="s",
                                  num_cores=_NC, num_subcores=_NS)
    scratch = [
        pltpu.VMEM((_RG, L), jnp.int32),
        pltpu.VMEM((_RG, L), jnp.int32),
        pltpu.VMEM((2 * LP,), jnp.int32),
        pltpu.VMEM((2 * LP,), jnp.int32),
        pltpu.VMEM((2 * L, 2 * D), jnp.float32),
        pltpu.VMEM((L * D,), jnp.float32),
        pltpu.VMEM((M * D,), jnp.float32),
        pltpu.VMEM((2 * D,), jnp.float32),
        pltpu.VMEM((D,), jnp.float32),
        pltpu.VMEM((D,), jnp.float32),
        pltpu.VMEM((L, D), jnp.float32),
        pltpu.SemaphoreType.DMA,
    ]
    smalls = jnp.concatenate([
        pos_emb[:L].reshape(-1), word_emb.reshape(-1),
        word_start_emb.reshape(-1), ln_gamma, ln_beta])
    run = pl.kernel(
        _make_body(B, L, D, V, M),
        out_type=jax.ShapeDtypeStruct((B, L, D), jnp.float32),
        mesh=mesh,
        scratch_types=scratch,
        compiler_params=pltpu.CompilerParams(needs_layout_passes=False),
    )
    return run(ids, ws, token_emb.reshape(V // 2, 2 * D), smalls)

# --- scband reference (transcript-rebuilt; emitter-appended) ---
"""Pipeline reference for scband-word-embedding-3083786518931 (READ-ONLY COPY).

The authoritative reference and input builder live on the scoring server;
editing this copy changes nothing except your own understanding.
"""

import jax, jax.numpy as jnp
import numpy as np

B, L, V, D, M = 4096, 200, 1000000, 64, 512

def setup_inputs(seed: int = 0) -> dict:
    key = jax.random.key(seed)
    ks = jax.random.split(key, 6)
    input_ids = jax.random.randint(ks[0], (B, L), 0, V, dtype=jnp.int64) if jax.config.jax_enable_x64 else jax.random.randint(ks[0], (B, L), 0, V, dtype=jnp.int32)
    word_start = jax.random.randint(ks[1], (B, L), 0, 2, dtype=jnp.int32)
    token_emb = jax.random.normal(ks[2], (V, D), dtype=jnp.float32) * 0.02
    pos_emb = jax.random.normal(ks[3], (M, D), dtype=jnp.float32) * 0.02
    word_start_emb = jax.random.normal(ks[4], (2, D), dtype=jnp.float32) * 0.02
    word_emb = jax.random.normal(ks[5], (M, D), dtype=jnp.float32) * 0.02
    ln_gamma = jnp.ones((D,), dtype=jnp.float32)
    ln_beta = jnp.zeros((D,), dtype=jnp.float32)
    return {
        'input_ids': input_ids,
        'word_start': word_start,
        'token_emb': token_emb,
        'pos_emb': pos_emb,
        'word_start_emb': word_start_emb,
        'word_emb': word_emb,
        'ln_gamma': ln_gamma,
        'ln_beta': ln_beta,
    }

def reference(input_ids, word_start, token_emb, pos_emb, word_start_emb, word_emb, ln_gamma, ln_beta):
    n = input_ids.shape[1]
    ws = word_start.astype(jnp.int32)
    x = jnp.take(token_emb, input_ids, axis=0)
    x = x + jnp.take(word_start_emb, ws, axis=0)
    x = x + jnp.take(word_emb, jnp.cumsum(ws, axis=-1), axis=0)
    x = x + jnp.take(pos_emb, jnp.arange(n), axis=0)[None, :, :]
    mean = jnp.mean(x, axis=-1, keepdims=True)
    var = jnp.var(x, axis=-1, keepdims=True)
    xh = (x - mean) / jnp.sqrt(var + 1e-5)
    return xh * ln_gamma + ln_beta

if __name__ == "__main__":
    import jax
    _d = setup_inputs()
    print(jax.jit(kernel)(*tuple(_d.values())))

</pallas_src>

<mosaic_0001>
#map = affine_map<(d0, d1) -> (0, 0)>
#map1 = affine_map<(d0, d1) -> (0)>
#map2 = affine_map<(d0, d1) -> (0, 0, 0)>
module attributes {stable_mosaic.version = 14 : i64} {
  func.func @body(%arg0: i32, %arg1: i32, %arg2: memref<4096x200xi32, #tpu.memory_space<hbm>>, %arg3: memref<4096x200xi32, #tpu.memory_space<hbm>>, %arg4: memref<500000x128xf32, #tpu.memory_space<hbm>>, %arg5: memref<45824xf32, #tpu.memory_space<hbm>>, %arg6: memref<4096x200x64xf32, #tpu.memory_space<hbm>>, %arg7: memref<8x200xi32, #tpu.memory_space<vmem>>, %arg8: memref<8x200xi32, #tpu.memory_space<vmem>>, %arg9: memref<416xi32, #tpu.memory_space<vmem>>, %arg10: memref<416xi32, #tpu.memory_space<vmem>>, %arg11: memref<400x128xf32, #tpu.memory_space<vmem>>, %arg12: memref<12800xf32, #tpu.memory_space<vmem>>, %arg13: memref<32768xf32, #tpu.memory_space<vmem>>, %arg14: memref<128xf32, #tpu.memory_space<vmem>>, %arg15: memref<64xf32, #tpu.memory_space<vmem>>, %arg16: memref<64xf32, #tpu.memory_space<vmem>>, %arg17: memref<200x64xf32, #tpu.memory_space<vmem>>, %arg18: memref<!tpu.dma_semaphore, #tpu.memory_space<semaphore_mem>>) attributes {dimension_semantics = [#tpu.dimension_semantics<core_parallel>, #tpu.dimension_semantics<subcore_parallel>], iteration_bounds = array<i64: 2, 16>, scalar_prefetch = 0 : i64, scratch_operands = 12 : i64, tpu.core_type = #tpu.core_type<sc_vector_subcore>, window_params = [{transform_indices = #map}, {transform_indices = #map}, {transform_indices = #map}, {transform_indices = #map1}, {transform_indices = #map2}]} {
    %mul3A = arith.constant 2 : i32
    %mul3A_0 = arith.muli %arg1, %mul3A : i32
    %add3A = arith.addi %mul3A_0, %arg0 : i32
    %iota3A = tpu.iota {dimensions = array<i32: 0>} : vector<16xi32>
    "tpu.region"() ({
      %run_scoped3A = tpu.sem_alloc : memref<!tpu.dma_semaphore, #tpu.memory_space<semaphore_mem>>
      %dma_start3A_578 = arith.constant 0 : i32
      %dma_start3A_579 = tpu.memref_slice %arg5[%dma_start3A_578] : memref<45824xf32, #tpu.memory_space<hbm>> -> memref<12800xf32, #tpu.memory_space<hbm>>
      %dma_start3A_580 = arith.constant 0 : i32
      %dma_start3A_581 = tpu.memref_slice %arg5[%dma_start3A_580] : memref<45824xf32, #tpu.memory_space<hbm>> -> memref<12800xf32, #tpu.memory_space<hbm>>
      tpu.enqueue_dma source(%dma_start3A_581 : memref<12800xf32, #tpu.memory_space<hbm>>) target(%arg12 : memref<12800xf32, #tpu.memory_space<vmem>>) target_semaphore(%run_scoped3A : memref<!tpu.dma_semaphore, #tpu.memory_space<semaphore_mem>>)
      %dma_wait3A_582 = arith.constant 0 : i32
      %dma_wait3A_583 = tpu.memref_slice %arg5[%dma_wait3A_582] : memref<45824xf32, #tpu.memory_space<hbm>> -> memref<12800xf32, #tpu.memory_space<hbm>>
      %dma_wait3A_584 = arith.constant 0 : i32
      %dma_wait3A_585 = tpu.memref_slice %arg5[%dma_wait3A_584] : memref<45824xf32, #tpu.memory_space<hbm>> -> memref<12800xf32, #tpu.memory_space<hbm>>
      tpu.wait_dma2 semaphore(%run_scoped3A : memref<!tpu.dma_semaphore, #tpu.memory_space<semaphore_mem>>) src(%dma_wait3A_585 : memref<12800xf32, #tpu.memory_space<hbm>>) dst(%arg12 : memref<12800xf32, #tpu.memory_space<vmem>>)
      tpu.yield
    }) : () -> ()
    "tpu.region"() ({
      %run_scoped3A = tpu.sem_alloc : memref<!tpu.dma_semaphore, #tpu.memory_space<semaphore_mem>>
      %dma_start3A_578 = arith.constant 12800 : i32
      %dma_start3A_579 = tpu.memref_slice %arg5[%dma_start3A_578] : memref<45824xf32, #tpu.memory_space<hbm>> -> memref<32768xf32, #tpu.memory_space<hbm>>
      %dma_start3A_580 = arith.constant 12800 : i32
      %dma_start3A_581 = tpu.memref_slice %arg5[%dma_start3A_580] : memref<45824xf32, #tpu.memory_space<hbm>> -> memref<32768xf32, #tpu.memory_space<hbm>>
      tpu.enqueue_dma source(%dma_start3A_581 : memref<32768xf32, #tpu.memory_space<hbm>>) target(%arg13 : memref<32768xf32, #tpu.memory_space<vmem>>) target_semaphore(%run_scoped3A : memref<!tpu.dma_semaphore, #tpu.memory_space<semaphore_mem>>)
      %dma_wait3A_582 = arith.constant 12800 : i32
      %dma_wait3A_583 = tpu.memref_slice %arg5[%dma_wait3A_582] : memref<45824xf32, #tpu.memory_space<hbm>> -> memref<32768xf32, #tpu.memory_space<hbm>>
      %dma_wait3A_584 = arith.constant 12800 : i32
      %dma_wait3A_585 = tpu.memref_slice %arg5[%dma_wait3A_584] : memref<45824xf32, #tpu.memory_space<hbm>> -> memref<32768xf32, #tpu.memory_space<hbm>>
      tpu.wait_dma2 semaphore(%run_scoped3A : memref<!tpu.dma_semaphore, #tpu.memory_space<semaphore_mem>>) src(%dma_wait3A_585 : memref<32768xf32, #tpu.memory_space<hbm>>) dst(%arg13 : memref<32768xf32, #tpu.memory_space<vmem>>)
      tpu.yield
    }) : () -> ()
    "tpu.region"() ({
      %run_scoped3A = tpu.sem_alloc : memref<!tpu.dma_semaphore, #tpu.memory_space<semaphore_mem>>
      %dma_start3A_578 = arith.constant 45568 : i32
      %dma_start3A_579 = tpu.memref_slice %arg5[%dma_start3A_578] : memref<45824xf32, #tpu.memory_space<hbm>> -> memref<128xf32, #tpu.memory_space<hbm>>
      %dma_start3A_580 = arith.constant 45568 : i32
      %dma_start3A_581 = tpu.memref_slice %arg5[%dma_start3A_580] : memref<45824xf32, #tpu.memory_space<hbm>> -> memref<128xf32, #tpu.memory_space<hbm>>
      tpu.enqueue_dma source(%dma_start3A_581 : memref<128xf32, #tpu.memory_space<hbm>>) target(%arg14 : memref<128xf32, #tpu.memory_space<vmem>>) target_semaphore(%run_scoped3A : memref<!tpu.dma_semaphore, #tpu.memory_space<semaphore_mem>>)
      %dma_wait3A_582 = arith.constant 45568 : i32
      %dma_wait3A_583 = tpu.memref_slice %arg5[%dma_wait3A_582] : memref<45824xf32, #tpu.memory_space<hbm>> -> memref<128xf32, #tpu.memory_space<hbm>>
      %dma_wait3A_584 = arith.constant 45568 : i32
      %dma_wait3A_585 = tpu.memref_slice %arg5[%dma_wait3A_584] : memref<45824xf32, #tpu.memory_space<hbm>> -> memref<128xf32, #tpu.memory_space<hbm>>
      tpu.wait_dma2 semaphore(%run_scoped3A : memref<!tpu.dma_semaphore, #tpu.memory_space<semaphore_mem>>) src(%dma_wait3A_585 : memref<128xf32, #tpu.memory_space<hbm>>) dst(%arg14 : memref<128xf32, #tpu.memory_space<vmem>>)
      tpu.yield
    }) : () -> ()
    "tpu.region"() ({
      %run_scoped3A = tpu.sem_alloc : memref<!tpu.dma_semaphore, #tpu.memory_space<semaphore_mem>>
      %dma_start3A_578 = arith.constant 45696 : i32
      %dma_start3A_579 = tpu.memref_slice %arg5[%dma_start3A_578] : memref<45824xf32, #tpu.memory_space<hbm>> -> memref<64xf32, #tpu.memory_space<hbm>>
      %dma_start3A_580 = arith.constant 45696 : i32
      %dma_start3A_581 = tpu.memref_slice %arg5[%dma_start3A_580] : memref<45824xf32, #tpu.memory_space<hbm>> -> memref<64xf32, #tpu.memory_space<hbm>>
      tpu.enqueue_dma source(%dma_start3A_581 : memref<64xf32, #tpu.memory_space<hbm>>) target(%arg15 : memref<64xf32, #tpu.memory_space<vmem>>) target_semaphore(%run_scoped3A : memref<!tpu.dma_semaphore, #tpu.memory_space<semaphore_mem>>)
      %dma_wait3A_582 = arith.constant 45696 : i32
      %dma_wait3A_583 = tpu.memref_slice %arg5[%dma_wait3A_582] : memref<45824xf32, #tpu.memory_space<hbm>> -> memref<64xf32, #tpu.memory_space<hbm>>
      %dma_wait3A_584 = arith.constant 45696 : i32
      %dma_wait3A_585 = tpu.memref_slice %arg5[%dma_wait3A_584] : memref<45824xf32, #tpu.memory_space<hbm>> -> memref<64xf32, #tpu.memory_space<hbm>>
      tpu.wait_dma2 semaphore(%run_scoped3A : memref<!tpu.dma_semaphore, #tpu.memory_space<semaphore_mem>>) src(%dma_wait3A_585 : memref<64xf32, #tpu.memory_space<hbm>>) dst(%arg15 : memref<64xf32, #tpu.memory_space<vmem>>)
      tpu.yield
    }) : () -> ()
    "tpu.region"() ({
      %run_scoped3A = tpu.sem_alloc : memref<!tpu.dma_semaphore, #tpu.memory_space<semaphore_mem>>
      %dma_start3A_578 = arith.constant 45760 : i32
      %dma_start3A_579 = tpu.memref_slice %arg5[%dma_start3A_578] : memref<45824xf32, #tpu.memory_space<hbm>> -> memref<64xf32, #tpu.memory_space<hbm>>
      %dma_start3A_580 = arith.constant 45760 : i32
      %dma_start3A_581 = tpu.memref_slice %arg5[%dma_start3A_580] : memref<45824xf32, #tpu.memory_space<hbm>> -> memref<64xf32, #tpu.memory_space<hbm>>
      tpu.enqueue_dma source(%dma_start3A_581 : memref<64xf32, #tpu.memory_space<hbm>>) target(%arg16 : memref<64xf32, #tpu.memory_space<vmem>>) target_semaphore(%run_scoped3A : memref<!tpu.dma_semaphore, #tpu.memory_space<semaphore_mem>>)
      %dma_wait3A_582 = arith.constant 45760 : i32
      %dma_wait3A_583 = tpu.memref_slice %arg5[%dma_wait3A_582] : memref<45824xf32, #tpu.memory_space<hbm>> -> memref<64xf32, #tpu.memory_space<hbm>>
      %dma_wait3A_584 = arith.constant 45760 : i32
      %dma_wait3A_585 = tpu.memref_slice %arg5[%dma_wait3A_584] : memref<45824xf32, #tpu.memory_space<hbm>> -> memref<64xf32, #tpu.memory_space<hbm>>
      tpu.wait_dma2 semaphore(%run_scoped3A : memref<!tpu.dma_semaphore, #tpu.memory_space<semaphore_mem>>) src(%dma_wait3A_585 : memref<64xf32, #tpu.memory_space<hbm>>) dst(%arg16 : memref<64xf32, #tpu.memory_space<vmem>>)
      tpu.yield
    }) : () -> ()
    %get3A = arith.constant 0 : index
    %get3A_1 = tpu.vector_load %arg14[%get3A] {strides = array<i32>} : memref<128xf32, #tpu.memory_space<vmem>>, vector<16xf32>,
    %get3A_2 = arith.constant 16 : index
    %get3A_3 = tpu.vector_load %arg14[%get3A_2] {strides = array<i32>} : memref<128xf32, #tpu.memory_space<vmem>>, vector<16xf32>,
    %get3A_4 = arith.constant 32 : index
    %get3A_5 = tpu.vector_load %arg14[%get3A_4] {strides = array<i32>} : memref<128xf32, #tpu.memory_space<vmem>>, vector<16xf32>,
    %get3A_6 = arith.constant 48 : index
    %get3A_7 = tpu.vector_load %arg14[%get3A_6] {strides = array<i32>} : memref<128xf32, #tpu.memory_space<vmem>>, vector<16xf32>,
    %get3A_8 = arith.constant 64 : index
    %get3A_9 = tpu.vector_load %arg14[%get3A_8] {strides = array<i32>} : memref<128xf32, #tpu.memory_space<vmem>>, vector<16xf32>,
    %sub3A = arith.subf %get3A_9, %get3A_1 : vector<16xf32>
    %get3A_10 = arith.constant 80 : index
    %get3A_11 = tpu.vector_load %arg14[%get3A_10] {strides = array<i32>} : memref<128xf32, #tpu.memory_space<vmem>>, vector<16xf32>,
    %sub3A_12 = arith.subf %get3A_11, %get3A_3 : vector<16xf32>
    %get3A_13 = arith.constant 96 : index
    %get3A_14 = tpu.vector_load %arg14[%get3A_13] {strides = array<i32>} : memref<128xf32, #tpu.memory_space<vmem>>, vector<16xf32>,
    %sub3A_15 = arith.subf %get3A_14, %get3A_5 : vector<16xf32>
    %get3A_16 = arith.constant 112 : index
    %get3A_17 = tpu.vector_load %arg14[%get3A_16] {strides = array<i32>} : memref<128xf32, #tpu.memory_space<vmem>>, vector<16xf32>,
    %sub3A_18 = arith.subf %get3A_17, %get3A_7 : vector<16xf32>
    %get3A_19 = arith.constant 0 : index
    %get3A_20 = tpu.vector_load %arg15[%get3A_19] {strides = array<i32>} : memref<64xf32, #tpu.memory_space<vmem>>, vector<16xf32>,
    %get3A_21 = arith.constant 16 : index
    %get3A_22 = tpu.vector_load %arg15[%get3A_21] {strides = array<i32>} : memref<64xf32, #tpu.memory_space<vmem>>, vector<16xf32>,
    %get3A_23 = arith.constant 32 : index
    %get3A_24 = tpu.vector_load %arg15[%get3A_23] {strides = array<i32>} : memref<64xf32, #tpu.memory_space<vmem>>, vector<16xf32>,
    %get3A_25 = arith.constant 48 : index
    %get3A_26 = tpu.vector_load %arg15[%get3A_25] {strides = array<i32>} : memref<64xf32, #tpu.memory_space<vmem>>, vector<16xf32>,
    %get3A_27 = arith.constant 0 : index
    %get3A_28 = tpu.vector_load %arg16[%get3A_27] {strides = array<i32>} : memref<64xf32, #tpu.memory_space<vmem>>, vector<16xf32>,
    %get3A_29 = arith.constant 16 : index
    %get3A_30 = tpu.vector_load %arg16[%get3A_29] {strides = array<i32>} : memref<64xf32, #tpu.memory_space<vmem>>, vector<16xf32>,
    %get3A_31 = arith.constant 32 : index
    %get3A_32 = tpu.vector_load %arg16[%get3A_31] {strides = array<i32>} : memref<64xf32, #tpu.memory_space<vmem>>, vector<16xf32>,
    %get3A_33 = arith.constant 48 : index
    %get3A_34 = tpu.vector_load %arg16[%get3A_33] {strides = array<i32>} : memref<64xf32, #tpu.memory_space<vmem>>, vector<16xf32>,
    %mul3A_35 = arith.constant 128 : i32
    %mul3A_36 = arith.muli %add3A, %mul3A_35 : i32
    %multiple_of3A = tpu.assume_multiple %mul3A_36, 8 : i32
    %multiple_of3A_37 = tpu.assume_multiple %multiple_of3A, 8 : i32
    "tpu.region"() ({
      %run_scoped3A = tpu.sem_alloc : memref<!tpu.dma_semaphore, #tpu.memory_space<semaphore_mem>>
      %dma_start3A_578 = arith.constant 0 : i32
      %dma_start3A_579 = tpu.memref_slice %arg2[%multiple_of3A_37, %dma_start3A_578] : memref<4096x200xi32, #tpu.memory_space<hbm>> -> memref<8x200xi32, #tpu.memory_space<hbm>>
      %dma_start3A_580 = arith.constant 0 : i32
      %dma_start3A_581 = tpu.memref_slice %arg2[%multiple_of3A_37, %dma_start3A_580] : memref<4096x200xi32, #tpu.memory_space<hbm>> -> memref<8x200xi32, #tpu.memory_space<hbm>>
      tpu.enqueue_dma source(%dma_start3A_581 : memref<8x200xi32, #tpu.memory_space<hbm>>) target(%arg7 : memref<8x200xi32, #tpu.memory_space<vmem>>) target_semaphore(%run_scoped3A : memref<!tpu.dma_semaphore, #tpu.memory_space<semaphore_mem>>)
      %dma_wait3A_582 = arith.constant 0 : i32
      %dma_wait3A_583 = tpu.memref_slice %arg2[%multiple_of3A_37, %dma_wait3A_582] : memref<4096x200xi32, #tpu.memory_space<hbm>> -> memref<8x200xi32, #tpu.memory_space<hbm>>
      %dma_wait3A_584 = arith.constant 0 : i32
      %dma_wait3A_585 = tpu.memref_slice %arg2[%multiple_of3A_37, %dma_wait3A_584] : memref<4096x200xi32, #tpu.memory_space<hbm>> -> memref<8x200xi32, #tpu.memory_space<hbm>>
      tpu.wait_dma2 semaphore(%run_scoped3A : memref<!tpu.dma_semaphore, #tpu.memory_space<semaphore_mem>>) src(%dma_wait3A_585 : memref<8x200xi32, #tpu.memory_space<hbm>>) dst(%arg7 : memref<8x200xi32, #tpu.memory_space<vmem>>)
      tpu.yield
    }) : () -> ()
    "tpu.region"() ({
      %run_scoped3A = tpu.sem_alloc : memref<!tpu.dma_semaphore, #tpu.memory_space<semaphore_mem>>
      %dma_start3A_578 = arith.constant 0 : i32
      %dma_start3A_579 = tpu.memref_slice %arg3[%multiple_of3A_37, %dma_start3A_578] : memref<4096x200xi32, #tpu.memory_space<hbm>> -> memref<8x200xi32, #tpu.memory_space<hbm>>
      %dma_start3A_580 = arith.constant 0 : i32
      %dma_start3A_581 = tpu.memref_slice %arg3[%multiple_of3A_37, %dma_start3A_580] : memref<4096x200xi32, #tpu.memory_space<hbm>> -> memref<8x200xi32, #tpu.memory_space<hbm>>
      tpu.enqueue_dma source(%dma_start3A_581 : memref<8x200xi32, #tpu.memory_space<hbm>>) target(%arg8 : memref<8x200xi32, #tpu.memory_space<vmem>>) target_semaphore(%run_scoped3A : memref<!tpu.dma_semaphore, #tpu.memory_space<semaphore_mem>>)
      %dma_wait3A_582 = arith.constant 0 : i32
      %dma_wait3A_583 = tpu.memref_slice %arg3[%multiple_of3A_37, %dma_wait3A_582] : memref<4096x200xi32, #tpu.memory_space<hbm>> -> memref<8x200xi32, #tpu.memory_space<hbm>>
      %dma_wait3A_584 = arith.constant 0 : i32
      %dma_wait3A_585 = tpu.memref_slice %arg3[%multiple_of3A_37, %dma_wait3A_584] : memref<4096x200xi32, #tpu.memory_space<hbm>> -> memref<8x200xi32, #tpu.memory_space<hbm>>
      tpu.wait_dma2 semaphore(%run_scoped3A : memref<!tpu.dma_semaphore, #tpu.memory_space<semaphore_mem>>) src(%dma_wait3A_585 : memref<8x200xi32, #tpu.memory_space<hbm>>) dst(%arg8 : memref<8x200xi32, #tpu.memory_space<vmem>>)
      tpu.yield
    }) : () -> ()
    %and3A = arith.constant 0 : i32
    %and3A_38 = arith.constant 7 : i32
    %and3A_39 = arith.andi %and3A, %and3A_38 : i32
    %and3A_40 = arith.constant 0 : i32
    %and3A_41 = arith.constant 1 : i32
    %and3A_42 = arith.andi %and3A_40, %and3A_41 : i32
    %mul3A_43 = arith.constant 208 : i32
    %mul3A_44 = arith.muli %and3A_42, %mul3A_43 : i32
    %multiple_of3A_45 = tpu.assume_multiple %mul3A_44, 16 : i32
    %get3A_46 = arith.index_cast %and3A_39 : i32 to index
    %get3A_47 = arith.constant 0 : index
    %get3A_48 = tpu.vector_load %arg8[%get3A_46, %get3A_47] {strides = array<i32>} : memref<8x200xi32, #tpu.memory_space<vmem>>, vector<16xi32>,
    %get3A_49 = arith.index_cast %and3A_39 : i32 to index
    %get3A_50 = arith.constant 0 : index
    %get3A_51 = tpu.vector_load %arg7[%get3A_49, %get3A_50] {strides = array<i32>} : memref<8x200xi32, #tpu.memory_space<vmem>>, vector<16xi32>,
    %add3A_52 = arith.constant 0 : i32
    %add3A_53 = arith.addi %multiple_of3A_45, %add3A_52 : i32
    %broadcast_in_dim3A = arith.constant 0 : i32
    %broadcast_in_dim3A_54 = vector.broadcast %broadcast_in_dim3A : i32 to vector<16xi32>
    %broadcast_in_dim3A_55 = arith.constant true
    %broadcast_in_dim3A_56 = vector.broadcast %broadcast_in_dim3A_55 : i1 to vector<16xi1>
    %masked_cumsum3A = tpu.scan <sum>, %get3A_48 masked %broadcast_in_dim3A_56 : vector<16xi32>, vector<16xi1> -> vector<16xi32>
    %add3A_57 = arith.addi %masked_cumsum3A, %broadcast_in_dim3A_54 : vector<16xi32>
    %shift_left3A = arith.constant 8 : i32
    %shift_left3A_58 = vector.broadcast %shift_left3A : i32 to vector<16xi32>
    %shift_left3A_59 = arith.shli %add3A_57, %shift_left3A_58 : vector<16xi32>
    %and3A_60 = arith.constant 1 : i32
    %and3A_61 = vector.broadcast %and3A_60 : i32 to vector<16xi32>
    %and3A_62 = arith.andi %get3A_51, %and3A_61 : vector<16xi32>
    %shift_left3A_63 = arith.constant 7 : i32
    %shift_left3A_64 = vector.broadcast %shift_left3A_63 : i32 to vector<16xi32>
    %shift_left3A_65 = arith.shli %and3A_62, %shift_left3A_64 : vector<16xi32>
    %or3A = arith.ori %shift_left3A_59, %shift_left3A_65 : vector<16xi32>
    %shift_left3A_66 = arith.constant 6 : i32
    %shift_left3A_67 = vector.broadcast %shift_left3A_66 : i32 to vector<16xi32>
    %shift_left3A_68 = arith.shli %get3A_48, %shift_left3A_67 : vector<16xi32>
    %or3A_69 = arith.ori %or3A, %shift_left3A_68 : vector<16xi32>
    %swap3A = arith.index_cast %add3A_53 : i32 to index
    %swap3A_70 = tpu.vector_load %arg10[%swap3A] {strides = array<i32>} : memref<416xi32, #tpu.memory_space<vmem>>, vector<16xi32>,
    tpu.vector_store %arg10[%swap3A], %or3A_69 {strides = array<i32>} : memref<416xi32, #tpu.memory_space<vmem>>, vector<16xi32>,
    %shift_right_logical3A = arith.constant 1 : i32
    %shift_right_logical3A_71 = vector.broadcast %shift_right_logical3A : i32 to vector<16xi32>
    %shift_right_logical3A_72 = arith.shrui %get3A_51, %shift_right_logical3A_71 : vector<16xi32>
    %swap3A_73 = arith.index_cast %add3A_53 : i32 to index
    %swap3A_74 = tpu.vector_load %arg9[%swap3A_73] {strides = array<i32>} : memref<416xi32, #tpu.memory_space<vmem>>, vector<16xi32>,
    tpu.vector_store %arg9[%swap3A_73], %shift_right_logical3A_72 {strides = array<i32>} : memref<416xi32, #tpu.memory_space<vmem>>, vector<16xi32>,
    %reduce_sum3A = arith.constant true
    %reduce_sum3A_75 = vector.broadcast %reduce_sum3A : i1 to vector<16xi1>
    %reduce_sum3A_76 = tpu.scan <sum>, %get3A_48 masked %reduce_sum3A_75 : vector<16xi32>, vector<16xi1> -> vector<16xi32>
    %reduce_sum3A_77 = vector.extract %reduce_sum3A_76[15] : i32 from vector<16xi32>
    %add3A_78 = arith.constant 0 : i32
    %add3A_79 = arith.addi %add3A_78, %reduce_sum3A_77 : i32
    %get3A_80 = arith.index_cast %and3A_39 : i32 to index
    %get3A_81 = arith.constant 16 : index
    %get3A_82 = tpu.vector_load %arg8[%get3A_80, %get3A_81] {strides = array<i32>} : memref<8x200xi32, #tpu.memory_space<vmem>>, vector<16xi32>,
    %get3A_83 = arith.index_cast %and3A_39 : i32 to index
    %get3A_84 = arith.constant 16 : index
    %get3A_85 = tpu.vector_load %arg7[%get3A_83, %get3A_84] {strides = array<i32>} : memref<8x200xi32, #tpu.memory_space<vmem>>, vector<16xi32>,
    %add3A_86 = arith.constant 16 : i32
    %add3A_87 = arith.addi %multiple_of3A_45, %add3A_86 : i32
    %broadcast_in_dim3A_88 = vector.broadcast %add3A_79 : i32 to vector<16xi32>
    %broadcast_in_dim3A_89 = arith.constant true
    %broadcast_in_dim3A_90 = vector.broadcast %broadcast_in_dim3A_89 : i1 to vector<16xi1>
    %masked_cumsum3A_91 = tpu.scan <sum>, %get3A_82 masked %broadcast_in_dim3A_90 : vector<16xi32>, vector<16xi1> -> vector<16xi32>
    %add3A_92 = arith.addi %masked_cumsum3A_91, %broadcast_in_dim3A_88 : vector<16xi32>
    %shift_left3A_93 = arith.constant 8 : i32
    %shift_left3A_94 = vector.broadcast %shift_left3A_93 : i32 to vector<16xi32>
    %shift_left3A_95 = arith.shli %add3A_92, %shift_left3A_94 : vector<16xi32>
    %and3A_96 = arith.constant 1 : i32
    %and3A_97 = vector.broadcast %and3A_96 : i32 to vector<16xi32>
    %and3A_98 = arith.andi %get3A_85, %and3A_97 : vector<16xi32>
    %shift_left3A_99 = arith.constant 7 : i32
    %shift_left3A_100 = vector.broadcast %shift_left3A_99 : i32 to vector<16xi32>
    %shift_left3A_101 = arith.shli %and3A_98, %shift_left3A_100 : vector<16xi32>
    %or3A_102 = arith.ori %shift_left3A_95, %shift_left3A_101 : vector<16xi32>
    %shift_left3A_103 = arith.constant 6 : i32
    %shift_left3A_104 = vector.broadcast %shift_left3A_103 : i32 to vector<16xi32>
    %shift_left3A_105 = arith.shli %get3A_82, %shift_left3A_104 : vector<16xi32>
    %or3A_106 = arith.ori %or3A_102, %shift_left3A_105 : vector<16xi32>
    %swap3A_107 = arith.index_cast %add3A_87 : i32 to index
    %swap3A_108 = tpu.vector_load %arg10[%swap3A_107] {strides = array<i32>} : memref<416xi32, #tpu.memory_space<vmem>>, vector<16xi32>,
    tpu.vector_store %arg10[%swap3A_107], %or3A_106 {strides = array<i32>} : memref<416xi32, #tpu.memory_space<vmem>>, vector<16xi32>,
    %shift_right_logical3A_109 = arith.constant 1 : i32
    %shift_right_logical3A_110 = vector.broadcast %shift_right_logical3A_109 : i32 to vector<16xi32>
    %shift_right_logical3A_111 = arith.shrui %get3A_85, %shift_right_logical3A_110 : vector<16xi32>
    %swap3A_112 = arith.index_cast %add3A_87 : i32 to index
    %swap3A_113 = tpu.vector_load %arg9[%swap3A_112] {strides = array<i32>} : memref<416xi32, #tpu.memory_space<vmem>>, vector<16xi32>,
    tpu.vector_store %arg9[%swap3A_112], %shift_right_logical3A_111 {strides = array<i32>} : memref<416xi32, #tpu.memory_space<vmem>>, vector<16xi32>,
    %reduce_sum3A_114 = arith.constant true
    %reduce_sum3A_115 = vector.broadcast %reduce_sum3A_114 : i1 to vector<16xi1>
    %reduce_sum3A_116 = tpu.scan <sum>, %get3A_82 masked %reduce_sum3A_115 : vector<16xi32>, vector<16xi1> -> vector<16xi32>
    %reduce_sum3A_117 = vector.extract %reduce_sum3A_116[15] : i32 from vector<16xi32>
    %add3A_118 = arith.addi %add3A_79, %reduce_sum3A_117 : i32
    %get3A_119 = arith.index_cast %and3A_39 : i32 to index
    %get3A_120 = arith.constant 32 : index
    %get3A_121 = tpu.vector_load %arg8[%get3A_119, %get3A_120] {strides = array<i32>} : memref<8x200xi32, #tpu.memory_space<vmem>>, vector<16xi32>,
    %get3A_122 = arith.index_cast %and3A_39 : i32 to index
    %get3A_123 = arith.constant 32 : index
    %get3A_124 = tpu.vector_load %arg7[%get3A_122, %get3A_123] {strides = array<i32>} : memref<8x200xi32, #tpu.memory_space<vmem>>, vector<16xi32>,
    %add3A_125 = arith.constant 32 : i32
    %add3A_126 = arith.addi %multiple_of3A_45, %add3A_125 : i32
    %broadcast_in_dim3A_127 = vector.broadcast %add3A_118 : i32 to vector<16xi32>
    %broadcast_in_dim3A_128 = arith.constant true
    %broadcast_in_dim3A_129 = vector.broadcast %broadcast_in_dim3A_128 : i1 to vector<16xi1>
    %masked_cumsum3A_130 = tpu.scan <sum>, %get3A_121 masked %broadcast_in_dim3A_129 : vector<16xi32>, vector<16xi1> -> vector<16xi32>
    %add3A_131 = arith.addi %masked_cumsum3A_130, %broadcast_in_dim3A_127 : vector<16xi32>
    %shift_left3A_132 = arith.constant 8 : i32
    %shift_left3A_133 = vector.broadcast %shift_left3A_132 : i32 to vector<16xi32>
    %shift_left3A_134 = arith.shli %add3A_131, %shift_left3A_133 : vector<16xi32>
    %and3A_135 = arith.constant 1 : i32
    %and3A_136 = vector.broadcast %and3A_135 : i32 to vector<16xi32>
    %and3A_137 = arith.andi %get3A_124, %and3A_136 : vector<16xi32>
    %shift_left3A_138 = arith.constant 7 : i32
    %shift_left3A_139 = vector.broadcast %shift_left3A_138 : i32 to vector<16xi32>
    %shift_left3A_140 = arith.shli %and3A_137, %shift_left3A_139 : vector<16xi32>
    %or3A_141 = arith.ori %shift_left3A_134, %shift_left3A_140 : vector<16xi32>
    %shift_left3A_142 = arith.constant 6 : i32
    %shift_left3A_143 = vector.broadcast %shift_left3A_142 : i32 to vector<16xi32>
    %shift_left3A_144 = arith.shli %get3A_121, %shift_left3A_143 : vector<16xi32>
    %or3A_145 = arith.ori %or3A_141, %shift_left3A_144 : vector<16xi32>
    %swap3A_146 = arith.index_cast %add3A_126 : i32 to index
    %swap3A_147 = tpu.vector_load %arg10[%swap3A_146] {strides = array<i32>} : memref<416xi32, #tpu.memory_space<vmem>>, vector<16xi32>,
    tpu.vector_store %arg10[%swap3A_146], %or3A_145 {strides = array<i32>} : memref<416xi32, #tpu.memory_space<vmem>>, vector<16xi32>,
    %shift_right_logical3A_148 = arith.constant 1 : i32
    %shift_right_logical3A_149 = vector.broadcast %shift_right_logical3A_148 : i32 to vector<16xi32>
    %shift_right_logical3A_150 = arith.shrui %get3A_124, %shift_right_logical3A_149 : vector<16xi32>
    %swap3A_151 = arith.index_cast %add3A_126 : i32 to index
    %swap3A_152 = tpu.vector_load %arg9[%swap3A_151] {strides = array<i32>} : memref<416xi32, #tpu.memory_space<vmem>>, vector<16xi32>,
    tpu.vector_store %arg9[%swap3A_151], %shift_right_logical3A_150 {strides = array<i32>} : memref<416xi32, #tpu.memory_space<vmem>>, vector<16xi32>,
    %reduce_sum3A_153 = arith.constant true
    %reduce_sum3A_154 = vector.broadcast %reduce_sum3A_153 : i1 to vector<16xi1>
    %reduce_sum3A_155 = tpu.scan <sum>, %get3A_121 masked %reduce_sum3A_154 : vector<16xi32>, vector<16xi1> -> vector<16xi32>
    %reduce_sum3A_156 = vector.extract %reduce_sum3A_155[15] : i32 from vector<16xi32>
    %add3A_157 = arith.addi %add3A_118, %reduce_sum3A_156 : i32
    %get3A_158 = arith.index_cast %and3A_39 : i32 to index
    %get3A_159 = arith.constant 48 : index
    %get3A_160 = tpu.vector_load %arg8[%get3A_158, %get3A_159] {strides = array<i32>} : memref<8x200xi32, #tpu.memory_space<vmem>>, vector<16xi32>,
    %get3A_161 = arith.index_cast %and3A_39 : i32 to index
    %get3A_162 = arith.constant 48 : index
    %get3A_163 = tpu.vector_load %arg7[%get3A_161, %get3A_162] {strides = array<i32>} : memref<8x200xi32, #tpu.memory_space<vmem>>, vector<16xi32>,
    %add3A_164 = arith.constant 48 : i32
    %add3A_165 = arith.addi %multiple_of3A_45, %add3A_164 : i32
    %broadcast_in_dim3A_166 = vector.broadcast %add3A_157 : i32 to vector<16xi32>
    %broadcast_in_dim3A_167 = arith.constant true
    %broadcast_in_dim3A_168 = vector.broadcast %broadcast_in_dim3A_167 : i1 to vector<16xi1>
    %masked_cumsum3A_169 = tpu.scan <sum>, %get3A_160 masked %broadcast_in_dim3A_168 : vector<16xi32>, vector<16xi1> -> vector<16xi32>
    %add3A_170 = arith.addi %masked_cumsum3A_169, %broadcast_in_dim3A_166 : vector<16xi32>
    %shift_left3A_171 = arith.constant 8 : i32
    %shift_left3A_172 = vector.broadcast %shift_left3A_171 : i32 to vector<16xi32>
    %shift_left3A_173 = arith.shli %add3A_170, %shift_left3A_172 : vector<16xi32>
    %and3A_174 = arith.constant 1 : i32
    %and3A_175 = vector.broadcast %and3A_174 : i32 to vector<16xi32>
    %and3A_176 = arith.andi %get3A_163, %and3A_175 : vector<16xi32>
    %shift_left3A_177 = arith.constant 7 : i32
    %shift_left3A_178 = vector.broadcast %shift_left3A_177 : i32 to vector<16xi32>
    %shift_left3A_179 = arith.shli %and3A_176, %shift_left3A_178 : vector<16xi32>
    %or3A_180 = arith.ori %shift_left3A_173, %shift_left3A_179 : vector<16xi32>
    %shift_left3A_181 = arith.constant 6 : i32
    %shift_left3A_182 = vector.broadcast %shift_left3A_181 : i32 to vector<16xi32>
    %shift_left3A_183 = arith.shli %get3A_160, %shift_left3A_182 : vector<16xi32>
    %or3A_184 = arith.ori %or3A_180, %shift_left3A_183 : vector<16xi32>
    %swap3A_185 = arith.index_cast %add3A_165 : i32 to index
    %swap3A_186 = tpu.vector_load %arg10[%swap3A_185] {strides = array<i32>} : memref<416xi32, #tpu.memory_space<vmem>>, vector<16xi32>,
    tpu.vector_store %arg10[%swap3A_185], %or3A_184 {strides = array<i32>} : memref<416xi32, #tpu.memory_space<vmem>>, vector<16xi32>,
    %shift_right_logical3A_187 = arith.constant 1 : i32
    %shift_right_logical3A_188 = vector.broadcast %shift_right_logical3A_187 : i32 to vector<16xi32>
    %shift_right_logical3A_189 = arith.shrui %get3A_163, %shift_right_logical3A_188 : vector<16xi32>
    %swap3A_190 = arith.index_cast %add3A_165 : i32 to index
    %swap3A_191 = tpu.vector_load %arg9[%swap3A_190] {strides = array<i32>} : memref<416xi32, #tpu.memory_space<vmem>>, vector<16xi32>,
    tpu.vector_store %arg9[%swap3A_190], %shift_right_logical3A_189 {strides = array<i32>} : memref<416xi32, #tpu.memory_space<vmem>>, vector<16xi32>,
    %reduce_sum3A_192 = arith.constant true
    %reduce_sum3A_193 = vector.broadcast %reduce_sum3A_192 : i1 to vector<16xi1>
    %reduce_sum3A_194 = tpu.scan <sum>, %get3A_160 masked %reduce_sum3A_193 : vector<16xi32>, vector<16xi1> -> vector<16xi32>
    %reduce_sum3A_195 = vector.extract %reduce_sum3A_194[15] : i32 from vector<16xi32>
    %add3A_196 = arith.addi %add3A_157, %reduce_sum3A_195 : i32
    %get3A_197 = arith.index_cast %and3A_39 : i32 to index
    %get3A_198 = arith.constant 64 : index
    %get3A_199 = tpu.vector_load %arg8[%get3A_197, %get3A_198] {strides = array<i32>} : memref<8x200xi32, #tpu.memory_space<vmem>>, vector<16xi32>,
    %get3A_200 = arith.index_cast %and3A_39 : i32 to index
    %get3A_201 = arith.constant 64 : index
    %get3A_202 = tpu.vector_load %arg7[%get3A_200, %get3A_201] {strides = array<i32>} : memref<8x200xi32, #tpu.memory_space<vmem>>, vector<16xi32>,
    %add3A_203 = arith.constant 64 : i32
    %add3A_204 = arith.addi %multiple_of3A_45, %add3A_203 : i32
    %broadcast_in_dim3A_205 = vector.broadcast %add3A_196 : i32 to vector<16xi32>
    %broadcast_in_dim3A_206 = arith.constant true
    %broadcast_in_dim3A_207 = vector.broadcast %broadcast_in_dim3A_206 : i1 to vector<16xi1>
    %masked_cumsum3A_208 = tpu.scan <sum>, %get3A_199 masked %broadcast_in_dim3A_207 : vector<16xi32>, vector<16xi1> -> vector<16xi32>
    %add3A_209 = arith.addi %masked_cumsum3A_208, %broadcast_in_dim3A_205 : vector<16xi32>
    %shift_left3A_210 = arith.constant 8 : i32
    %shift_left3A_211 = vector.broadcast %shift_left3A_210 : i32 to vector<16xi32>
    %shift_left3A_212 = arith.shli %add3A_209, %shift_left3A_211 : vector<16xi32>
    %and3A_213 = arith.constant 1 : i32
    %and3A_214 = vector.broadcast %and3A_213 : i32 to vector<16xi32>
    %and3A_215 = arith.andi %get3A_202, %and3A_214 : vector<16xi32>
    %shift_left3A_216 = arith.constant 7 : i32
    %shift_left3A_217 = vector.broadcast %shift_left3A_216 : i32 to vector<16xi32>
    %shift_left3A_218 = arith.shli %and3A_215, %shift_left3A_217 : vector<16xi32>
    %or3A_219 = arith.ori %shift_left3A_212, %shift_left3A_218 : vector<16xi32>
    %shift_left3A_220 = arith.constant 6 : i32
    %shift_left3A_221 = vector.broadcast %shift_left3A_220 : i32 to vector<16xi32>
    %shift_left3A_222 = arith.shli %get3A_199, %shift_left3A_221 : vector<16xi32>
    %or3A_223 = arith.ori %or3A_219, %shift_left3A_222 : vector<16xi32>
    %swap3A_224 = arith.index_cast %add3A_204 : i32 to index
    %swap3A_225 = tpu.vector_load %arg10[%swap3A_224] {strides = array<i32>} : memref<416xi32, #tpu.memory_space<vmem>>, vector<16xi32>,
    tpu.vector_store %arg10[%swap3A_224], %or3A_223 {strides = array<i32>} : memref<416xi32, #tpu.memory_space<vmem>>, vector<16xi32>,
    %shift_right_logical3A_226 = arith.constant 1 : i32
    %shift_right_logical3A_227 = vector.broadcast %shift_right_logical3A_226 : i32 to vector<16xi32>
    %shift_right_logical3A_228 = arith.shrui %get3A_202, %shift_right_logical3A_227 : vector<16xi32>
    %swap3A_229 = arith.index_cast %add3A_204 : i32 to index
    %swap3A_230 = tpu.vector_load %arg9[%swap3A_229] {strides = array<i32>} : memref<416xi32, #tpu.memory_space<vmem>>, vector<16xi32>,
    tpu.vector_store %arg9[%swap3A_229], %shift_right_logical3A_228 {strides = array<i32>} : memref<416xi32, #tpu.memory_space<vmem>>, vector<16xi32>,
    %reduce_sum3A_231 = arith.constant true
    %reduce_sum3A_232 = vector.broadcast %reduce_sum3A_231 : i1 to vector<16xi1>
    %reduce_sum3A_233 = tpu.scan <sum>, %get3A_199 masked %reduce_sum3A_232 : vector<16xi32>, vector<16xi1> -> vector<16xi32>
    %reduce_sum3A_234 = vector.extract %reduce_sum3A_233[15] : i32 from vector<16xi32>
    %add3A_235 = arith.addi %add3A_196, %reduce_sum3A_234 : i32
    %get3A_236 = arith.index_cast %and3A_39 : i32 to index
    %get3A_237 = arith.constant 80 : index
    %get3A_238 = tpu.vector_load %arg8[%get3A_236, %get3A_237] {strides = array<i32>} : memref<8x200xi32, #tpu.memory_space<vmem>>, vector<16xi32>,
    %get3A_239 = arith.index_cast %and3A_39 : i32 to index
    %get3A_240 = arith.constant 80 : index
    %get3A_241 = tpu.vector_load %arg7[%get3A_239, %get3A_240] {strides = array<i32>} : memref<8x200xi32, #tpu.memory_space<vmem>>, vector<16xi32>,
    %add3A_242 = arith.constant 80 : i32
    %add3A_243 = arith.addi %multiple_of3A_45, %add3A_242 : i32
    %broadcast_in_dim3A_244 = vector.broadcast %add3A_235 : i32 to vector<16xi32>
    %broadcast_in_dim3A_245 = arith.constant true
    %broadcast_in_dim3A_246 = vector.broadcast %broadcast_in_dim3A_245 : i1 to vector<16xi1>
    %masked_cumsum3A_247 = tpu.scan <sum>, %get3A_238 masked %broadcast_in_dim3A_246 : vector<16xi32>, vector<16xi1> -> vector<16xi32>
    %add3A_248 = arith.addi %masked_cumsum3A_247, %broadcast_in_dim3A_244 : vector<16xi32>
    %shift_left3A_249 = arith.constant 8 : i32
    %shift_left3A_250 = vector.broadcast %shift_left3A_249 : i32 to vector<16xi32>
    %shift_left3A_251 = arith.shli %add3A_248, %shift_left3A_250 : vector<16xi32>
    %and3A_252 = arith.constant 1 : i32
    %and3A_253 = vector.broadcast %and3A_252 : i32 to vector<16xi32>
    %and3A_254 = arith.andi %get3A_241, %and3A_253 : vector<16xi32>
    %shift_left3A_255 = arith.constant 7 : i32
    %shift_left3A_256 = vector.broadcast %shift_left3A_255 : i32 to vector<16xi32>
    %shift_left3A_257 = arith.shli %and3A_254, %shift_left3A_256 : vector<16xi32>
    %or3A_258 = arith.ori %shift_left3A_251, %shift_left3A_257 : vector<16xi32>
    %shift_left3A_259 = arith.constant 6 : i32
    %shift_left3A_260 = vector.broadcast %shift_left3A_259 : i32 to vector<16xi32>
    %shift_left3A_261 = arith.shli %get3A_238, %shift_left3A_260 : vector<16xi32>
    %or3A_262 = arith.ori %or3A_258, %shift_left3A_261 : vector<16xi32>
    %swap3A_263 = arith.index_cast %add3A_243 : i32 to index
    %swap3A_264 = tpu.vector_load %arg10[%swap3A_263] {strides = array<i32>} : memref<416xi32, #tpu.memory_space<vmem>>, vector<16xi32>,
    tpu.vector_store %arg10[%swap3A_263], %or3A_262 {strides = array<i32>} : memref<416xi32, #tpu.memory_space<vmem>>, vector<16xi32>,
    %shift_right_logical3A_265 = arith.constant 1 : i32
    %shift_right_logical3A_266 = vector.broadcast %shift_right_logical3A_265 : i32 to vector<16xi32>
    %shift_right_logical3A_267 = arith.shrui %get3A_241, %shift_right_logical3A_266 : vector<16xi32>
    %swap3A_268 = arith.index_cast %add3A_243 : i32 to index
    %swap3A_269 = tpu.vector_load %arg9[%swap3A_268] {strides = array<i32>} : memref<416xi32, #tpu.memory_space<vmem>>, vector<16xi32>,
    tpu.vector_store %arg9[%swap3A_268], %shift_right_logical3A_267 {strides = array<i32>} : memref<416xi32, #tpu.memory_space<vmem>>, vector<16xi32>,
    %reduce_sum3A_270 = arith.constant true
    %reduce_sum3A_271 = vector.broadcast %reduce_sum3A_270 : i1 to vector<16xi1>
    %reduce_sum3A_272 = tpu.scan <sum>, %get3A_238 masked %reduce_sum3A_271 : vector<16xi32>, vector<16xi1> -> vector<16xi32>
    %reduce_sum3A_273 = vector.extract %reduce_sum3A_272[15] : i32 from vector<16xi32>
    %add3A_274 = arith.addi %add3A_235, %reduce_sum3A_273 : i32
    %get3A_275 = arith.index_cast %and3A_39 : i32 to index
    %get3A_276 = arith.constant 96 : index
    %get3A_277 = tpu.vector_load %arg8[%get3A_275, %get3A_276] {strides = array<i32>} : memref<8x200xi32, #tpu.memory_space<vmem>>, vector<16xi32>,
    %get3A_278 = arith.index_cast %and3A_39 : i32 to index
    %get3A_279 = arith.constant 96 : index
    %get3A_280 = tpu.vector_load %arg7[%get3A_278, %get3A_279] {strides = array<i32>} : memref<8x200xi32, #tpu.memory_space<vmem>>, vector<16xi32>,
    %add3A_281 = arith.constant 96 : i32
    %add3A_282 = arith.addi %multiple_of3A_45, %add3A_281 : i32
    %broadcast_in_dim3A_283 = vector.broadcast %add3A_274 : i32 to vector<16xi32>
    %broadcast_in_dim3A_284 = arith.constant true
    %broadcast_in_dim3A_285 = vector.broadcast %broadcast_in_dim3A_284 : i1 to vector<16xi1>
    %masked_cumsum3A_286 = tpu.scan <sum>, %get3A_277 masked %broadcast_in_dim3A_285 : vector<16xi32>, vector<16xi1> -> vector<16xi32>
    %add3A_287 = arith.addi %masked_cumsum3A_286, %broadcast_in_dim3A_283 : vector<16xi32>
    %shift_left3A_288 = arith.constant 8 : i32
    %shift_left3A_289 = vector.broadcast %shift_left3A_288 : i32 to vector<16xi32>
    %shift_left3A_290 = arith.shli %add3A_287, %shift_left3A_289 : vector<16xi32>
    %and3A_291 = arith.constant 1 : i32
    %and3A_292 = vector.broadcast %and3A_291 : i32 to vector<16xi32>
    %and3A_293 = arith.andi %get3A_280, %and3A_292 : vector<16xi32>
    %shift_left3A_294 = arith.constant 7 : i32
    %shift_left3A_295 = vector.broadcast %shift_left3A_294 : i32 to vector<16xi32>
    %shift_left3A_296 = arith.shli %and3A_293, %shift_left3A_295 : vector<16xi32>
    %or3A_297 = arith.ori %shift_left3A_290, %shift_left3A_296 : vector<16xi32>
    %shift_left3A_298 = arith.constant 6 : i32
    %shift_left3A_299 = vector.broadcast %shift_left3A_298 : i32 to vector<16xi32>
    %shift_left3A_300 = arith.shli %get3A_277, %shift_left3A_299 : vector<16xi32>
    %or3A_301 = arith.ori %or3A_297, %shift_left3A_300 : vector<16xi32>
    %swap3A_302 = arith.index_cast %add3A_282 : i32 to index
    %swap3A_303 = tpu.vector_load %arg10[%swap3A_302] {strides = array<i32>} : memref<416xi32, #tpu.memory_space<vmem>>, vector<16xi32>,
    tpu.vector_store %arg10[%swap3A_302], %or3A_301 {strides = array<i32>} : memref<416xi32, #tpu.memory_space<vmem>>, vector<16xi32>,
    %shift_right_logical3A_304 = arith.constant 1 : i32
    %shift_right_logical3A_305 = vector.broadcast %shift_right_logical3A_304 : i32 to vector<16xi32>
    %shift_right_logical3A_306 = arith.shrui %get3A_280, %shift_right_logical3A_305 : vector<16xi32>
    %swap3A_307 = arith.index_cast %add3A_282 : i32 to index
    %swap3A_308 = tpu.vector_load %arg9[%swap3A_307] {strides = array<i32>} : memref<416xi32, #tpu.memory_space<vmem>>, vector<16xi32>,
    tpu.vector_store %arg9[%swap3A_307], %shift_right_logical3A_306 {strides = array<i32>} : memref<416xi32, #tpu.memory_space<vmem>>, vector<16xi32>,
    %reduce_sum3A_309 = arith.constant true
    %reduce_sum3A_310 = vector.broadcast %reduce_sum3A_309 : i1 to vector<16xi1>
    %reduce_sum3A_311 = tpu.scan <sum>, %get3A_277 masked %reduce_sum3A_310 : vector<16xi32>, vector<16xi1> -> vector<16xi32>
    %reduce_sum3A_312 = vector.extract %reduce_sum3A_311[15] : i32 from vector<16xi32>
    %add3A_313 = arith.addi %add3A_274, %reduce_sum3A_312 : i32
    %get3A_314 = arith.index_cast %and3A_39 : i32 to index
    %get3A_315 = arith.constant 112 : index
    %get3A_316 = tpu.vector_load %arg8[%get3A_314, %get3A_315] {strides = array<i32>} : memref<8x200xi32, #tpu.memory_space<vmem>>, vector<16xi32>,
    %get3A_317 = arith.index_cast %and3A_39 : i32 to index
    %get3A_318 = arith.constant 112 : index
    %get3A_319 = tpu.vector_load %arg7[%get3A_317, %get3A_318] {strides = array<i32>} : memref<8x200xi32, #tpu.memory_space<vmem>>, vector<16xi32>,
    %add3A_320 = arith.constant 112 : i32
    %add3A_321 = arith.addi %multiple_of3A_45, %add3A_320 : i32
    %broadcast_in_dim3A_322 = vector.broadcast %add3A_313 : i32 to vector<16xi32>
    %broadcast_in_dim3A_323 = arith.constant true
    %broadcast_in_dim3A_324 = vector.broadcast %broadcast_in_dim3A_323 : i1 to vector<16xi1>
    %masked_cumsum3A_325 = tpu.scan <sum>, %get3A_316 masked %broadcast_in_dim3A_324 : vector<16xi32>, vector<16xi1> -> vector<16xi32>
    %add3A_326 = arith.addi %masked_cumsum3A_325, %broadcast_in_dim3A_322 : vector<16xi32>
    %shift_left3A_327 = arith.constant 8 : i32
    %shift_left3A_328 = vector.broadcast %shift_left3A_327 : i32 to vector<16xi32>
    %shift_left3A_329 = arith.shli %add3A_326, %shift_left3A_328 : vector<16xi32>
    %and3A_330 = arith.constant 1 : i32
    %and3A_331 = vector.broadcast %and3A_330 : i32 to vector<16xi32>
    %and3A_332 = arith.andi %get3A_319, %and3A_331 : vector<16xi32>
    %shift_left3A_333 = arith.constant 7 : i32
    %shift_left3A_334 = vector.broadcast %shift_left3A_333 : i32 to vector<16xi32>
    %shift_left3A_335 = arith.shli %and3A_332, %shift_left3A_334 : vector<16xi32>
    %or3A_336 = arith.ori %shift_left3A_329, %shift_left3A_335 : vector<16xi32>
    %shift_left3A_337 = arith.constant 6 : i32
    %shift_left3A_338 = vector.broadcast %shift_left3A_337 : i32 to vector<16xi32>
    %shift_left3A_339 = arith.shli %get3A_316, %shift_left3A_338 : vector<16xi32>
    %or3A_340 = arith.ori %or3A_336, %shift_left3A_339 : vector<16xi32>
    %swap3A_341 = arith.index_cast %add3A_321 : i32 to index
    %swap3A_342 = tpu.vector_load %arg10[%swap3A_341] {strides = array<i32>} : memref<416xi32, #tpu.memory_space<vmem>>, vector<16xi32>,
    tpu.vector_store %arg10[%swap3A_341], %or3A_340 {strides = array<i32>} : memref<416xi32, #tpu.memory_space<vmem>>, vector<16xi32>,
    %shift_right_logical3A_343 = arith.constant 1 : i32
    %shift_right_logical3A_344 = vector.broadcast %shift_right_logical3A_343 : i32 to vector<16xi32>
    %shift_right_logical3A_345 = arith.shrui %get3A_319, %shift_right_logical3A_344 : vector<16xi32>
    %swap3A_346 = arith.index_cast %add3A_321 : i32 to index
    %swap3A_347 = tpu.vector_load %arg9[%swap3A_346] {strides = array<i32>} : memref<416xi32, #tpu.memory_space<vmem>>, vector<16xi32>,
    tpu.vector_store %arg9[%swap3A_346], %shift_right_logical3A_345 {strides = array<i32>} : memref<416xi32, #tpu.memory_space<vmem>>, vector<16xi32>,
    %reduce_sum3A_348 = arith.constant true
    %reduce_sum3A_349 = vector.broadcast %reduce_sum3A_348 : i1 to vector<16xi1>
    %reduce_sum3A_350 = tpu.scan <sum>, %get3A_316 masked %reduce_sum3A_349 : vector<16xi32>, vector<16xi1> -> vector<16xi32>
    %reduce_sum3A_351 = vector.extract %reduce_sum3A_350[15] : i32 from vector<16xi32>
    %add3A_352 = arith.addi %add3A_313, %reduce_sum3A_351 : i32
    %get3A_353 = arith.index_cast %and3A_39 : i32 to index
    %get3A_354 = arith.constant 128 : index
    %get3A_355 = tpu.vector_load %arg8[%get3A_353, %get3A_354] {strides = array<i32>} : memref<8x200xi32, #tpu.memory_space<vmem>>, vector<16xi32>,
    %get3A_356 = arith.index_cast %and3A_39 : i32 to index
    %get3A_357 = arith.constant 128 : index
    %get3A_358 = tpu.vector_load %arg7[%get3A_356, %get3A_357] {strides = array<i32>} : memref<8x200xi32, #tpu.memory_space<vmem>>, vector<16xi32>,
    %add3A_359 = arith.constant 128 : i32
    %add3A_360 = arith.addi %multiple_of3A_45, %add3A_359 : i32
    %broadcast_in_dim3A_361 = vector.broadcast %add3A_352 : i32 to vector<16xi32>
    %broadcast_in_dim3A_362 = arith.constant true
    %broadcast_in_dim3A_363 = vector.broadcast %broadcast_in_dim3A_362 : i1 to vector<16xi1>
    %masked_cumsum3A_364 = tpu.scan <sum>, %get3A_355 masked %broadcast_in_dim3A_363 : vector<16xi32>, vector<16xi1> -> vector<16xi32>
    %add3A_365 = arith.addi %masked_cumsum3A_364, %broadcast_in_dim3A_361 : vector<16xi32>
    %shift_left3A_366 = arith.constant 8 : i32
    %shift_left3A_367 = vector.broadcast %shift_left3A_366 : i32 to vector<16xi32>
    %shift_left3A_368 = arith.shli %add3A_365, %shift_left3A_367 : vector<16xi32>
    %and3A_369 = arith.constant 1 : i32
    %and3A_370 = vector.broadcast %and3A_369 : i32 to vector<16xi32>
    %and3A_371 = arith.andi %get3A_358, %and3A_370 : vector<16xi32>
    %shift_left3A_372 = arith.constant 7 : i32
    %shift_left3A_373 = vector.broadcast %shift_left3A_372 : i32 to vector<16xi32>
    %shift_left3A_374 = arith.shli %and3A_371, %shift_left3A_373 : vector<16xi32>
    %or3A_375 = arith.ori %shift_left3A_368, %shift_left3A_374 : vector<16xi32>
    %shift_left3A_376 = arith.constant 6 : i32
    %shift_left3A_377 = vector.broadcast %shift_left3A_376 : i32 to vector<16xi32>
    %shift_left3A_378 = arith.shli %get3A_355, %shift_left3A_377 : vector<16xi32>
    %or3A_379 = arith.ori %or3A_375, %shift_left3A_378 : vector<16xi32>
    %swap3A_380 = arith.index_cast %add3A_360 : i32 to index
    %swap3A_381 = tpu.vector_load %arg10[%swap3A_380] {strides = array<i32>} : memref<416xi32, #tpu.memory_space<vmem>>, vector<16xi32>,
    tpu.vector_store %arg10[%swap3A_380], %or3A_379 {strides = array<i32>} : memref<416xi32, #tpu.memory_space<vmem>>, vector<16xi32>,
    %shift_right_logical3A_382 = arith.constant 1 : i32
    %shift_right_logical3A_383 = vector.broadcast %shift_right_logical3A_382 : i32 to vector<16xi32>
    %shift_right_logical3A_384 = arith.shrui %get3A_358, %shift_right_logical3A_383 : vector<16xi32>
    %swap3A_385 = arith.index_cast %add3A_360 : i32 to index
    %swap3A_386 = tpu.vector_load %arg9[%swap3A_385] {strides = array<i32>} : memref<416xi32, #tpu.memory_space<vmem>>, vector<16xi32>,
    tpu.vector_store %arg9[%swap3A_385], %shift_right_logical3A_384 {strides = array<i32>} : memref<416xi32, #tpu.memory_space<vmem>>, vector<16xi32>,
    %reduce_sum3A_387 = arith.constant true
    %reduce_sum3A_388 = vector.broadcast %reduce_sum3A_387 : i1 to vector<16xi1>
    %reduce_sum3A_389 = tpu.scan <sum>, %get3A_355 masked %reduce_sum3A_388 : vector<16xi32>, vector<16xi1> -> vector<16xi32>
    %reduce_sum3A_390 = vector.extract %reduce_sum3A_389[15] : i32 from vector<16xi32>
    %add3A_391 = arith.addi %add3A_352, %reduce_sum3A_390 : i32
    %get3A_392 = arith.index_cast %and3A_39 : i32 to index
    %get3A_393 = arith.constant 144 : index
    %get3A_394 = tpu.vector_load %arg8[%get3A_392, %get3A_393] {strides = array<i32>} : memref<8x200xi32, #tpu.memory_space<vmem>>, vector<16xi32>,
    %get3A_395 = arith.index_cast %and3A_39 : i32 to index
    %get3A_396 = arith.constant 144 : index
    %get3A_397 = tpu.vector_load %arg7[%get3A_395, %get3A_396] {strides = array<i32>} : memref<8x200xi32, #tpu.memory_space<vmem>>, vector<16xi32>,
    %add3A_398 = arith.constant 144 : i32
    %add3A_399 = arith.addi %multiple_of3A_45, %add3A_398 : i32
    %broadcast_in_dim3A_400 = vector.broadcast %add3A_391 : i32 to vector<16xi32>
    %broadcast_in_dim3A_401 = arith.constant true
    %broadcast_in_dim3A_402 = vector.broadcast %broadcast_in_dim3A_401 : i1 to vector<16xi1>
    %masked_cumsum3A_403 = tpu.scan <sum>, %get3A_394 masked %broadcast_in_dim3A_402 : vector<16xi32>, vector<16xi1> -> vector<16xi32>
    %add3A_404 = arith.addi %masked_cumsum3A_403, %broadcast_in_dim3A_400 : vector<16xi32>
    %shift_left3A_405 = arith.constant 8 : i32
    %shift_left3A_406 = vector.broadcast %shift_left3A_405 : i32 to vector<16xi32>
    %shift_left3A_407 = arith.shli %add3A_404, %shift_left3A_406 : vector<16xi32>
    %and3A_408 = arith.constant 1 : i32
    %and3A_409 = vector.broadcast %and3A_408 : i32 to vector<16xi32>
    %and3A_410 = arith.andi %get3A_397, %and3A_409 : vector<16xi32>
    %shift_left3A_411 = arith.constant 7 : i32
    %shift_left3A_412 = vector.broadcast %shift_left3A_411 : i32 to vector<16xi32>
    %shift_left3A_413 = arith.shli %and3A_410, %shift_left3A_412 : vector<16xi32>
    %or3A_414 = arith.ori %shift_left3A_407, %shift_left3A_413 : vector<16xi32>
    %shift_left3A_415 = arith.constant 6 : i32
    %shift_left3A_416 = vector.broadcast %shift_left3A_415 : i32 to vector<16xi32>
    %shift_left3A_417 = arith.shli %get3A_394, %shift_left3A_416 : vector<16xi32>
    %or3A_418 = arith.ori %or3A_414, %shift_left3A_417 : vector<16xi32>
    %swap3A_419 = arith.index_cast %add3A_399 : i32 to index
    %swap3A_420 = tpu.vector_load %arg10[%swap3A_419] {strides = array<i32>} : memref<416xi32, #tpu.memory_space<vmem>>, vector<16xi32>,
    tpu.vector_store %arg10[%swap3A_419], %or3A_418 {strides = array<i32>} : memref<416xi32, #tpu.memory_space<vmem>>, vector<16xi32>,
    %shift_right_logical3A_421 = arith.constant 1 : i32
    %shift_right_logical3A_422 = vector.broadcast %shift_right_logical3A_421 : i32 to vector<16xi32>
    %shift_right_logical3A_423 = arith.shrui %get3A_397, %shift_right_logical3A_422 : vector<16xi32>
    %swap3A_424 = arith.index_cast %add3A_399 : i32 to index
    %swap3A_425 = tpu.vector_load %arg9[%swap3A_424] {strides = array<i32>} : memref<416xi32, #tpu.memory_space<vmem>>, vector<16xi32>,
    tpu.vector_store %arg9[%swap3A_424], %shift_right_logical3A_423 {strides = array<i32>} : memref<416xi32, #tpu.memory_space<vmem>>, vector<16xi32>,
    %reduce_sum3A_426 = arith.constant true
    %reduce_sum3A_427 = vector.broadcast %reduce_sum3A_426 : i1 to vector<16xi1>
    %reduce_sum3A_428 = tpu.scan <sum>, %get3A_394 masked %reduce_sum3A_427 : vector<16xi32>, vector<16xi1> -> vector<16xi32>
    %reduce_sum3A_429 = vector.extract %reduce_sum3A_428[15] : i32 from vector<16xi32>
    %add3A_430 = arith.addi %add3A_391, %reduce_sum3A_429 : i32
    %get3A_431 = arith.index_cast %and3A_39 : i32 to index
    %get3A_432 = arith.constant 160 : index
    %get3A_433 = tpu.vector_load %arg8[%get3A_431, %get3A_432] {strides = array<i32>} : memref<8x200xi32, #tpu.memory_space<vmem>>, vector<16xi32>,
    %get3A_434 = arith.index_cast %and3A_39 : i32 to index
    %get3A_435 = arith.constant 160 : index
    %get3A_436 = tpu.vector_load %arg7[%get3A_434, %get3A_435] {strides = array<i32>} : memref<8x200xi32, #tpu.memory_space<vmem>>, vector<16xi32>,
    %add3A_437 = arith.constant 160 : i32
    %add3A_438 = arith.addi %multiple_of3A_45, %add3A_437 : i32
    %broadcast_in_dim3A_439 = vector.broadcast %add3A_430 : i32 to vector<16xi32>
    %broadcast_in_dim3A_440 = arith.constant true
    %broadcast_in_dim3A_441 = vector.broadcast %broadcast_in_dim3A_440 : i1 to vector<16xi1>
    %masked_cumsum3A_442 = tpu.scan <sum>, %get3A_433 masked %broadcast_in_dim3A_441 : vector<16xi32>, vector<16xi1> -> vector<16xi32>
    %add3A_443 = arith.addi %masked_cumsum3A_442, %broadcast_in_dim3A_439 : vector<16xi32>
    %shift_left3A_444 = arith.constant 8 : i32
    %shift_left3A_445 = vector.broadcast %shift_left3A_444 : i32 to vector<16xi32>
    %shift_left3A_446 = arith.shli %add3A_443, %shift_left3A_445 : vector<16xi32>
    %and3A_447 = arith.constant 1 : i32
    %and3A_448 = vector.broadcast %and3A_447 : i32 to vector<16xi32>
    %and3A_449 = arith.andi %get3A_436, %and3A_448 : vector<16xi32>
    %shift_left3A_450 = arith.constant 7 : i32
    %shift_left3A_451 = vector.broadcast %shift_left3A_450 : i32 to vector<16xi32>
    %shift_left3A_452 = arith.shli %and3A_449, %shift_left3A_451 : vector<16xi32>
    %or3A_453 = arith.ori %shift_left3A_446, %shift_left3A_452 : vector<16xi32>
    %shift_left3A_454 = arith.constant 6 : i32
    %shift_left3A_455 = vector.broadcast %shift_left3A_454 : i32 to vector<16xi32>
    %shift_left3A_456 = arith.shli %get3A_433, %shift_left3A_455 : vector<16xi32>
    %or3A_457 = arith.ori %or3A_453, %shift_left3A_456 : vector<16xi32>
    %swap3A_458 = arith.index_cast %add3A_438 : i32 to index
    %swap3A_459 = tpu.vector_load %arg10[%swap3A_458] {strides = array<i32>} : memref<416xi32, #tpu.memory_space<vmem>>, vector<16xi32>,
    tpu.vector_store %arg10[%swap3A_458], %or3A_457 {strides = array<i32>} : memref<416xi32, #tpu.memory_space<vmem>>, vector<16xi32>,
    %shift_right_logical3A_460 = arith.constant 1 : i32
    %shift_right_logical3A_461 = vector.broadcast %shift_right_logical3A_460 : i32 to vector<16xi32>
    %shift_right_logical3A_462 = arith.shrui %get3A_436, %shift_right_logical3A_461 : vector<16xi32>
    %swap3A_463 = arith.index_cast %add3A_438 : i32 to index
    %swap3A_464 = tpu.vector_load %arg9[%swap3A_463] {strides = array<i32>} : memref<416xi32, #tpu.memory_space<vmem>>, vector<16xi32>,
    tpu.vector_store %arg9[%swap3A_463], %shift_right_logical3A_462 {strides = array<i32>} : memref<416xi32, #tpu.memory_space<vmem>>, vector<16xi32>,
    %reduce_sum3A_465 = arith.constant true
    %reduce_sum3A_466 = vector.broadcast %reduce_sum3A_465 : i1 to vector<16xi1>
    %reduce_sum3A_467 = tpu.scan <sum>, %get3A_433 masked %reduce_sum3A_466 : vector<16xi32>, vector<16xi1> -> vector<16xi32>
    %reduce_sum3A_468 = vector.extract %reduce_sum3A_467[15] : i32 from vector<16xi32>
    %add3A_469 = arith.addi %add3A_430, %reduce_sum3A_468 : i32
    %get3A_470 = arith.index_cast %and3A_39 : i32 to index
    %get3A_471 = arith.constant 176 : index
    %get3A_472 = tpu.vector_load %arg8[%get3A_470, %get3A_471] {strides = array<i32>} : memref<8x200xi32, #tpu.memory_space<vmem>>, vector<16xi32>,
    %get3A_473 = arith.index_cast %and3A_39 : i32 to index
    %get3A_474 = arith.constant 176 : index
    %get3A_475 = tpu.vector_load %arg7[%get3A_473, %get3A_474] {strides = array<i32>} : memref<8x200xi32, #tpu.memory_space<vmem>>, vector<16xi32>,
    %add3A_476 = arith.constant 176 : i32
    %add3A_477 = arith.addi %multiple_of3A_45, %add3A_476 : i32
    %broadcast_in_dim3A_478 = vector.broadcast %add3A_469 : i32 to vector<16xi32>
    %broadcast_in_dim3A_479 = arith.constant true
    %broadcast_in_dim3A_480 = vector.broadcast %broadcast_in_dim3A_479 : i1 to vector<16xi1>
    %masked_cumsum3A_481 = tpu.scan <sum>, %get3A_472 masked %broadcast_in_dim3A_480 : vector<16xi32>, vector<16xi1> -> vector<16xi32>
    %add3A_482 = arith.addi %masked_cumsum3A_481, %broadcast_in_dim3A_478 : vector<16xi32>
    %shift_left3A_483 = arith.constant 8 : i32
    %shift_left3A_484 = vector.broadcast %shift_left3A_483 : i32 to vector<16xi32>
    %shift_left3A_485 = arith.shli %add3A_482, %shift_left3A_484 : vector<16xi32>
    %and3A_486 = arith.constant 1 : i32
    %and3A_487 = vector.broadcast %and3A_486 : i32 to vector<16xi32>
    %and3A_488 = arith.andi %get3A_475, %and3A_487 : vector<16xi32>
    %shift_left3A_489 = arith.constant 7 : i32
    %shift_left3A_490 = vector.broadcast %shift_left3A_489 : i32 to vector<16xi32>
    %shift_left3A_491 = arith.shli %and3A_488, %shift_left3A_490 : vector<16xi32>
    %or3A_492 = arith.ori %shift_left3A_485, %shift_left3A_491 : vector<16xi32>
    %shift_left3A_493 = arith.constant 6 : i32
    %shift_left3A_494 = vector.broadcast %shift_left3A_493 : i32 to vector<16xi32>
    %shift_left3A_495 = arith.shli %get3A_472, %shift_left3A_494 : vector<16xi32>
    %or3A_496 = arith.ori %or3A_492, %shift_left3A_495 : vector<16xi32>
    %swap3A_497 = arith.index_cast %add3A_477 : i32 to index
    %swap3A_498 = tpu.vector_load %arg10[%swap3A_497] {strides = array<i32>} : memref<416xi32, #tpu.memory_space<vmem>>, vector<16xi32>,
    tpu.vector_store %arg10[%swap3A_497], %or3A_496 {strides = array<i32>} : memref<416xi32, #tpu.memory_space<vmem>>, vector<16xi32>,
    %shift_right_logical3A_499 = arith.constant 1 : i32
    %shift_right_logical3A_500 = vector.broadcast %shift_right_logical3A_499 : i32 to vector<16xi32>
    %shift_right_logical3A_501 = arith.shrui %get3A_475, %shift_right_logical3A_500 : vector<16xi32>
    %swap3A_502 = arith.index_cast %add3A_477 : i32 to index
    %swap3A_503 = tpu.vector_load %arg9[%swap3A_502] {strides = array<i32>} : memref<416xi32, #tpu.memory_space<vmem>>, vector<16xi32>,
    tpu.vector_store %arg9[%swap3A_502], %shift_right_logical3A_501 {strides = array<i32>} : memref<416xi32, #tpu.memory_space<vmem>>, vector<16xi32>,
    %lt3A = arith.constant 8 : i32
    %lt3A_504 = vector.broadcast %lt3A : i32 to vector<16xi32>
    %lt3A_505 = arith.cmpi slt, %iota3A, %lt3A_504 : vector<16xi32>
    %jit3A = arith.constant 0 : i32
    %broadcast_in_dim3A_506 = vector.broadcast %jit3A : i32 to vector<16xi32>
    %select_n3A = arith.select %lt3A_505, %get3A_472, %broadcast_in_dim3A_506 : vector<16xi1>, vector<16xi32>
    %reduce_sum3A_507 = arith.constant true
    %reduce_sum3A_508 = vector.broadcast %reduce_sum3A_507 : i1 to vector<16xi1>
    %reduce_sum3A_509 = tpu.scan <sum>, %select_n3A masked %reduce_sum3A_508 : vector<16xi32>, vector<16xi1> -> vector<16xi32>
    %reduce_sum3A_510 = vector.extract %reduce_sum3A_509[15] : i32 from vector<16xi32>
    %add3A_511 = arith.addi %add3A_469, %reduce_sum3A_510 : i32
    %reduce_sum3A_512 = arith.constant true
    %reduce_sum3A_513 = vector.broadcast %reduce_sum3A_512 : i1 to vector<16xi1>
    %reduce_sum3A_514 = tpu.scan <sum>, %get3A_472 masked %reduce_sum3A_513 : vector<16xi32>, vector<16xi1> -> vector<16xi32>
    %reduce_sum3A_515 = vector.extract %reduce_sum3A_514[15] : i32 from vector<16xi32>
    %add3A_516 = arith.addi %add3A_469, %reduce_sum3A_515 : i32
    %get3A_517 = arith.index_cast %and3A_39 : i32 to index
    %get3A_518 = arith.constant 184 : index
    %get3A_519 = tpu.vector_load %arg8[%get3A_517, %get3A_518] {strides = array<i32>} : memref<8x200xi32, #tpu.memory_space<vmem>>, vector<16xi32>,
    %get3A_520 = arith.index_cast %and3A_39 : i32 to index
    %get3A_521 = arith.constant 184 : index
    %get3A_522 = tpu.vector_load %arg7[%get3A_520, %get3A_521] {strides = array<i32>} : memref<8x200xi32, #tpu.memory_space<vmem>>, vector<16xi32>,
    %add3A_523 = arith.constant 184 : i32
    %add3A_524 = arith.addi %multiple_of3A_45, %add3A_523 : i32
    %broadcast_in_dim3A_525 = vector.broadcast %add3A_511 : i32 to vector<16xi32>
    %broadcast_in_dim3A_526 = arith.constant true
    %broadcast_in_dim3A_527 = vector.broadcast %broadcast_in_dim3A_526 : i1 to vector<16xi1>
    %masked_cumsum3A_528 = tpu.scan <sum>, %get3A_519 masked %broadcast_in_dim3A_527 : vector<16xi32>, vector<16xi1> -> vector<16xi32>
    %add3A_529 = arith.addi %masked_cumsum3A_528, %broadcast_in_dim3A_525 : vector<16xi32>
    %shift_left3A_530 = arith.constant 8 : i32
    %shift_left3A_531 = vector.broadcast %shift_left3A_530 : i32 to vector<16xi32>
    %shift_left3A_532 = arith.shli %add3A_529, %shift_left3A_531 : vector<16xi32>
    %and3A_533 = arith.constant 1 : i32
    %and3A_534 = vector.broadcast %and3A_533 : i32 to vector<16xi32>
    %and3A_535 = arith.andi %get3A_522, %and3A_534 : vector<16xi32>
    %shift_left3A_536 = arith.constant 7 : i32
    %shift_left3A_537 = vector.broadcast %shift_left3A_536 : i32 to vector<16xi32>
    %shift_left3A_538 = arith.shli %and3A_535, %shift_left3A_537 : vector<16xi32>
    %or3A_539 = arith.ori %shift_left3A_532, %shift_left3A_538 : vector<16xi32>
    %shift_left3A_540 = arith.constant 6 : i32
    %shift_left3A_541 = vector.broadcast %shift_left3A_540 : i32 to vector<16xi32>
    %shift_left3A_542 = arith.shli %get3A_519, %shift_left3A_541 : vector<16xi32>
    %or3A_543 = arith.ori %or3A_539, %shift_left3A_542 : vector<16xi32>
    %swap3A_544 = arith.index_cast %add3A_524 : i32 to index
    %swap3A_545 = tpu.vector_load %arg10[%swap3A_544] {strides = array<i32>} : memref<416xi32, #tpu.memory_space<vmem>>, vector<16xi32>,
    tpu.vector_store %arg10[%swap3A_544], %or3A_543 {strides = array<i32>} : memref<416xi32, #tpu.memory_space<vmem>>, vector<16xi32>,
    %shift_right_logical3A_546 = arith.constant 1 : i32
    %shift_right_logical3A_547 = vector.broadcast %shift_right_logical3A_546 : i32 to vector<16xi32>
    %shift_right_logical3A_548 = arith.shrui %get3A_522, %shift_right_logical3A_547 : vector<16xi32>
    %swap3A_549 = arith.index_cast %add3A_524 : i32 to index
    %swap3A_550 = tpu.vector_load %arg9[%swap3A_549] {strides = array<i32>} : memref<416xi32, #tpu.memory_space<vmem>>, vector<16xi32>,
    tpu.vector_store %arg9[%swap3A_549], %shift_right_logical3A_548 {strides = array<i32>} : memref<416xi32, #tpu.memory_space<vmem>>, vector<16xi32>,
    %and3A_551 = arith.constant 0 : i32
    %and3A_552 = arith.constant 1 : i32
    %and3A_553 = arith.andi %and3A_551, %and3A_552 : i32
    %mul3A_554 = arith.constant 200 : i32
    %mul3A_555 = arith.muli %and3A_553, %mul3A_554 : i32
    %multiple_of3A_556 = tpu.assume_multiple %mul3A_555, 8 : i32
    %dma_start3A = arith.constant 0 : i32
    %dma_start3A_557 = tpu.memref_slice %arg11[%multiple_of3A_556, %dma_start3A] : memref<400x128xf32, #tpu.memory_space<vmem>> -> memref<200x128xf32, #tpu.memory_space<vmem>>
    %dma_start3A_558 = tpu.memref_slice %arg9[%multiple_of3A_45] : memref<416xi32, #tpu.memory_space<vmem>> -> memref<200xi32, #tpu.memory_space<vmem>>
    %dma_start3A_559 = arith.constant 0 : i32
    %dma_start3A_560 = arith.constant 0 : i32
    %dma_start3A_561 = tpu.memref_slice %arg4[%dma_start3A_559, %dma_start3A_560] : memref<500000x128xf32, #tpu.memory_space<hbm>> -> memref<500000x128xf32, #tpu.memory_space<hbm>>
    tpu.enqueue_indirect_dma source(%dma_start3A_561 : memref<500000x128xf32, #tpu.memory_space<hbm>>) target(%dma_start3A_557 : memref<200x128xf32, #tpu.memory_space<vmem>>) offsets(%dma_start3A_558 : memref<200xi32, #tpu.memory_space<vmem>>) semaphore(%arg18 : memref<!tpu.dma_semaphore, #tpu.memory_space<semaphore_mem>>)
    %scan3A = arith.constant 0 : i32
    %scan3A_562 = arith.constant 0 : i32
    %scan3A_563 = arith.constant 128 : i32
    %scan3A_564 = arith.addi %scan3A_562, %scan3A_563 : i32
    %scan3A_565 = arith.constant 1 : i32
    scf.for %scan3A_578 = %scan3A_562 to %scan3A_564 step %scan3A_565  : i32 {
      %and3A_579 = arith.constant 1 : i32
      %and3A_580 = arith.andi %scan3A_578, %and3A_579 : i32
      %dma_wait3A_581 = arith.constant 0 : i32
      %dma_wait3A_582 = arith.constant 0 : i32
      %dma_wait3A_583 = tpu.memref_slice %arg11[%dma_wait3A_581, %dma_wait3A_582] : memref<400x128xf32, #tpu.memory_space<vmem>> -> memref<200x128xf32, #tpu.memory_space<vmem>>
      %dma_wait3A_584 = arith.constant 0 : i32
      %dma_wait3A_585 = arith.constant 0 : i32
      %dma_wait3A_586 = tpu.memref_slice %arg4[%dma_wait3A_584, %dma_wait3A_585] : memref<500000x128xf32, #tpu.memory_space<hbm>> -> memref<200x128xf32, #tpu.memory_space<hbm>>
      %dma_wait3A_587 = arith.constant 0 : i32
      %dma_wait3A_588 = arith.constant 0 : i32
      %dma_wait3A_589 = tpu.memref_slice %arg11[%dma_wait3A_587, %dma_wait3A_588] : memref<400x128xf32, #tpu.memory_space<vmem>> -> memref<200x128xf32, #tpu.memory_space<vmem>>
      %dma_wait3A_590 = arith.constant 0 : i32
      %dma_wait3A_591 = arith.constant 0 : i32
      %dma_wait3A_592 = tpu.memref_slice %arg4[%dma_wait3A_590, %dma_wait3A_591] : memref<500000x128xf32, #tpu.memory_space<hbm>> -> memref<200x128xf32, #tpu.memory_space<hbm>>
      tpu.wait_dma2 semaphore(%arg18 : memref<!tpu.dma_semaphore, #tpu.memory_space<semaphore_mem>>) src(%dma_wait3A_592 : memref<200x128xf32, #tpu.memory_space<hbm>>) dst(%dma_wait3A_589 : memref<200x128xf32, #tpu.memory_space<vmem>>)
      %add3A_593 = arith.constant 1 : i32
      %add3A_594 = arith.addi %scan3A_578, %add3A_593 : i32
      %and3A_595 = arith.constant 7 : i32
      %and3A_596 = arith.andi %add3A_594, %and3A_595 : i32
      %eq3A = arith.constant 0 : i32
      %eq3A_597 = arith.cmpi eq, %and3A_596, %eq3A : i32
      %lt3A_598 = arith.constant 128 : i32
      %lt3A_599 = arith.cmpi slt, %add3A_594, %lt3A_598 : i32
      %and3A_600 = arith.andi %eq3A_597, %lt3A_599 : i1
      %convert_element_type3A = arith.extui %and3A_600 : i1 to i32
      %cond3A = arith.constant 0 : i32
      %cond3A_601 = arith.cmpi ne, %convert_element_type3A, %cond3A : i32
      scf.if %cond3A_601 {
        %mul3A_1144 = arith.constant 128 : i32
        %mul3A_1145 = arith.muli %add3A, %mul3A_1144 : i32
        %multiple_of3A_1146 = tpu.assume_multiple %mul3A_1145, 8 : i32
        %and3A_1147 = arith.constant -8 : i32
        %and3A_1148 = arith.andi %add3A_594, %and3A_1147 : i32
        %add3A_1149 = arith.addi %multiple_of3A_1146, %and3A_1148 : i32
        %multiple_of3A_1150 = tpu.assume_multiple %add3A_1149, 8 : i32
        "tpu.region"() ({
          %run_scoped3A = tpu.sem_alloc : memref<!tpu.dma_semaphore, #tpu.memory_space<semaphore_mem>>
          %dma_start3A_1151 = arith.constant 0 : i32
          %dma_start3A_1152 = tpu.memref_slice %arg2[%multiple_of3A_1150, %dma_start3A_1151] : memref<4096x200xi32, #tpu.memory_space<hbm>> -> memref<8x200xi32, #tpu.memory_space<hbm>>
          %dma_start3A_1153 = arith.constant 0 : i32
          %dma_start3A_1154 = tpu.memref_slice %arg2[%multiple_of3A_1150, %dma_start3A_1153] : memref<4096x200xi32, #tpu.memory_space<hbm>> -> memref<8x200xi32, #tpu.memory_space<hbm>>
          tpu.enqueue_dma source(%dma_start3A_1154 : memref<8x200xi32, #tpu.memory_space<hbm>>) target(%arg7 : memref<8x200xi32, #tpu.memory_space<vmem>>) target_semaphore(%run_scoped3A : memref<!tpu.dma_semaphore, #tpu.memory_space<semaphore_mem>>)
          %dma_wait3A_1155 = arith.constant 0 : i32
          %dma_wait3A_1156 = tpu.memref_slice %arg2[%multiple_of3A_1150, %dma_wait3A_1155] : memref<4096x200xi32, #tpu.memory_space<hbm>> -> memref<8x200xi32, #tpu.memory_space<hbm>>
          %dma_wait3A_1157 = arith.constant 0 : i32
          %dma_wait3A_1158 = tpu.memref_slice %arg2[%multiple_of3A_1150, %dma_wait3A_1157] : memref<4096x200xi32, #tpu.memory_space<hbm>> -> memref<8x200xi32, #tpu.memory_space<hbm>>
          tpu.wait_dma2 semaphore(%run_scoped3A : memref<!tpu.dma_semaphore, #tpu.memory_space<semaphore_mem>>) src(%dma_wait3A_1158 : memref<8x200xi32, #tpu.memory_space<hbm>>) dst(%arg7 : memref<8x200xi32, #tpu.memory_space<vmem>>)
          tpu.yield
        }) : () -> ()
        "tpu.region"() ({
          %run_scoped3A = tpu.sem_alloc : memref<!tpu.dma_semaphore, #tpu.memory_space<semaphore_mem>>
          %dma_start3A_1151 = arith.constant 0 : i32
          %dma_start3A_1152 = tpu.memref_slice %arg3[%multiple_of3A_1150, %dma_start3A_1151] : memref<4096x200xi32, #tpu.memory_space<hbm>> -> memref<8x200xi32, #tpu.memory_space<hbm>>
          %dma_start3A_1153 = arith.constant 0 : i32
          %dma_start3A_1154 = tpu.memref_slice %arg3[%multiple_of3A_1150, %dma_start3A_1153] : memref<4096x200xi32, #tpu.memory_space<hbm>> -> memref<8x200xi32, #tpu.memory_space<hbm>>
          tpu.enqueue_dma source(%dma_start3A_1154 : memref<8x200xi32, #tpu.memory_space<hbm>>) target(%arg8 : memref<8x200xi32, #tpu.memory_space<vmem>>) target_semaphore(%run_scoped3A : memref<!tpu.dma_semaphore, #tpu.memory_space<semaphore_mem>>)
          %dma_wait3A_1155 = arith.constant 0 : i32
          %dma_wait3A_1156 = tpu.memref_slice %arg3[%multiple_of3A_1150, %dma_wait3A_1155] : memref<4096x200xi32, #tpu.memory_space<hbm>> -> memref<8x200xi32, #tpu.memory_space<hbm>>
          %dma_wait3A_1157 = arith.constant 0 : i32
          %dma_wait3A_1158 = tpu.memref_slice %arg3[%multiple_of3A_1150, %dma_wait3A_1157] : memref<4096x200xi32, #tpu.memory_space<hbm>> -> memref<8x200xi32, #tpu.memory_space<hbm>>
          tpu.wait_dma2 semaphore(%run_scoped3A : memref<!tpu.dma_semaphore, #tpu.memory_space<semaphore_mem>>) src(%dma_wait3A_1158 : memref<8x200xi32, #tpu.memory_space<hbm>>) dst(%arg8 : memref<8x200xi32, #tpu.memory_space<vmem>>)
          tpu.yield
        }) : () -> ()
      } else {
      }
      %and3A_602 = arith.constant 7 : i32
      %and3A_603 = arith.andi %add3A_594, %and3A_602 : i32
      %and3A_604 = arith.constant 1 : i32
      %and3A_605 = arith.andi %add3A_594, %and3A_604 : i32
      %mul3A_606 = arith.constant 208 : i32
      %mul3A_607 = arith.muli %and3A_605, %mul3A_606 : i32
      %multiple_of3A_608 = tpu.assume_multiple %mul3A_607, 16 : i32
      %get3A_609 = arith.index_cast %and3A_603 : i32 to index
      %get3A_610 = arith.constant 0 : index
      %get3A_611 = tpu.vector_load %arg8[%get3A_609, %get3A_610] {strides = array<i32>} : memref<8x200xi32, #tpu.memory_space<vmem>>, vector<16xi32>,
      %get3A_612 = arith.index_cast %and3A_603 : i32 to index
      %get3A_613 = arith.constant 0 : index
      %get3A_614 = tpu.vector_load %arg7[%get3A_612, %get3A_613] {strides = array<i32>} : memref<8x200xi32, #tpu.memory_space<vmem>>, vector<16xi32>,
      %add3A_615 = arith.constant 0 : i32
      %add3A_616 = arith.addi %multiple_of3A_608, %add3A_615 : i32
      %broadcast_in_dim3A_617 = arith.constant 0 : i32
      %broadcast_in_dim3A_618 = vector.broadcast %broadcast_in_dim3A_617 : i32 to vector<16xi32>
      %broadcast_in_dim3A_619 = arith.constant true
      %broadcast_in_dim3A_620 = vector.broadcast %broadcast_in_dim3A_619 : i1 to vector<16xi1>
      %masked_cumsum3A_621 = tpu.scan <sum>, %get3A_611 masked %broadcast_in_dim3A_620 : vector<16xi32>, vector<16xi1> -> vector<16xi32>
      %add3A_622 = arith.addi %masked_cumsum3A_621, %broadcast_in_dim3A_618 : vector<16xi32>
      %shift_left3A_623 = arith.constant 8 : i32
      %shift_left3A_624 = vector.broadcast %shift_left3A_623 : i32 to vector<16xi32>
      %shift_left3A_625 = arith.shli %add3A_622, %shift_left3A_624 : vector<16xi32>
      %and3A_626 = arith.constant 1 : i32
      %and3A_627 = vector.broadcast %and3A_626 : i32 to vector<16xi32>
      %and3A_628 = arith.andi %get3A_614, %and3A_627 : vector<16xi32>
      %shift_left3A_629 = arith.constant 7 : i32
      %shift_left3A_630 = vector.broadcast %shift_left3A_629 : i32 to vector<16xi32>
      %shift_left3A_631 = arith.shli %and3A_628, %shift_left3A_630 : vector<16xi32>
      %or3A_632 = arith.ori %shift_left3A_625, %shift_left3A_631 : vector<16xi32>
      %shift_left3A_633 = arith.constant 6 : i32
      %shift_left3A_634 = vector.broadcast %shift_left3A_633 : i32 to vector<16xi32>
      %shift_left3A_635 = arith.shli %get3A_611, %shift_left3A_634 : vector<16xi32>
      %or3A_636 = arith.ori %or3A_632, %shift_left3A_635 : vector<16xi32>
      %swap3A_637 = arith.index_cast %add3A_616 : i32 to index
      %swap3A_638 = tpu.vector_load %arg10[%swap3A_637] {strides = array<i32>} : memref<416xi32, #tpu.memory_space<vmem>>, vector<16xi32>,
      tpu.vector_store %arg10[%swap3A_637], %or3A_636 {strides = array<i32>} : memref<416xi32, #tpu.memory_space<vmem>>, vector<16xi32>,
      %shift_right_logical3A_639 = arith.constant 1 : i32
      %shift_right_logical3A_640 = vector.broadcast %shift_right_logical3A_639 : i32 to vector<16xi32>
      %shift_right_logical3A_641 = arith.shrui %get3A_614, %shift_right_logical3A_640 : vector<16xi32>
      %swap3A_642 = arith.index_cast %add3A_616 : i32 to index
      %swap3A_643 = tpu.vector_load %arg9[%swap3A_642] {strides = array<i32>} : memref<416xi32, #tpu.memory_space<vmem>>, vector<16xi32>,
      tpu.vector_store %arg9[%swap3A_642], %shift_right_logical3A_641 {strides = array<i32>} : memref<416xi32, #tpu.memory_space<vmem>>, vector<16xi32>,
      %reduce_sum3A_644 = arith.constant true
      %reduce_sum3A_645 = vector.broadcast %reduce_sum3A_644 : i1 to vector<16xi1>
      %reduce_sum3A_646 = tpu.scan <sum>, %get3A_611 masked %reduce_sum3A_645 : vector<16xi32>, vector<16xi1> -> vector<16xi32>
      %reduce_sum3A_647 = vector.extract %reduce_sum3A_646[15] : i32 from vector<16xi32>
      %add3A_648 = arith.constant 0 : i32
      %add3A_649 = arith.addi %add3A_648, %reduce_sum3A_647 : i32
      %get3A_650 = arith.index_cast %and3A_603 : i32 to index
      %get3A_651 = arith.constant 16 : index
      %get3A_652 = tpu.vector_load %arg8[%get3A_650, %get3A_651] {strides = array<i32>} : memref<8x200xi32, #tpu.memory_space<vmem>>, vector<16xi32>,
      %get3A_653 = arith.index_cast %and3A_603 : i32 to index
      %get3A_654 = arith.constant 16 : index
      %get3A_655 = tpu.vector_load %arg7[%get3A_653, %get3A_654] {strides = array<i32>} : memref<8x200xi32, #tpu.memory_space<vmem>>, vector<16xi32>,
      %add3A_656 = arith.constant 16 : i32
      %add3A_657 = arith.addi %multiple_of3A_608, %add3A_656 : i32
      %broadcast_in_dim3A_658 = vector.broadcast %add3A_649 : i32 to vector<16xi32>
      %broadcast_in_dim3A_659 = arith.constant true
      %broadcast_in_dim3A_660 = vector.broadcast %broadcast_in_dim3A_659 : i1 to vector<16xi1>
      %masked_cumsum3A_661 = tpu.scan <sum>, %get3A_652 masked %broadcast_in_dim3A_660 : vector<16xi32>, vector<16xi1> -> vector<16xi32>
      %add3A_662 = arith.addi %masked_cumsum3A_661, %broadcast_in_dim3A_658 : vector<16xi32>
      %shift_left3A_663 = arith.constant 8 : i32
      %shift_left3A_664 = vector.broadcast %shift_left3A_663 : i32 to vector<16xi32>
      %shift_left3A_665 = arith.shli %add3A_662, %shift_left3A_664 : vector<16xi32>
      %and3A_666 = arith.constant 1 : i32
      %and3A_667 = vector.broadcast %and3A_666 : i32 to vector<16xi32>
      %and3A_668 = arith.andi %get3A_655, %and3A_667 : vector<16xi32>
      %shift_left3A_669 = arith.constant 7 : i32
      %shift_left3A_670 = vector.broadcast %shift_left3A_669 : i32 to vector<16xi32>
      %shift_left3A_671 = arith.shli %and3A_668, %shift_left3A_670 : vector<16xi32>
      %or3A_672 = arith.ori %shift_left3A_665, %shift_left3A_671 : vector<16xi32>
      %shift_left3A_673 = arith.constant 6 : i32
      %shift_left3A_674 = vector.broadcast %shift_left3A_673 : i32 to vector<16xi32>
      %shift_left3A_675 = arith.shli %get3A_652, %shift_left3A_674 : vector<16xi32>
      %or3A_676 = arith.ori %or3A_672, %shift_left3A_675 : vector<16xi32>
      %swap3A_677 = arith.index_cast %add3A_657 : i32 to index
      %swap3A_678 = tpu.vector_load %arg10[%swap3A_677] {strides = array<i32>} : memref<416xi32, #tpu.memory_space<vmem>>, vector<16xi32>,
      tpu.vector_store %arg10[%swap3A_677], %or3A_676 {strides = array<i32>} : memref<416xi32, #tpu.memory_space<vmem>>, vector<16xi32>,
      %shift_right_logical3A_679 = arith.constant 1 : i32
      %shift_right_logical3A_680 = vector.broadcast %shift_right_logical3A_679 : i32 to vector<16xi32>
      %shift_right_logical3A_681 = arith.shrui %get3A_655, %shift_right_logical3A_680 : vector<16xi32>
      %swap3A_682 = arith.index_cast %add3A_657 : i32 to index
      %swap3A_683 = tpu.vector_load %arg9[%swap3A_682] {strides = array<i32>} : memref<416xi32, #tpu.memory_space<vmem>>, vector<16xi32>,
      tpu.vector_store %arg9[%swap3A_682], %shift_right_logical3A_681 {strides = array<i32>} : memref<416xi32, #tpu.memory_space<vmem>>, vector<16xi32>,
      %reduce_sum3A_684 = arith.constant true
      %reduce_sum3A_685 = vector.broadcast %reduce_sum3A_684 : i1 to vector<16xi1>
      %reduce_sum3A_686 = tpu.scan <sum>, %get3A_652 masked %reduce_sum3A_685 : vector<16xi32>, vector<16xi1> -> vector<16xi32>
      %reduce_sum3A_687 = vector.extract %reduce_sum3A_686[15] : i32 from vector<16xi32>
      %add3A_688 = arith.addi %add3A_649, %reduce_sum3A_687 : i32
      %get3A_689 = arith.index_cast %and3A_603 : i32 to index
      %get3A_690 = arith.constant 32 : index
      %get3A_691 = tpu.vector_load %arg8[%get3A_689, %get3A_690] {strides = array<i32>} : memref<8x200xi32, #tpu.memory_space<vmem>>, vector<16xi32>,
      %get3A_692 = arith.index_cast %and3A_603 : i32 to index
      %get3A_693 = arith.constant 32 : index
      %get3A_694 = tpu.vector_load %arg7[%get3A_692, %get3A_693] {strides = array<i32>} : memref<8x200xi32, #tpu.memory_space<vmem>>, vector<16xi32>,
      %add3A_695 = arith.constant 32 : i32
      %add3A_696 = arith.addi %multiple_of3A_608, %add3A_695 : i32
      %broadcast_in_dim3A_697 = vector.broadcast %add3A_688 : i32 to vector<16xi32>
      %broadcast_in_dim3A_698 = arith.constant true
      %broadcast_in_dim3A_699 = vector.broadcast %broadcast_in_dim3A_698 : i1 to vector<16xi1>
      %masked_cumsum3A_700 = tpu.scan <sum>, %get3A_691 masked %broadcast_in_dim3A_699 : vector<16xi32>, vector<16xi1> -> vector<16xi32>
      %add3A_701 = arith.addi %masked_cumsum3A_700, %broadcast_in_dim3A_697 : vector<16xi32>
      %shift_left3A_702 = arith.constant 8 : i32
      %shift_left3A_703 = vector.broadcast %shift_left3A_702 : i32 to vector<16xi32>
      %shift_left3A_704 = arith.shli %add3A_701, %shift_left3A_703 : vector<16xi32>
      %and3A_705 = arith.constant 1 : i32
      %and3A_706 = vector.broadcast %and3A_705 : i32 to vector<16xi32>
      %and3A_707 = arith.andi %get3A_694, %and3A_706 : vector<16xi32>
      %shift_left3A_708 = arith.constant 7 : i32
      %shift_left3A_709 = vector.broadcast %shift_left3A_708 : i32 to vector<16xi32>
      %shift_left3A_710 = arith.shli %and3A_707, %shift_left3A_709 : vector<16xi32>
      %or3A_711 = arith.ori %shift_left3A_704, %shift_left3A_710 : vector<16xi32>
      %shift_left3A_712 = arith.constant 6 : i32
      %shift_left3A_713 = vector.broadcast %shift_left3A_712 : i32 to vector<16xi32>
      %shift_left3A_714 = arith.shli %get3A_691, %shift_left3A_713 : vector<16xi32>
      %or3A_715 = arith.ori %or3A_711, %shift_left3A_714 : vector<16xi32>
      %swap3A_716 = arith.index_cast %add3A_696 : i32 to index
      %swap3A_717 = tpu.vector_load %arg10[%swap3A_716] {strides = array<i32>} : memref<416xi32, #tpu.memory_space<vmem>>, vector<16xi32>,
      tpu.vector_store %arg10[%swap3A_716], %or3A_715 {strides = array<i32>} : memref<416xi32, #tpu.memory_space<vmem>>, vector<16xi32>,
      %shift_right_logical3A_718 = arith.constant 1 : i32
      %shift_right_logical3A_719 = vector.broadcast %shift_right_logical3A_718 : i32 to vector<16xi32>
      %shift_right_logical3A_720 = arith.shrui %get3A_694, %shift_right_logical3A_719 : vector<16xi32>
      %swap3A_721 = arith.index_cast %add3A_696 : i32 to index
      %swap3A_722 = tpu.vector_load %arg9[%swap3A_721] {strides = array<i32>} : memref<416xi32, #tpu.memory_space<vmem>>, vector<16xi32>,
      tpu.vector_store %arg9[%swap3A_721], %shift_right_logical3A_720 {strides = array<i32>} : memref<416xi32, #tpu.memory_space<vmem>>, vector<16xi32>,
      %reduce_sum3A_723 = arith.constant true
      %reduce_sum3A_724 = vector.broadcast %reduce_sum3A_723 : i1 to vector<16xi1>
      %reduce_sum3A_725 = tpu.scan <sum>, %get3A_691 masked %reduce_sum3A_724 : vector<16xi32>, vector<16xi1> -> vector<16xi32>
      %reduce_sum3A_726 = vector.extract %reduce_sum3A_725[15] : i32 from vector<16xi32>
      %add3A_727 = arith.addi %add3A_688, %reduce_sum3A_726 : i32
      %get3A_728 = arith.index_cast %and3A_603 : i32 to index
      %get3A_729 = arith.constant 48 : index
      %get3A_730 = tpu.vector_load %arg8[%get3A_728, %get3A_729] {strides = array<i32>} : memref<8x200xi32, #tpu.memory_space<vmem>>, vector<16xi32>,
      %get3A_731 = arith.index_cast %and3A_603 : i32 to index
      %get3A_732 = arith.constant 48 : index
      %get3A_733 = tpu.vector_load %arg7[%get3A_731, %get3A_732] {strides = array<i32>} : memref<8x200xi32, #tpu.memory_space<vmem>>, vector<16xi32>,
      %add3A_734 = arith.constant 48 : i32
      %add3A_735 = arith.addi %multiple_of3A_608, %add3A_734 : i32
      %broadcast_in_dim3A_736 = vector.broadcast %add3A_727 : i32 to vector<16xi32>
      %broadcast_in_dim3A_737 = arith.constant true
      %broadcast_in_dim3A_738 = vector.broadcast %broadcast_in_dim3A_737 : i1 to vector<16xi1>
      %masked_cumsum3A_739 = tpu.scan <sum>, %get3A_730 masked %broadcast_in_dim3A_738 : vector<16xi32>, vector<16xi1> -> vector<16xi32>
      %add3A_740 = arith.addi %masked_cumsum3A_739, %broadcast_in_dim3A_736 : vector<16xi32>
      %shift_left3A_741 = arith.constant 8 : i32
      %shift_left3A_742 = vector.broadcast %shift_left3A_741 : i32 to vector<16xi32>
      %shift_left3A_743 = arith.shli %add3A_740, %shift_left3A_742 : vector<16xi32>
      %and3A_744 = arith.constant 1 : i32
      %and3A_745 = vector.broadcast %and3A_744 : i32 to vector<16xi32>
      %and3A_746 = arith.andi %get3A_733, %and3A_745 : vector<16xi32>
      %shift_left3A_747 = arith.constant 7 : i32
      %shift_left3A_748 = vector.broadcast %shift_left3A_747 : i32 to vector<16xi32>
      %shift_left3A_749 = arith.shli %and3A_746, %shift_left3A_748 : vector<16xi32>
      %or3A_750 = arith.ori %shift_left3A_743, %shift_left3A_749 : vector<16xi32>
      %shift_left3A_751 = arith.constant 6 : i32
      %shift_left3A_752 = vector.broadcast %shift_left3A_751 : i32 to vector<16xi32>
      %shift_left3A_753 = arith.shli %get3A_730, %shift_left3A_752 : vector<16xi32>
      %or3A_754 = arith.ori %or3A_750, %shift_left3A_753 : vector<16xi32>
      %swap3A_755 = arith.index_cast %add3A_735 : i32 to index
      %swap3A_756 = tpu.vector_load %arg10[%swap3A_755] {strides = array<i32>} : memref<416xi32, #tpu.memory_space<vmem>>, vector<16xi32>,
      tpu.vector_store %arg10[%swap3A_755], %or3A_754 {strides = array<i32>} : memref<416xi32, #tpu.memory_space<vmem>>, vector<16xi32>,
      %shift_right_logical3A_757 = arith.constant 1 : i32
      %shift_right_logical3A_758 = vector.broadcast %shift_right_logical3A_757 : i32 to vector<16xi32>
      %shift_right_logical3A_759 = arith.shrui %get3A_733, %shift_right_logical3A_758 : vector<16xi32>
      %swap3A_760 = arith.index_cast %add3A_735 : i32 to index
      %swap3A_761 = tpu.vector_load %arg9[%swap3A_760] {strides = array<i32>} : memref<416xi32, #tpu.memory_space<vmem>>, vector<16xi32>,
      tpu.vector_store %arg9[%swap3A_760], %shift_right_logical3A_759 {strides = array<i32>} : memref<416xi32, #tpu.memory_space<vmem>>, vector<16xi32>,
      %reduce_sum3A_762 = arith.constant true
      %reduce_sum3A_763 = vector.broadcast %reduce_sum3A_762 : i1 to vector<16xi1>
      %reduce_sum3A_764 = tpu.scan <sum>, %get3A_730 masked %reduce_sum3A_763 : vector<16xi32>, vector<16xi1> -> vector<16xi32>
      %reduce_sum3A_765 = vector.extract %reduce_sum3A_764[15] : i32 from vector<16xi32>
      %add3A_766 = arith.addi %add3A_727, %reduce_sum3A_765 : i32
      %get3A_767 = arith.index_cast %and3A_603 : i32 to index
      %get3A_768 = arith.constant 64 : index
      %get3A_769 = tpu.vector_load %arg8[%get3A_767, %get3A_768] {strides = array<i32>} : memref<8x200xi32, #tpu.memory_space<vmem>>, vector<16xi32>,
      %get3A_770 = arith.index_cast %and3A_603 : i32 to index
      %get3A_771 = arith.constant 64 : index
      %get3A_772 = tpu.vector_load %arg7[%get3A_770, %get3A_771] {strides = array<i32>} : memref<8x200xi32, #tpu.memory_space<vmem>>, vector<16xi32>,
      %add3A_773 = arith.constant 64 : i32
      %add3A_774 = arith.addi %multiple_of3A_608, %add3A_773 : i32
      %broadcast_in_dim3A_775 = vector.broadcast %add3A_766 : i32 to vector<16xi32>
      %broadcast_in_dim3A_776 = arith.constant true
      %broadcast_in_dim3A_777 = vector.broadcast %broadcast_in_dim3A_776 : i1 to vector<16xi1>
      %masked_cumsum3A_778 = tpu.scan <sum>, %get3A_769 masked %broadcast_in_dim3A_777 : vector<16xi32>, vector<16xi1> -> vector<16xi32>
      %add3A_779 = arith.addi %masked_cumsum3A_778, %broadcast_in_dim3A_775 : vector<16xi32>
      %shift_left3A_780 = arith.constant 8 : i32
      %shift_left3A_781 = vector.broadcast %shift_left3A_780 : i32 to vector<16xi32>
      %shift_left3A_782 = arith.shli %add3A_779, %shift_left3A_781 : vector<16xi32>
      %and3A_783 = arith.constant 1 : i32
      %and3A_784 = vector.broadcast %and3A_783 : i32 to vector<16xi32>
      %and3A_785 = arith.andi %get3A_772, %and3A_784 : vector<16xi32>
      %shift_left3A_786 = arith.constant 7 : i32
      %shift_left3A_787 = vector.broadcast %shift_left3A_786 : i32 to vector<16xi32>
      %shift_left3A_788 = arith.shli %and3A_785, %shift_left3A_787 : vector<16xi32>
      %or3A_789 = arith.ori %shift_left3A_782, %shift_left3A_788 : vector<16xi32>
      %shift_left3A_790 = arith.constant 6 : i32
      %shift_left3A_791 = vector.broadcast %shift_left3A_790 : i32 to vector<16xi32>
      %shift_left3A_792 = arith.shli %get3A_769, %shift_left3A_791 : vector<16xi32>
      %or3A_793 = arith.ori %or3A_789, %shift_left3A_792 : vector<16xi32>
      %swap3A_794 = arith.index_cast %add3A_774 : i32 to index
      %swap3A_795 = tpu.vector_load %arg10[%swap3A_794] {strides = array<i32>} : memref<416xi32, #tpu.memory_space<vmem>>, vector<16xi32>,
      tpu.vector_store %arg10[%swap3A_794], %or3A_793 {strides = array<i32>} : memref<416xi32, #tpu.memory_space<vmem>>, vector<16xi32>,
      %shift_right_logical3A_796 = arith.constant 1 : i32
      %shift_right_logical3A_797 = vector.broadcast %shift_right_logical3A_796 : i32 to vector<16xi32>
      %shift_right_logical3A_798 = arith.shrui %get3A_772, %shift_right_logical3A_797 : vector<16xi32>
      %swap3A_799 = arith.index_cast %add3A_774 : i32 to index
      %swap3A_800 = tpu.vector_load %arg9[%swap3A_799] {strides = array<i32>} : memref<416xi32, #tpu.memory_space<vmem>>, vector<16xi32>,
      tpu.vector_store %arg9[%swap3A_799], %shift_right_logical3A_798 {strides = array<i32>} : memref<416xi32, #tpu.memory_space<vmem>>, vector<16xi32>,
      %reduce_sum3A_801 = arith.constant true
      %reduce_sum3A_802 = vector.broadcast %reduce_sum3A_801 : i1 to vector<16xi1>
      %reduce_sum3A_803 = tpu.scan <sum>, %get3A_769 masked %reduce_sum3A_802 : vector<16xi32>, vector<16xi1> -> vector<16xi32>
      %reduce_sum3A_804 = vector.extract %reduce_sum3A_803[15] : i32 from vector<16xi32>
      %add3A_805 = arith.addi %add3A_766, %reduce_sum3A_804 : i32
      %get3A_806 = arith.index_cast %and3A_603 : i32 to index
      %get3A_807 = arith.constant 80 : index
      %get3A_808 = tpu.vector_load %arg8[%get3A_806, %get3A_807] {strides = array<i32>} : memref<8x200xi32, #tpu.memory_space<vmem>>, vector<16xi32>,
      %get3A_809 = arith.index_cast %and3A_603 : i32 to index
      %get3A_810 = arith.constant 80 : index
      %get3A_811 = tpu.vector_load %arg7[%get3A_809, %get3A_810] {strides = array<i32>} : memref<8x200xi32, #tpu.memory_space<vmem>>, vector<16xi32>,
      %add3A_812 = arith.constant 80 : i32
      %add3A_813 = arith.addi %multiple_of3A_608, %add3A_812 : i32
      %broadcast_in_dim3A_814 = vector.broadcast %add3A_805 : i32 to vector<16xi32>
      %broadcast_in_dim3A_815 = arith.constant true
      %broadcast_in_dim3A_816 = vector.broadcast %broadcast_in_dim3A_815 : i1 to vector<16xi1>
      %masked_cumsum3A_817 = tpu.scan <sum>, %get3A_808 masked %broadcast_in_dim3A_816 : vector<16xi32>, vector<16xi1> -> vector<16xi32>
      %add3A_818 = arith.addi %masked_cumsum3A_817, %broadcast_in_dim3A_814 : vector<16xi32>
      %shift_left3A_819 = arith.constant 8 : i32
      %shift_left3A_820 = vector.broadcast %shift_left3A_819 : i32 to vector<16xi32>
      %shift_left3A_821 = arith.shli %add3A_818, %shift_left3A_820 : vector<16xi32>
      %and3A_822 = arith.constant 1 : i32
      %and3A_823 = vector.broadcast %and3A_822 : i32 to vector<16xi32>
      %and3A_824 = arith.andi %get3A_811, %and3A_823 : vector<16xi32>
      %shift_left3A_825 = arith.constant 7 : i32
      %shift_left3A_826 = vector.broadcast %shift_left3A_825 : i32 to vector<16xi32>
      %shift_left3A_827 = arith.shli %and3A_824, %shift_left3A_826 : vector<16xi32>
      %or3A_828 = arith.ori %shift_left3A_821, %shift_left3A_827 : vector<16xi32>
      %shift_left3A_829 = arith.constant 6 : i32
      %shift_left3A_830 = vector.broadcast %shift_left3A_829 : i32 to vector<16xi32>
      %shift_left3A_831 = arith.shli %get3A_808, %shift_left3A_830 : vector<16xi32>
      %or3A_832 = arith.ori %or3A_828, %shift_left3A_831 : vector<16xi32>
      %swap3A_833 = arith.index_cast %add3A_813 : i32 to index
      %swap3A_834 = tpu.vector_load %arg10[%swap3A_833] {strides = array<i32>} : memref<416xi32, #tpu.memory_space<vmem>>, vector<16xi32>,
      tpu.vector_store %arg10[%swap3A_833], %or3A_832 {strides = array<i32>} : memref<416xi32, #tpu.memory_space<vmem>>, vector<16xi32>,
      %shift_right_logical3A_835 = arith.constant 1 : i32
      %shift_right_logical3A_836 = vector.broadcast %shift_right_logical3A_835 : i32 to vector<16xi32>
      %shift_right_logical3A_837 = arith.shrui %get3A_811, %shift_right_logical3A_836 : vector<16xi32>
      %swap3A_838 = arith.index_cast %add3A_813 : i32 to index
      %swap3A_839 = tpu.vector_load %arg9[%swap3A_838] {strides = array<i32>} : memref<416xi32, #tpu.memory_space<vmem>>, vector<16xi32>,
      tpu.vector_store %arg9[%swap3A_838], %shift_right_logical3A_837 {strides = array<i32>} : memref<416xi32, #tpu.memory_space<vmem>>, vector<16xi32>,
      %reduce_sum3A_840 = arith.constant true
      %reduce_sum3A_841 = vector.broadcast %reduce_sum3A_840 : i1 to vector<16xi1>
      %reduce_sum3A_842 = tpu.scan <sum>, %get3A_808 masked %reduce_sum3A_841 : vector<16xi32>, vector<16xi1> -> vector<16xi32>
      %reduce_sum3A_843 = vector.extract %reduce_sum3A_842[15] : i32 from vector<16xi32>
      %add3A_844 = arith.addi %add3A_805, %reduce_sum3A_843 : i32
      %get3A_845 = arith.index_cast %and3A_603 : i32 to index
      %get3A_846 = arith.constant 96 : index
      %get3A_847 = tpu.vector_load %arg8[%get3A_845, %get3A_846] {strides = array<i32>} : memref<8x200xi32, #tpu.memory_space<vmem>>, vector<16xi32>,
      %get3A_848 = arith.index_cast %and3A_603 : i32 to index
      %get3A_849 = arith.constant 96 : index
      %get3A_850 = tpu.vector_load %arg7[%get3A_848, %get3A_849] {strides = array<i32>} : memref<8x200xi32, #tpu.memory_space<vmem>>, vector<16xi32>,
      %add3A_851 = arith.constant 96 : i32
      %add3A_852 = arith.addi %multiple_of3A_608, %add3A_851 : i32
      %broadcast_in_dim3A_853 = vector.broadcast %add3A_844 : i32 to vector<16xi32>
      %broadcast_in_dim3A_854 = arith.constant true
      %broadcast_in_dim3A_855 = vector.broadcast %broadcast_in_dim3A_854 : i1 to vector<16xi1>
      %masked_cumsum3A_856 = tpu.scan <sum>, %get3A_847 masked %broadcast_in_dim3A_855 : vector<16xi32>, vector<16xi1> -> vector<16xi32>
      %add3A_857 = arith.addi %masked_cumsum3A_856, %broadcast_in_dim3A_853 : vector<16xi32>
      %shift_left3A_858 = arith.constant 8 : i32
      %shift_left3A_859 = vector.broadcast %shift_left3A_858 : i32 to vector<16xi32>
      %shift_left3A_860 = arith.shli %add3A_857, %shift_left3A_859 : vector<16xi32>
      %and3A_861 = arith.constant 1 : i32
      %and3A_862 = vector.broadcast %and3A_861 : i32 to vector<16xi32>
      %and3A_863 = arith.andi %get3A_850, %and3A_862 : vector<16xi32>
      %shift_left3A_864 = arith.constant 7 : i32
      %shift_left3A_865 = vector.broadcast %shift_left3A_864 : i32 to vector<16xi32>
      %shift_left3A_866 = arith.shli %and3A_863, %shift_left3A_865 : vector<16xi32>
      %or3A_867 = arith.ori %shift_left3A_860, %shift_left3A_866 : vector<16xi32>
      %shift_left3A_868 = arith.constant 6 : i32
      %shift_left3A_869 = vector.broadcast %shift_left3A_868 : i32 to vector<16xi32>
      %shift_left3A_870 = arith.shli %get3A_847, %shift_left3A_869 : vector<16xi32>
      %or3A_871 = arith.ori %or3A_867, %shift_left3A_870 : vector<16xi32>
      %swap3A_872 = arith.index_cast %add3A_852 : i32 to index
      %swap3A_873 = tpu.vector_load %arg10[%swap3A_872] {strides = array<i32>} : memref<416xi32, #tpu.memory_space<vmem>>, vector<16xi32>,
      tpu.vector_store %arg10[%swap3A_872], %or3A_871 {strides = array<i32>} : memref<416xi32, #tpu.memory_space<vmem>>, vector<16xi32>,
      %shift_right_logical3A_874 = arith.constant 1 : i32
      %shift_right_logical3A_875 = vector.broadcast %shift_right_logical3A_874 : i32 to vector<16xi32>
      %shift_right_logical3A_876 = arith.shrui %get3A_850, %shift_right_logical3A_875 : vector<16xi32>
      %swap3A_877 = arith.index_cast %add3A_852 : i32 to index
      %swap3A_878 = tpu.vector_load %arg9[%swap3A_877] {strides = array<i32>} : memref<416xi32, #tpu.memory_space<vmem>>, vector<16xi32>,
      tpu.vector_store %arg9[%swap3A_877], %shift_right_logical3A_876 {strides = array<i32>} : memref<416xi32, #tpu.memory_space<vmem>>, vector<16xi32>,
      %reduce_sum3A_879 = arith.constant true
      %reduce_sum3A_880 = vector.broadcast %reduce_sum3A_879 : i1 to vector<16xi1>
      %reduce_sum3A_881 = tpu.scan <sum>, %get3A_847 masked %reduce_sum3A_880 : vector<16xi32>, vector<16xi1> -> vector<16xi32>
      %reduce_sum3A_882 = vector.extract %reduce_sum3A_881[15] : i32 from vector<16xi32>
      %add3A_883 = arith.addi %add3A_844, %reduce_sum3A_882 : i32
      %get3A_884 = arith.index_cast %and3A_603 : i32 to index
      %get3A_885 = arith.constant 112 : index
      %get3A_886 = tpu.vector_load %arg8[%get3A_884, %get3A_885] {strides = array<i32>} : memref<8x200xi32, #tpu.memory_space<vmem>>, vector<16xi32>,
      %get3A_887 = arith.index_cast %and3A_603 : i32 to index
      %get3A_888 = arith.constant 112 : index
      %get3A_889 = tpu.vector_load %arg7[%get3A_887, %get3A_888] {strides = array<i32>} : memref<8x200xi32, #tpu.memory_space<vmem>>, vector<16xi32>,
      %add3A_890 = arith.constant 112 : i32
      %add3A_891 = arith.addi %multiple_of3A_608, %add3A_890 : i32
      %broadcast_in_dim3A_892 = vector.broadcast %add3A_883 : i32 to vector<16xi32>
      %broadcast_in_dim3A_893 = arith.constant true
      %broadcast_in_dim3A_894 = vector.broadcast %broadcast_in_dim3A_893 : i1 to vector<16xi1>
      %masked_cumsum3A_895 = tpu.scan <sum>, %get3A_886 masked %broadcast_in_dim3A_894 : vector<16xi32>, vector<16xi1> -> vector<16xi32>
      %add3A_896 = arith.addi %masked_cumsum3A_895, %broadcast_in_dim3A_892 : vector<16xi32>
      %shift_left3A_897 = arith.constant 8 : i32
      %shift_left3A_898 = vector.broadcast %shift_left3A_897 : i32 to vector<16xi32>
      %shift_left3A_899 = arith.shli %add3A_896, %shift_left3A_898 : vector<16xi32>
      %and3A_900 = arith.constant 1 : i32
      %and3A_901 = vector.broadcast %and3A_900 : i32 to vector<16xi32>
      %and3A_902 = arith.andi %get3A_889, %and3A_901 : vector<16xi32>
      %shift_left3A_903 = arith.constant 7 : i32
      %shift_left3A_904 = vector.broadcast %shift_left3A_903 : i32 to vector<16xi32>
      %shift_left3A_905 = arith.shli %and3A_902, %shift_left3A_904 : vector<16xi32>
      %or3A_906 = arith.ori %shift_left3A_899, %shift_left3A_905 : vector<16xi32>
      %shift_left3A_907 = arith.constant 6 : i32
      %shift_left3A_908 = vector.broadcast %shift_left3A_907 : i32 to vector<16xi32>
      %shift_left3A_909 = arith.shli %get3A_886, %shift_left3A_908 : vector<16xi32>
      %or3A_910 = arith.ori %or3A_906, %shift_left3A_909 : vector<16xi32>
      %swap3A_911 = arith.index_cast %add3A_891 : i32 to index
      %swap3A_912 = tpu.vector_load %arg10[%swap3A_911] {strides = array<i32>} : memref<416xi32, #tpu.memory_space<vmem>>, vector<16xi32>,
      tpu.vector_store %arg10[%swap3A_911], %or3A_910 {strides = array<i32>} : memref<416xi32, #tpu.memory_space<vmem>>, vector<16xi32>,
      %shift_right_logical3A_913 = arith.constant 1 : i32
      %shift_right_logical3A_914 = vector.broadcast %shift_right_logical3A_913 : i32 to vector<16xi32>
      %shift_right_logical3A_915 = arith.shrui %get3A_889, %shift_right_logical3A_914 : vector<16xi32>
      %swap3A_916 = arith.index_cast %add3A_891 : i32 to index
      %swap3A_917 = tpu.vector_load %arg9[%swap3A_916] {strides = array<i32>} : memref<416xi32, #tpu.memory_space<vmem>>, vector<16xi32>,
      tpu.vector_store %arg9[%swap3A_916], %shift_right_logical3A_915 {strides = array<i32>} : memref<416xi32, #tpu.memory_space<vmem>>, vector<16xi32>,
      %reduce_sum3A_918 = arith.constant true
      %reduce_sum3A_919 = vector.broadcast %reduce_sum3A_918 : i1 to vector<16xi1>
      %reduce_sum3A_920 = tpu.scan <sum>, %get3A_886 masked %reduce_sum3A_919 : vector<16xi32>, vector<16xi1> -> vector<16xi32>
      %reduce_sum3A_921 = vector.extract %reduce_sum3A_920[15] : i32 from vector<16xi32>
      %add3A_922 = arith.addi %add3A_883, %reduce_sum3A_921 : i32
      %get3A_923 = arith.index_cast %and3A_603 : i32 to index
      %get3A_924 = arith.constant 128 : index
      %get3A_925 = tpu.vector_load %arg8[%get3A_923, %get3A_924] {strides = array<i32>} : memref<8x200xi32, #tpu.memory_space<vmem>>, vector<16xi32>,
      %get3A_926 = arith.index_cast %and3A_603 : i32 to index
      %get3A_927 = arith.constant 128 : index
      %get3A_928 = tpu.vector_load %arg7[%get3A_926, %get3A_927] {strides = array<i32>} : memref<8x200xi32, #tpu.memory_space<vmem>>, vector<16xi32>,
      %add3A_929 = arith.constant 128 : i32
      %add3A_930 = arith.addi %multiple_of3A_608, %add3A_929 : i32
      %broadcast_in_dim3A_931 = vector.broadcast %add3A_922 : i32 to vector<16xi32>
      %broadcast_in_dim3A_932 = arith.constant true
      %broadcast_in_dim3A_933 = vector.broadcast %broadcast_in_dim3A_932 : i1 to vector<16xi1>
      %masked_cumsum3A_934 = tpu.scan <sum>, %get3A_925 masked %broadcast_in_dim3A_933 : vector<16xi32>, vector<16xi1> -> vector<16xi32>
      %add3A_935 = arith.addi %masked_cumsum3A_934, %broadcast_in_dim3A_931 : vector<16xi32>
      %shift_left3A_936 = arith.constant 8 : i32
      %shift_left3A_937 = vector.broadcast %shift_left3A_936 : i32 to vector<16xi32>
      %shift_left3A_938 = arith.shli %add3A_935, %shift_left3A_937 : vector<16xi32>
      %and3A_939 = arith.constant 1 : i32
      %and3A_940 = vector.broadcast %and3A_939 : i32 to vector<16xi32>
      %and3A_941 = arith.andi %get3A_928, %and3A_940 : vector<16xi32>
      %shift_left3A_942 = arith.constant 7 : i32
      %shift_left3A_943 = vector.broadcast %shift_left3A_942 : i32 to vector<16xi32>
      %shift_left3A_944 = arith.shli %and3A_941, %shift_left3A_943 : vector<16xi32>
      %or3A_945 = arith.ori %shift_left3A_938, %shift_left3A_944 : vector<16xi32>
      %shift_left3A_946 = arith.constant 6 : i32
      %shift_left3A_947 = vector.broadcast %shift_left3A_946 : i32 to vector<16xi32>
      %shift_left3A_948 = arith.shli %get3A_925, %shift_left3A_947 : vector<16xi32>
      %or3A_949 = arith.ori %or3A_945, %shift_left3A_948 : vector<16xi32>
      %swap3A_950 = arith.index_cast %add3A_930 : i32 to index
      %swap3A_951 = tpu.vector_load %arg10[%swap3A_950] {strides = array<i32>} : memref<416xi32, #tpu.memory_space<vmem>>, vector<16xi32>,
      tpu.vector_store %arg10[%swap3A_950], %or3A_949 {strides = array<i32>} : memref<416xi32, #tpu.memory_space<vmem>>, vector<16xi32>,
      %shift_right_logical3A_952 = arith.constant 1 : i32
      %shift_right_logical3A_953 = vector.broadcast %shift_right_logical3A_952 : i32 to vector<16xi32>
      %shift_right_logical3A_954 = arith.shrui %get3A_928, %shift_right_logical3A_953 : vector<16xi32>
      %swap3A_955 = arith.index_cast %add3A_930 : i32 to index
      %swap3A_956 = tpu.vector_load %arg9[%swap3A_955] {strides = array<i32>} : memref<416xi32, #tpu.memory_space<vmem>>, vector<16xi32>,
      tpu.vector_store %arg9[%swap3A_955], %shift_right_logical3A_954 {strides = array<i32>} : memref<416xi32, #tpu.memory_space<vmem>>, vector<16xi32>,
      %reduce_sum3A_957 = arith.constant true
      %reduce_sum3A_958 = vector.broadcast %reduce_sum3A_957 : i1 to vector<16xi1>
      %reduce_sum3A_959 = tpu.scan <sum>, %get3A_925 masked %reduce_sum3A_958 : vector<16xi32>, vector<16xi1> -> vector<16xi32>
      %reduce_sum3A_960 = vector.extract %reduce_sum3A_959[15] : i32 from vector<16xi32>
      %add3A_961 = arith.addi %add3A_922, %reduce_sum3A_960 : i32
      %get3A_962 = arith.index_cast %and3A_603 : i32 to index
      %get3A_963 = arith.constant 144 : index
      %get3A_964 = tpu.vector_load %arg8[%get3A_962, %get3A_963] {strides = array<i32>} : memref<8x200xi32, #tpu.memory_space<vmem>>, vector<16xi32>,
      %get3A_965 = arith.index_cast %and3A_603 : i32 to index
      %get3A_966 = arith.constant 144 : index
      %get3A_967 = tpu.vector_load %arg7[%get3A_965, %get3A_966] {strides = array<i32>} : memref<8x200xi32, #tpu.memory_space<vmem>>, vector<16xi32>,
      %add3A_968 = arith.constant 144 : i32
      %add3A_969 = arith.addi %multiple_of3A_608, %add3A_968 : i32
      %broadcast_in_dim3A_970 = vector.broadcast %add3A_961 : i32 to vector<16xi32>
      %broadcast_in_dim3A_971 = arith.constant true
      %broadcast_in_dim3A_972 = vector.broadcast %broadcast_in_dim3A_971 : i1 to vector<16xi1>
      %masked_cumsum3A_973 = tpu.scan <sum>, %get3A_964 masked %broadcast_in_dim3A_972 : vector<16xi32>, vector<16xi1> -> vector<16xi32>
      %add3A_974 = arith.addi %masked_cumsum3A_973, %broadcast_in_dim3A_970 : vector<16xi32>
      %shift_left3A_975 = arith.constant 8 : i32
      %shift_left3A_976 = vector.broadcast %shift_left3A_975 : i32 to vector<16xi32>
      %shift_left3A_977 = arith.shli %add3A_974, %shift_left3A_976 : vector<16xi32>
      %and3A_978 = arith.constant 1 : i32
      %and3A_979 = vector.broadcast %and3A_978 : i32 to vector<16xi32>
      %and3A_980 = arith.andi %get3A_967, %and3A_979 : vector<16xi32>
      %shift_left3A_981 = arith.constant 7 : i32
      %shift_left3A_982 = vector.broadcast %shift_left3A_981 : i32 to vector<16xi32>
      %shift_left3A_983 = arith.shli %and3A_980, %shift_left3A_982 : vector<16xi32>
      %or3A_984 = arith.ori %shift_left3A_977, %shift_left3A_983 : vector<16xi32>
      %shift_left3A_985 = arith.constant 6 : i32
      %shift_left3A_986 = vector.broadcast %shift_left3A_985 : i32 to vector<16xi32>
      %shift_left3A_987 = arith.shli %get3A_964, %shift_left3A_986 : vector<16xi32>
      %or3A_988 = arith.ori %or3A_984, %shift_left3A_987 : vector<16xi32>
      %swap3A_989 = arith.index_cast %add3A_969 : i32 to index
      %swap3A_990 = tpu.vector_load %arg10[%swap3A_989] {strides = array<i32>} : memref<416xi32, #tpu.memory_space<vmem>>, vector<16xi32>,
      tpu.vector_store %arg10[%swap3A_989], %or3A_988 {strides = array<i32>} : memref<416xi32, #tpu.memory_space<vmem>>, vector<16xi32>,
      %shift_right_logical3A_991 = arith.constant 1 : i32
      %shift_right_logical3A_992 = vector.broadcast %shift_right_logical3A_991 : i32 to vector<16xi32>
      %shift_right_logical3A_993 = arith.shrui %get3A_967, %shift_right_logical3A_992 : vector<16xi32>
      %swap3A_994 = arith.index_cast %add3A_969 : i32 to index
      %swap3A_995 = tpu.vector_load %arg9[%swap3A_994] {strides = array<i32>} : memref<416xi32, #tpu.memory_space<vmem>>, vector<16xi32>,
      tpu.vector_store %arg9[%swap3A_994], %shift_right_logical3A_993 {strides = array<i32>} : memref<416xi32, #tpu.memory_space<vmem>>, vector<16xi32>,
      %reduce_sum3A_996 = arith.constant true
      %reduce_sum3A_997 = vector.broadcast %reduce_sum3A_996 : i1 to vector<16xi1>
      %reduce_sum3A_998 = tpu.scan <sum>, %get3A_964 masked %reduce_sum3A_997 : vector<16xi32>, vector<16xi1> -> vector<16xi32>
      %reduce_sum3A_999 = vector.extract %reduce_sum3A_998[15] : i32 from vector<16xi32>
      %add3A_1000 = arith.addi %add3A_961, %reduce_sum3A_999 : i32
      %get3A_1001 = arith.index_cast %and3A_603 : i32 to index
      %get3A_1002 = arith.constant 160 : index
      %get3A_1003 = tpu.vector_load %arg8[%get3A_1001, %get3A_1002] {strides = array<i32>} : memref<8x200xi32, #tpu.memory_space<vmem>>, vector<16xi32>,
      %get3A_1004 = arith.index_cast %and3A_603 : i32 to index
      %get3A_1005 = arith.constant 160 : index
      %get3A_1006 = tpu.vector_load %arg7[%get3A_1004, %get3A_1005] {strides = array<i32>} : memref<8x200xi32, #tpu.memory_space<vmem>>, vector<16xi32>,
      %add3A_1007 = arith.constant 160 : i32
      %add3A_1008 = arith.addi %multiple_of3A_608, %add3A_1007 : i32
      %broadcast_in_dim3A_1009 = vector.broadcast %add3A_1000 : i32 to vector<16xi32>
      %broadcast_in_dim3A_1010 = arith.constant true
      %broadcast_in_dim3A_1011 = vector.broadcast %broadcast_in_dim3A_1010 : i1 to vector<16xi1>
      %masked_cumsum3A_1012 = tpu.scan <sum>, %get3A_1003 masked %broadcast_in_dim3A_1011 : vector<16xi32>, vector<16xi1> -> vector<16xi32>
      %add3A_1013 = arith.addi %masked_cumsum3A_1012, %broadcast_in_dim3A_1009 : vector<16xi32>
      %shift_left3A_1014 = arith.constant 8 : i32
      %shift_left3A_1015 = vector.broadcast %shift_left3A_1014 : i32 to vector<16xi32>
      %shift_left3A_1016 = arith.shli %add3A_1013, %shift_left3A_1015 : vector<16xi32>
      %and3A_1017 = arith.constant 1 : i32
      %and3A_1018 = vector.broadcast %and3A_1017 : i32 to vector<16xi32>
      %and3A_1019 = arith.andi %get3A_1006, %and3A_1018 : vector<16xi32>
      %shift_left3A_1020 = arith.constant 7 : i32
      %shift_left3A_1021 = vector.broadcast %shift_left3A_1020 : i32 to vector<16xi32>
      %shift_left3A_1022 = arith.shli %and3A_1019, %shift_left3A_1021 : vector<16xi32>
      %or3A_1023 = arith.ori %shift_left3A_1016, %shift_left3A_1022 : vector<16xi32>
      %shift_left3A_1024 = arith.constant 6 : i32
      %shift_left3A_1025 = vector.broadcast %shift_left3A_1024 : i32 to vector<16xi32>
      %shift_left3A_1026 = arith.shli %get3A_1003, %shift_left3A_1025 : vector<16xi32>
      %or3A_1027 = arith.ori %or3A_1023, %shift_left3A_1026 : vector<16xi32>
      %swap3A_1028 = arith.index_cast %add3A_1008 : i32 to index
      %swap3A_1029 = tpu.vector_load %arg10[%swap3A_1028] {strides = array<i32>} : memref<416xi32, #tpu.memory_space<vmem>>, vector<16xi32>,
      tpu.vector_store %arg10[%swap3A_1028], %or3A_1027 {strides = array<i32>} : memref<416xi32, #tpu.memory_space<vmem>>, vector<16xi32>,
      %shift_right_logical3A_1030 = arith.constant 1 : i32
      %shift_right_logical3A_1031 = vector.broadcast %shift_right_logical3A_1030 : i32 to vector<16xi32>
      %shift_right_logical3A_1032 = arith.shrui %get3A_1006, %shift_right_logical3A_1031 : vector<16xi32>
      %swap3A_1033 = arith.index_cast %add3A_1008 : i32 to index
      %swap3A_1034 = tpu.vector_load %arg9[%swap3A_1033] {strides = array<i32>} : memref<416xi32, #tpu.memory_space<vmem>>, vector<16xi32>,
      tpu.vector_store %arg9[%swap3A_1033], %shift_right_logical3A_1032 {strides = array<i32>} : memref<416xi32, #tpu.memory_space<vmem>>, vector<16xi32>,
      %reduce_sum3A_1035 = arith.constant true
      %reduce_sum3A_1036 = vector.broadcast %reduce_sum3A_1035 : i1 to vector<16xi1>
      %reduce_sum3A_1037 = tpu.scan <sum>, %get3A_1003 masked %reduce_sum3A_1036 : vector<16xi32>, vector<16xi1> -> vector<16xi32>
      %reduce_sum3A_1038 = vector.extract %reduce_sum3A_1037[15] : i32 from vector<16xi32>
      %add3A_1039 = arith.addi %add3A_1000, %reduce_sum3A_1038 : i32
      %get3A_1040 = arith.index_cast %and3A_603 : i32 to index
      %get3A_1041 = arith.constant 176 : index
      %get3A_1042 = tpu.vector_load %arg8[%get3A_1040, %get3A_1041] {strides = array<i32>} : memref<8x200xi32, #tpu.memory_space<vmem>>, vector<16xi32>,
      %get3A_1043 = arith.index_cast %and3A_603 : i32 to index
      %get3A_1044 = arith.constant 176 : index
      %get3A_1045 = tpu.vector_load %arg7[%get3A_1043, %get3A_1044] {strides = array<i32>} : memref<8x200xi32, #tpu.memory_space<vmem>>, vector<16xi32>,
      %add3A_1046 = arith.constant 176 : i32
      %add3A_1047 = arith.addi %multiple_of3A_608, %add3A_1046 : i32
      %broadcast_in_dim3A_1048 = vector.broadcast %add3A_1039 : i32 to vector<16xi32>
      %broadcast_in_dim3A_1049 = arith.constant true
      %broadcast_in_dim3A_1050 = vector.broadcast %broadcast_in_dim3A_1049 : i1 to vector<16xi1>
      %masked_cumsum3A_1051 = tpu.scan <sum>, %get3A_1042 masked %broadcast_in_dim3A_1050 : vector<16xi32>, vector<16xi1> -> vector<16xi32>
      %add3A_1052 = arith.addi %masked_cumsum3A_1051, %broadcast_in_dim3A_1048 : vector<16xi32>
      %shift_left3A_1053 = arith.constant 8 : i32
      %shift_left3A_1054 = vector.broadcast %shift_left3A_1053 : i32 to vector<16xi32>
      %shift_left3A_1055 = arith.shli %add3A_1052, %shift_left3A_1054 : vector<16xi32>
      %and3A_1056 = arith.constant 1 : i32
      %and3A_1057 = vector.broadcast %and3A_1056 : i32 to vector<16xi32>
      %and3A_1058 = arith.andi %get3A_1045, %and3A_1057 : vector<16xi32>
      %shift_left3A_1059 = arith.constant 7 : i32
      %shift_left3A_1060 = vector.broadcast %shift_left3A_1059 : i32 to vector<16xi32>
      %shift_left3A_1061 = arith.shli %and3A_1058, %shift_left3A_1060 : vector<16xi32>
      %or3A_1062 = arith.ori %shift_left3A_1055, %shift_left3A_1061 : vector<16xi32>
      %shift_left3A_1063 = arith.constant 6 : i32
      %shift_left3A_1064 = vector.broadcast %shift_left3A_1063 : i32 to vector<16xi32>
      %shift_left3A_1065 = arith.shli %get3A_1042, %shift_left3A_1064 : vector<16xi32>
      %or3A_1066 = arith.ori %or3A_1062, %shift_left3A_1065 : vector<16xi32>
      %swap3A_1067 = arith.index_cast %add3A_1047 : i32 to index
      %swap3A_1068 = tpu.vector_load %arg10[%swap3A_1067] {strides = array<i32>} : memref<416xi32, #tpu.memory_space<vmem>>, vector<16xi32>,
      tpu.vector_store %arg10[%swap3A_1067], %or3A_1066 {strides = array<i32>} : memref<416xi32, #tpu.memory_space<vmem>>, vector<16xi32>,
      %shift_right_logical3A_1069 = arith.constant 1 : i32
      %shift_right_logical3A_1070 = vector.broadcast %shift_right_logical3A_1069 : i32 to vector<16xi32>
      %shift_right_logical3A_1071 = arith.shrui %get3A_1045, %shift_right_logical3A_1070 : vector<16xi32>
      %swap3A_1072 = arith.index_cast %add3A_1047 : i32 to index
      %swap3A_1073 = tpu.vector_load %arg9[%swap3A_1072] {strides = array<i32>} : memref<416xi32, #tpu.memory_space<vmem>>, vector<16xi32>,
      tpu.vector_store %arg9[%swap3A_1072], %shift_right_logical3A_1071 {strides = array<i32>} : memref<416xi32, #tpu.memory_space<vmem>>, vector<16xi32>,
      %lt3A_1074 = arith.constant 8 : i32
      %lt3A_1075 = vector.broadcast %lt3A_1074 : i32 to vector<16xi32>
      %lt3A_1076 = arith.cmpi slt, %iota3A, %lt3A_1075 : vector<16xi32>
      %jit3A_1077 = arith.constant 0 : i32
      %broadcast_in_dim3A_1078 = vector.broadcast %jit3A_1077 : i32 to vector<16xi32>
      %select_n3A_1079 = arith.select %lt3A_1076, %get3A_1042, %broadcast_in_dim3A_1078 : vector<16xi1>, vector<16xi32>
      %reduce_sum3A_1080 = arith.constant true
      %reduce_sum3A_1081 = vector.broadcast %reduce_sum3A_1080 : i1 to vector<16xi1>
      %reduce_sum3A_1082 = tpu.scan <sum>, %select_n3A_1079 masked %reduce_sum3A_1081 : vector<16xi32>, vector<16xi1> -> vector<16xi32>
      %reduce_sum3A_1083 = vector.extract %reduce_sum3A_1082[15] : i32 from vector<16xi32>
      %add3A_1084 = arith.addi %add3A_1039, %reduce_sum3A_1083 : i32
      %reduce_sum3A_1085 = arith.constant true
      %reduce_sum3A_1086 = vector.broadcast %reduce_sum3A_1085 : i1 to vector<16xi1>
      %reduce_sum3A_1087 = tpu.scan <sum>, %get3A_1042 masked %reduce_sum3A_1086 : vector<16xi32>, vector<16xi1> -> vector<16xi32>
      %reduce_sum3A_1088 = vector.extract %reduce_sum3A_1087[15] : i32 from vector<16xi32>
      %add3A_1089 = arith.addi %add3A_1039, %reduce_sum3A_1088 : i32
      %get3A_1090 = arith.index_cast %and3A_603 : i32 to index
      %get3A_1091 = arith.constant 184 : index
      %get3A_1092 = tpu.vector_load %arg8[%get3A_1090, %get3A_1091] {strides = array<i32>} : memref<8x200xi32, #tpu.memory_space<vmem>>, vector<16xi32>,
      %get3A_1093 = arith.index_cast %and3A_603 : i32 to index
      %get3A_1094 = arith.constant 184 : index
      %get3A_1095 = tpu.vector_load %arg7[%get3A_1093, %get3A_1094] {strides = array<i32>} : memref<8x200xi32, #tpu.memory_space<vmem>>, vector<16xi32>,
      %add3A_1096 = arith.constant 184 : i32
      %add3A_1097 = arith.addi %multiple_of3A_608, %add3A_1096 : i32
      %broadcast_in_dim3A_1098 = vector.broadcast %add3A_1084 : i32 to vector<16xi32>
      %broadcast_in_dim3A_1099 = arith.constant true
      %broadcast_in_dim3A_1100 = vector.broadcast %broadcast_in_dim3A_1099 : i1 to vector<16xi1>
      %masked_cumsum3A_1101 = tpu.scan <sum>, %get3A_1092 masked %broadcast_in_dim3A_1100 : vector<16xi32>, vector<16xi1> -> vector<16xi32>
      %add3A_1102 = arith.addi %masked_cumsum3A_1101, %broadcast_in_dim3A_1098 : vector<16xi32>
      %shift_left3A_1103 = arith.constant 8 : i32
      %shift_left3A_1104 = vector.broadcast %shift_left3A_1103 : i32 to vector<16xi32>
      %shift_left3A_1105 = arith.shli %add3A_1102, %shift_left3A_1104 : vector<16xi32>
      %and3A_1106 = arith.constant 1 : i32
      %and3A_1107 = vector.broadcast %and3A_1106 : i32 to vector<16xi32>
      %and3A_1108 = arith.andi %get3A_1095, %and3A_1107 : vector<16xi32>
      %shift_left3A_1109 = arith.constant 7 : i32
      %shift_left3A_1110 = vector.broadcast %shift_left3A_1109 : i32 to vector<16xi32>
      %shift_left3A_1111 = arith.shli %and3A_1108, %shift_left3A_1110 : vector<16xi32>
      %or3A_1112 = arith.ori %shift_left3A_1105, %shift_left3A_1111 : vector<16xi32>
      %shift_left3A_1113 = arith.constant 6 : i32
      %shift_left3A_1114 = vector.broadcast %shift_left3A_1113 : i32 to vector<16xi32>
      %shift_left3A_1115 = arith.shli %get3A_1092, %shift_left3A_1114 : vector<16xi32>
      %or3A_1116 = arith.ori %or3A_1112, %shift_left3A_1115 : vector<16xi32>
      %swap3A_1117 = arith.index_cast %add3A_1097 : i32 to index
      %swap3A_1118 = tpu.vector_load %arg10[%swap3A_1117] {strides = array<i32>} : memref<416xi32, #tpu.memory_space<vmem>>, vector<16xi32>,
      tpu.vector_store %arg10[%swap3A_1117], %or3A_1116 {strides = array<i32>} : memref<416xi32, #tpu.memory_space<vmem>>, vector<16xi32>,
      %shift_right_logical3A_1119 = arith.constant 1 : i32
      %shift_right_logical3A_1120 = vector.broadcast %shift_right_logical3A_1119 : i32 to vector<16xi32>
      %shift_right_logical3A_1121 = arith.shrui %get3A_1095, %shift_right_logical3A_1120 : vector<16xi32>
      %swap3A_1122 = arith.index_cast %add3A_1097 : i32 to index
      %swap3A_1123 = tpu.vector_load %arg9[%swap3A_1122] {strides = array<i32>} : memref<416xi32, #tpu.memory_space<vmem>>, vector<16xi32>,
      tpu.vector_store %arg9[%swap3A_1122], %shift_right_logical3A_1121 {strides = array<i32>} : memref<416xi32, #tpu.memory_space<vmem>>, vector<16xi32>,
      %and3A_1124 = arith.constant 1 : i32
      %and3A_1125 = arith.andi %add3A_594, %and3A_1124 : i32
      %mul3A_1126 = arith.constant 200 : i32
      %mul3A_1127 = arith.muli %and3A_1125, %mul3A_1126 : i32
      %multiple_of3A_1128 = tpu.assume_multiple %mul3A_1127, 8 : i32
      %dma_start3A_1129 = arith.constant 0 : i32
      %dma_start3A_1130 = tpu.memref_slice %arg11[%multiple_of3A_1128, %dma_start3A_1129] : memref<400x128xf32, #tpu.memory_space<vmem>> -> memref<200x128xf32, #tpu.memory_space<vmem>>
      %dma_start3A_1131 = tpu.memref_slice %arg9[%multiple_of3A_608] : memref<416xi32, #tpu.memory_space<vmem>> -> memref<200xi32, #tpu.memory_space<vmem>>
      %dma_start3A_1132 = arith.constant 0 : i32
      %dma_start3A_1133 = arith.constant 0 : i32
      %dma_start3A_1134 = tpu.memref_slice %arg4[%dma_start3A_1132, %dma_start3A_1133] : memref<500000x128xf32, #tpu.memory_space<hbm>> -> memref<500000x128xf32, #tpu.memory_space<hbm>>
      tpu.enqueue_indirect_dma source(%dma_start3A_1134 : memref<500000x128xf32, #tpu.memory_space<hbm>>) target(%dma_start3A_1130 : memref<200x128xf32, #tpu.memory_space<vmem>>) offsets(%dma_start3A_1131 : memref<200xi32, #tpu.memory_space<vmem>>) semaphore(%arg18 : memref<!tpu.dma_semaphore, #tpu.memory_space<semaphore_mem>>)
      %mul3A_1135 = arith.constant 208 : i32
      %mul3A_1136 = arith.muli %and3A_580, %mul3A_1135 : i32
      %mul3A_1137 = arith.constant 200 : i32
      %mul3A_1138 = arith.muli %and3A_580, %mul3A_1137 : i32
      %parallel_loop3A = arith.constant 0 : i32
      %parallel_loop3A_1139 = arith.constant 200 : i32
      %parallel_loop3A_1140 = arith.constant 1 : i32
      scf.for %parallel_loop3A_1144 = %parallel_loop3A to %parallel_loop3A_1139 step %parallel_loop3A_1140  : i32 {
        %parallel_loop3A_1145 = arith.addi %mul3A_1136, %parallel_loop3A_1144 : i32
        %parallel_loop3A_1146 = vector.broadcast %parallel_loop3A_1145 : i32 to vector<16xi32>
        %parallel_loop3A_1147 = tpu.vector_load_idx %arg10[%parallel_loop3A_1146] : memref<416xi32, #tpu.memory_space<vmem>>[vector<16xi32>], vector<16xi32>,
        %parallel_loop3A_1148 = arith.constant 6 : i32
        %parallel_loop3A_1149 = vector.broadcast %parallel_loop3A_1148 : i32 to vector<16xi32>
        %parallel_loop3A_1150 = arith.shrui %parallel_loop3A_1147, %parallel_loop3A_1149 : vector<16xi32>
        %parallel_loop3A_1151 = arith.constant 1 : i32
        %parallel_loop3A_1152 = vector.broadcast %parallel_loop3A_1151 : i32 to vector<16xi32>
        %parallel_loop3A_1153 = arith.andi %parallel_loop3A_1150, %parallel_loop3A_1152 : vector<16xi32>
        %parallel_loop3A_1154 = arith.sitofp %parallel_loop3A_1153 : vector<16xi32> to vector<16xf32>
        %parallel_loop3A_1155 = arith.constant 1 : i32
        %parallel_loop3A_1156 = vector.broadcast %parallel_loop3A_1155 : i32 to vector<16xi32>
        %parallel_loop3A_1157 = arith.shrui %parallel_loop3A_1147, %parallel_loop3A_1156 : vector<16xi32>
        %parallel_loop3A_1158 = arith.constant 64 : i32
        %parallel_loop3A_1159 = vector.broadcast %parallel_loop3A_1158 : i32 to vector<16xi32>
        %parallel_loop3A_1160 = arith.andi %parallel_loop3A_1157, %parallel_loop3A_1159 : vector<16xi32>
        %parallel_loop3A_1161 = arith.constant 2 : i32
        %parallel_loop3A_1162 = vector.broadcast %parallel_loop3A_1161 : i32 to vector<16xi32>
        %parallel_loop3A_1163 = arith.shrui %parallel_loop3A_1147, %parallel_loop3A_1162 : vector<16xi32>
        %parallel_loop3A_1164 = arith.constant 63 : i32
        %parallel_loop3A_1165 = arith.constant -1 : i32
        %parallel_loop3A_1166 = arith.xori %parallel_loop3A_1164, %parallel_loop3A_1165 : i32
        %parallel_loop3A_1167 = vector.broadcast %parallel_loop3A_1166 : i32 to vector<16xi32>
        %parallel_loop3A_1168 = arith.andi %parallel_loop3A_1163, %parallel_loop3A_1167 : vector<16xi32>
        %parallel_loop3A_1169 = arith.addi %parallel_loop3A_1168, %iota3A : vector<16xi32>
        %parallel_loop3A_1170 = arith.addi %mul3A_1138, %parallel_loop3A_1144 : i32
        %parallel_loop3A_1171 = vector.broadcast %parallel_loop3A_1170 : i32 to vector<16xi32>
        %parallel_loop3A_1172 = arith.constant 64 : i32
        %parallel_loop3A_1173 = arith.muli %parallel_loop3A_1144, %parallel_loop3A_1172 : i32
        %parallel_loop3A_1174 = tpu.assume_multiple %parallel_loop3A_1173, 8 : i32
        %parallel_loop3A_1175 = arith.constant 0 : i32
        %parallel_loop3A_1176 = vector.broadcast %parallel_loop3A_1175 : i32 to vector<16xi32>
        %parallel_loop3A_1177 = arith.addi %iota3A, %parallel_loop3A_1176 : vector<16xi32>
        %parallel_loop3A_1178 = arith.addi %parallel_loop3A_1160, %parallel_loop3A_1177 : vector<16xi32>
        %parallel_loop3A_1179 = tpu.vector_load_idx %arg11[%parallel_loop3A_1171, %parallel_loop3A_1178] : memref<400x128xf32, #tpu.memory_space<vmem>>[vector<16xi32>, vector<16xi32>], vector<16xf32>,
        %parallel_loop3A_1180 = arith.constant 0 : i32
        %parallel_loop3A_1181 = arith.addi %parallel_loop3A_1174, %parallel_loop3A_1180 : i32
        %parallel_loop3A_1182 = arith.index_cast %parallel_loop3A_1181 : i32 to index
        %parallel_loop3A_1183 = tpu.vector_load %arg12[%parallel_loop3A_1182] {strides = array<i32>} : memref<12800xf32, #tpu.memory_space<vmem>>, vector<16xf32>,
        %parallel_loop3A_1184 = arith.constant 0 : i32
        %parallel_loop3A_1185 = vector.broadcast %parallel_loop3A_1184 : i32 to vector<16xi32>
        %parallel_loop3A_1186 = arith.addi %parallel_loop3A_1169, %parallel_loop3A_1185 : vector<16xi32>
        %parallel_loop3A_1187 = tpu.vector_load_idx %arg13[%parallel_loop3A_1186] : memref<32768xf32, #tpu.memory_space<vmem>>[vector<16xi32>], vector<16xf32>,
        %parallel_loop3A_1188 = arith.addf %parallel_loop3A_1179, %parallel_loop3A_1183 : vector<16xf32>
        %parallel_loop3A_1189 = arith.addf %parallel_loop3A_1187, %get3A_1 : vector<16xf32>
        %parallel_loop3A_1190 = arith.addf %parallel_loop3A_1188, %parallel_loop3A_1189 : vector<16xf32>
        %parallel_loop3A_1191 = arith.mulf %parallel_loop3A_1154, %sub3A : vector<16xf32>
        %parallel_loop3A_1192 = arith.addf %parallel_loop3A_1190, %parallel_loop3A_1191 : vector<16xf32>
        %parallel_loop3A_1193 = arith.constant 16 : i32
        %parallel_loop3A_1194 = vector.broadcast %parallel_loop3A_1193 : i32 to vector<16xi32>
        %parallel_loop3A_1195 = arith.addi %iota3A, %parallel_loop3A_1194 : vector<16xi32>
        %parallel_loop3A_1196 = arith.addi %parallel_loop3A_1160, %parallel_loop3A_1195 : vector<16xi32>
        %parallel_loop3A_1197 = tpu.vector_load_idx %arg11[%parallel_loop3A_1171, %parallel_loop3A_1196] : memref<400x128xf32, #tpu.memory_space<vmem>>[vector<16xi32>, vector<16xi32>], vector<16xf32>,
        %parallel_loop3A_1198 = arith.constant 16 : i32
        %parallel_loop3A_1199 = arith.addi %parallel_loop3A_1174, %parallel_loop3A_1198 : i32
        %parallel_loop3A_1200 = arith.index_cast %parallel_loop3A_1199 : i32 to index
        %parallel_loop3A_1201 = tpu.vector_load %arg12[%parallel_loop3A_1200] {strides = array<i32>} : memref<12800xf32, #tpu.memory_space<vmem>>, vector<16xf32>,
        %parallel_loop3A_1202 = arith.constant 16 : i32
        %parallel_loop3A_1203 = vector.broadcast %parallel_loop3A_1202 : i32 to vector<16xi32>
        %parallel_loop3A_1204 = arith.addi %parallel_loop3A_1169, %parallel_loop3A_1203 : vector<16xi32>
        %parallel_loop3A_1205 = tpu.vector_load_idx %arg13[%parallel_loop3A_1204] : memref<32768xf32, #tpu.memory_space<vmem>>[vector<16xi32>], vector<16xf32>,
        %parallel_loop3A_1206 = arith.addf %parallel_loop3A_1197, %parallel_loop3A_1201 : vector<16xf32>
        %parallel_loop3A_1207 = arith.addf %parallel_loop3A_1205, %get3A_3 : vector<16xf32>
        %parallel_loop3A_1208 = arith.addf %parallel_loop3A_1206, %parallel_loop3A_1207 : vector<16xf32>
        %parallel_loop3A_1209 = arith.mulf %parallel_loop3A_1154, %sub3A_12 : vector<16xf32>
        %parallel_loop3A_1210 = arith.addf %parallel_loop3A_1208, %parallel_loop3A_1209 : vector<16xf32>
        %parallel_loop3A_1211 = arith.constant 32 : i32
        %parallel_loop3A_1212 = vector.broadcast %parallel_loop3A_1211 : i32 to vector<16xi32>
        %parallel_loop3A_1213 = arith.addi %iota3A, %parallel_loop3A_1212 : vector<16xi32>
        %parallel_loop3A_1214 = arith.addi %parallel_loop3A_1160, %parallel_loop3A_1213 : vector<16xi32>
        %parallel_loop3A_1215 = tpu.vector_load_idx %arg11[%parallel_loop3A_1171, %parallel_loop3A_1214] : memref<400x128xf32, #tpu.memory_space<vmem>>[vector<16xi32>, vector<16xi32>], vector<16xf32>,
        %parallel_loop3A_1216 = arith.constant 32 : i32
        %parallel_loop3A_1217 = arith.addi %parallel_loop3A_1174, %parallel_loop3A_1216 : i32
        %parallel_loop3A_1218 = arith.index_cast %parallel_loop3A_1217 : i32 to index
        %parallel_loop3A_1219 = tpu.vector_load %arg12[%parallel_loop3A_1218] {strides = array<i32>} : memref<12800xf32, #tpu.memory_space<vmem>>, vector<16xf32>,
        %parallel_loop3A_1220 = arith.constant 32 : i32
        %parallel_loop3A_1221 = vector.broadcast %parallel_loop3A_1220 : i32 to vector<16xi32>
        %parallel_loop3A_1222 = arith.addi %parallel_loop3A_1169, %parallel_loop3A_1221 : vector<16xi32>
        %parallel_loop3A_1223 = tpu.vector_load_idx %arg13[%parallel_loop3A_1222] : memref<32768xf32, #tpu.memory_space<vmem>>[vector<16xi32>], vector<16xf32>,
        %parallel_loop3A_1224 = arith.addf %parallel_loop3A_1215, %parallel_loop3A_1219 : vector<16xf32>
        %parallel_loop3A_1225 = arith.addf %parallel_loop3A_1223, %get3A_5 : vector<16xf32>
        %parallel_loop3A_1226 = arith.addf %parallel_loop3A_1224, %parallel_loop3A_1225 : vector<16xf32>
        %parallel_loop3A_1227 = arith.mulf %parallel_loop3A_1154, %sub3A_15 : vector<16xf32>
        %parallel_loop3A_1228 = arith.addf %parallel_loop3A_1226, %parallel_loop3A_1227 : vector<16xf32>
        %parallel_loop3A_1229 = arith.constant 48 : i32
        %parallel_loop3A_1230 = vector.broadcast %parallel_loop3A_1229 : i32 to vector<16xi32>
        %parallel_loop3A_1231 = arith.addi %iota3A, %parallel_loop3A_1230 : vector<16xi32>
        %parallel_loop3A_1232 = arith.addi %parallel_loop3A_1160, %parallel_loop3A_1231 : vector<16xi32>
        %parallel_loop3A_1233 = tpu.vector_load_idx %arg11[%parallel_loop3A_1171, %parallel_loop3A_1232] : memref<400x128xf32, #tpu.memory_space<vmem>>[vector<16xi32>, vector<16xi32>], vector<16xf32>,
        %parallel_loop3A_1234 = arith.constant 48 : i32
        %parallel_loop3A_1235 = arith.addi %parallel_loop3A_1174, %parallel_loop3A_1234 : i32
        %parallel_loop3A_1236 = arith.index_cast %parallel_loop3A_1235 : i32 to index
        %parallel_loop3A_1237 = tpu.vector_load %arg12[%parallel_loop3A_1236] {strides = array<i32>} : memref<12800xf32, #tpu.memory_space<vmem>>, vector<16xf32>,
        %parallel_loop3A_1238 = arith.constant 48 : i32
        %parallel_loop3A_1239 = vector.broadcast %parallel_loop3A_1238 : i32 to vector<16xi32>
        %parallel_loop3A_1240 = arith.addi %parallel_loop3A_1169, %parallel_loop3A_1239 : vector<16xi32>
        %parallel_loop3A_1241 = tpu.vector_load_idx %arg13[%parallel_loop3A_1240] : memref<32768xf32, #tpu.memory_space<vmem>>[vector<16xi32>], vector<16xf32>,
        %parallel_loop3A_1242 = arith.addf %parallel_loop3A_1233, %parallel_loop3A_1237 : vector<16xf32>
        %parallel_loop3A_1243 = arith.addf %parallel_loop3A_1241, %get3A_7 : vector<16xf32>
        %parallel_loop3A_1244 = arith.addf %parallel_loop3A_1242, %parallel_loop3A_1243 : vector<16xf32>
        %parallel_loop3A_1245 = arith.mulf %parallel_loop3A_1154, %sub3A_18 : vector<16xf32>
        %parallel_loop3A_1246 = arith.addf %parallel_loop3A_1244, %parallel_loop3A_1245 : vector<16xf32>
        %parallel_loop3A_1247 = arith.addf %parallel_loop3A_1192, %parallel_loop3A_1210 : vector<16xf32>
        %parallel_loop3A_1248 = arith.addf %parallel_loop3A_1228, %parallel_loop3A_1246 : vector<16xf32>
        %parallel_loop3A_1249 = arith.addf %parallel_loop3A_1247, %parallel_loop3A_1248 : vector<16xf32>
        %parallel_loop3A_1250 = arith.mulf %parallel_loop3A_1192, %parallel_loop3A_1192 : vector<16xf32>
        %parallel_loop3A_1251 = arith.mulf %parallel_loop3A_1210, %parallel_loop3A_1210 : vector<16xf32>
        %parallel_loop3A_1252 = arith.addf %parallel_loop3A_1250, %parallel_loop3A_1251 : vector<16xf32>
        %parallel_loop3A_1253 = arith.mulf %parallel_loop3A_1228, %parallel_loop3A_1228 : vector<16xf32>
        %parallel_loop3A_1254 = arith.mulf %parallel_loop3A_1246, %parallel_loop3A_1246 : vector<16xf32>
        %parallel_loop3A_1255 = arith.addf %parallel_loop3A_1253, %parallel_loop3A_1254 : vector<16xf32>
        %parallel_loop3A_1256 = arith.addf %parallel_loop3A_1252, %parallel_loop3A_1255 : vector<16xf32>
        %parallel_loop3A_1257 = arith.constant true
        %parallel_loop3A_1258 = vector.broadcast %parallel_loop3A_1257 : i1 to vector<16xi1>
        %parallel_loop3A_1259 = tpu.scan <sum>, %parallel_loop3A_1249 masked %parallel_loop3A_1258 : vector<16xf32>, vector<16xi1> -> vector<16xf32>
        %parallel_loop3A_1260 = vector.extract %parallel_loop3A_1259[15] : f32 from vector<16xf32>
        %parallel_loop3A_1261 = vector.broadcast %parallel_loop3A_1260 : f32 to vector<16xf32>
        %parallel_loop3A_1262 = arith.constant 1.562500e-02 : f32
        %parallel_loop3A_1263 = vector.broadcast %parallel_loop3A_1262 : f32 to vector<16xf32>
        %parallel_loop3A_1264 = arith.mulf %parallel_loop3A_1261, %parallel_loop3A_1263 : vector<16xf32>
        %parallel_loop3A_1265 = arith.constant true
        %parallel_loop3A_1266 = vector.broadcast %parallel_loop3A_1265 : i1 to vector<16xi1>
        %parallel_loop3A_1267 = tpu.scan <sum>, %parallel_loop3A_1256 masked %parallel_loop3A_1266 : vector<16xf32>, vector<16xi1> -> vector<16xf32>
        %parallel_loop3A_1268 = vector.extract %parallel_loop3A_1267[15] : f32 from vector<16xf32>
        %parallel_loop3A_1269 = vector.broadcast %parallel_loop3A_1268 : f32 to vector<16xf32>
        %parallel_loop3A_1270 = arith.constant 1.562500e-02 : f32
        %parallel_loop3A_1271 = vector.broadcast %parallel_loop3A_1270 : f32 to vector<16xf32>
        %parallel_loop3A_1272 = arith.mulf %parallel_loop3A_1269, %parallel_loop3A_1271 : vector<16xf32>
        %parallel_loop3A_1273 = arith.mulf %parallel_loop3A_1264, %parallel_loop3A_1264 : vector<16xf32>
        %parallel_loop3A_1274 = arith.subf %parallel_loop3A_1272, %parallel_loop3A_1273 : vector<16xf32>
        %parallel_loop3A_1275 = arith.constant 9.99999974E-6 : f32
        %parallel_loop3A_1276 = vector.broadcast %parallel_loop3A_1275 : f32 to vector<16xf32>
        %parallel_loop3A_1277 = arith.addf %parallel_loop3A_1274, %parallel_loop3A_1276 : vector<16xf32>
        %parallel_loop3A_1278 = vector.bitcast %parallel_loop3A_1277 : vector<16xf32> to vector<16xi32>
        %parallel_loop3A_1279 = arith.constant 1 : i32
        %parallel_loop3A_1280 = vector.broadcast %parallel_loop3A_1279 : i32 to vector<16xi32>
        %parallel_loop3A_1281 = arith.shrui %parallel_loop3A_1278, %parallel_loop3A_1280 : vector<16xi32>
        %parallel_loop3A_1282 = arith.constant 1597463007 : i32
        %parallel_loop3A_1283 = vector.broadcast %parallel_loop3A_1282 : i32 to vector<16xi32>
        %parallel_loop3A_1284 = arith.subi %parallel_loop3A_1283, %parallel_loop3A_1281 : vector<16xi32>
        %parallel_loop3A_1285 = vector.bitcast %parallel_loop3A_1284 : vector<16xi32> to vector<16xf32>
        %parallel_loop3A_1286 = arith.constant 5.000000e-01 : f32
        %parallel_loop3A_1287 = vector.broadcast %parallel_loop3A_1286 : f32 to vector<16xf32>
        %parallel_loop3A_1288 = arith.mulf %parallel_loop3A_1287, %parallel_loop3A_1277 : vector<16xf32>
        %parallel_loop3A_1289 = arith.mulf %parallel_loop3A_1288, %parallel_loop3A_1285 : vector<16xf32>
        %parallel_loop3A_1290 = arith.mulf %parallel_loop3A_1289, %parallel_loop3A_1285 : vector<16xf32>
        %parallel_loop3A_1291 = arith.constant 1.500000e+00 : f32
        %parallel_loop3A_1292 = vector.broadcast %parallel_loop3A_1291 : f32 to vector<16xf32>
        %parallel_loop3A_1293 = arith.subf %parallel_loop3A_1292, %parallel_loop3A_1290 : vector<16xf32>
        %parallel_loop3A_1294 = arith.mulf %parallel_loop3A_1285, %parallel_loop3A_1293 : vector<16xf32>
        %parallel_loop3A_1295 = arith.constant 5.000000e-01 : f32
        %parallel_loop3A_1296 = vector.broadcast %parallel_loop3A_1295 : f32 to vector<16xf32>
        %parallel_loop3A_1297 = arith.mulf %parallel_loop3A_1296, %parallel_loop3A_1277 : vector<16xf32>
        %parallel_loop3A_1298 = arith.mulf %parallel_loop3A_1297, %parallel_loop3A_1294 : vector<16xf32>
        %parallel_loop3A_1299 = arith.mulf %parallel_loop3A_1298, %parallel_loop3A_1294 : vector<16xf32>
        %parallel_loop3A_1300 = arith.constant 1.500000e+00 : f32
        %parallel_loop3A_1301 = vector.broadcast %parallel_loop3A_1300 : f32 to vector<16xf32>
        %parallel_loop3A_1302 = arith.subf %parallel_loop3A_1301, %parallel_loop3A_1299 : vector<16xf32>
        %parallel_loop3A_1303 = arith.mulf %parallel_loop3A_1294, %parallel_loop3A_1302 : vector<16xf32>
        %parallel_loop3A_1304 = arith.subf %parallel_loop3A_1192, %parallel_loop3A_1264 : vector<16xf32>
        %parallel_loop3A_1305 = arith.mulf %parallel_loop3A_1304, %parallel_loop3A_1303 : vector<16xf32>
        %parallel_loop3A_1306 = arith.mulf %parallel_loop3A_1305, %get3A_20 : vector<16xf32>
        %parallel_loop3A_1307 = arith.addf %parallel_loop3A_1306, %get3A_28 : vector<16xf32>
        %parallel_loop3A_1308 = arith.index_cast %parallel_loop3A_1144 : i32 to index
        %parallel_loop3A_1309 = arith.constant 0 : index
        %parallel_loop3A_1310 = tpu.vector_load %arg17[%parallel_loop3A_1308, %parallel_loop3A_1309] {strides = array<i32>} : memref<200x64xf32, #tpu.memory_space<vmem>>, vector<16xf32>,
        tpu.vector_store %arg17[%parallel_loop3A_1308, %parallel_loop3A_1309], %parallel_loop3A_1307 {strides = array<i32>} : memref<200x64xf32, #tpu.memory_space<vmem>>, vector<16xf32>,
        %parallel_loop3A_1311 = arith.subf %parallel_loop3A_1210, %parallel_loop3A_1264 : vector<16xf32>
        %parallel_loop3A_1312 = arith.mulf %parallel_loop3A_1311, %parallel_loop3A_1303 : vector<16xf32>
        %parallel_loop3A_1313 = arith.mulf %parallel_loop3A_1312, %get3A_22 : vector<16xf32>
        %parallel_loop3A_1314 = arith.addf %parallel_loop3A_1313, %get3A_30 : vector<16xf32>
        %parallel_loop3A_1315 = arith.index_cast %parallel_loop3A_1144 : i32 to index
        %parallel_loop3A_1316 = arith.constant 16 : index
        %parallel_loop3A_1317 = tpu.vector_load %arg17[%parallel_loop3A_1315, %parallel_loop3A_1316] {strides = array<i32>} : memref<200x64xf32, #tpu.memory_space<vmem>>, vector<16xf32>,
        tpu.vector_store %arg17[%parallel_loop3A_1315, %parallel_loop3A_1316], %parallel_loop3A_1314 {strides = array<i32>} : memref<200x64xf32, #tpu.memory_space<vmem>>, vector<16xf32>,
        %parallel_loop3A_1318 = arith.subf %parallel_loop3A_1228, %parallel_loop3A_1264 : vector<16xf32>
        %parallel_loop3A_1319 = arith.mulf %parallel_loop3A_1318, %parallel_loop3A_1303 : vector<16xf32>
        %parallel_loop3A_1320 = arith.mulf %parallel_loop3A_1319, %get3A_24 : vector<16xf32>
        %parallel_loop3A_1321 = arith.addf %parallel_loop3A_1320, %get3A_32 : vector<16xf32>
        %parallel_loop3A_1322 = arith.index_cast %parallel_loop3A_1144 : i32 to index
        %parallel_loop3A_1323 = arith.constant 32 : index
        %parallel_loop3A_1324 = tpu.vector_load %arg17[%parallel_loop3A_1322, %parallel_loop3A_1323] {strides = array<i32>} : memref<200x64xf32, #tpu.memory_space<vmem>>, vector<16xf32>,
        tpu.vector_store %arg17[%parallel_loop3A_1322, %parallel_loop3A_1323], %parallel_loop3A_1321 {strides = array<i32>} : memref<200x64xf32, #tpu.memory_space<vmem>>, vector<16xf32>,
        %parallel_loop3A_1325 = arith.subf %parallel_loop3A_1246, %parallel_loop3A_1264 : vector<16xf32>
        %parallel_loop3A_1326 = arith.mulf %parallel_loop3A_1325, %parallel_loop3A_1303 : vector<16xf32>
        %parallel_loop3A_1327 = arith.mulf %parallel_loop3A_1326, %get3A_26 : vector<16xf32>
        %parallel_loop3A_1328 = arith.addf %parallel_loop3A_1327, %get3A_34 : vector<16xf32>
        %parallel_loop3A_1329 = arith.index_cast %parallel_loop3A_1144 : i32 to index
        %parallel_loop3A_1330 = arith.constant 48 : index
        %parallel_loop3A_1331 = tpu.vector_load %arg17[%parallel_loop3A_1329, %parallel_loop3A_1330] {strides = array<i32>} : memref<200x64xf32, #tpu.memory_space<vmem>>, vector<16xf32>,
        tpu.vector_store %arg17[%parallel_loop3A_1329, %parallel_loop3A_1330], %parallel_loop3A_1328 {strides = array<i32>} : memref<200x64xf32, #tpu.memory_space<vmem>>, vector<16xf32>,
      } {sc.loop_unroll_factor = 20 : i64, sc.parallel_access}
      %mul3A_1141 = arith.constant 128 : i32
      %mul3A_1142 = arith.muli %add3A, %mul3A_1141 : i32
      %add3A_1143 = arith.addi %mul3A_1142, %scan3A_578 : i32
      "tpu.region"() ({
        %run_scoped3A = tpu.sem_alloc : memref<!tpu.dma_semaphore, #tpu.memory_space<semaphore_mem>>
        %dma_start3A_1144 = arith.constant 0 : i32
        %dma_start3A_1145 = arith.constant 0 : i32
        %dma_start3A_1146 = tpu.memref_slice %arg6[%add3A_1143, %dma_start3A_1144, %dma_start3A_1145] : memref<4096x200x64xf32, #tpu.memory_space<hbm>> -> memref<1x200x64xf32, #tpu.memory_space<hbm>>
        %dma_start3A_1147 = tpu.memref_squeeze %dma_start3A_1146 : memref<1x200x64xf32, #tpu.memory_space<hbm>> -> memref<200x64xf32, #tpu.memory_space<hbm>>
        %dma_start3A_1148 = arith.constant 0 : i32
        %dma_start3A_1149 = arith.constant 0 : i32
        %dma_start3A_1150 = tpu.memref_slice %arg6[%add3A_1143, %dma_start3A_1148, %dma_start3A_1149] : memref<4096x200x64xf32, #tpu.memory_space<hbm>> -> memref<1x200x64xf32, #tpu.memory_space<hbm>>
        %dma_start3A_1151 = tpu.memref_squeeze %dma_start3A_1150 : memref<1x200x64xf32, #tpu.memory_space<hbm>> -> memref<200x64xf32, #tpu.memory_space<hbm>>
        tpu.enqueue_dma source(%arg17 : memref<200x64xf32, #tpu.memory_space<vmem>>) target(%dma_start3A_1151 : memref<200x64xf32, #tpu.memory_space<hbm>>) target_semaphore(%run_scoped3A : memref<!tpu.dma_semaphore, #tpu.memory_space<semaphore_mem>>)
        %dma_wait3A_1152 = arith.constant 0 : i32
        %dma_wait3A_1153 = arith.constant 0 : i32
        %dma_wait3A_1154 = tpu.memref_slice %arg6[%add3A_1143, %dma_wait3A_1152, %dma_wait3A_1153] : memref<4096x200x64xf32, #tpu.memory_space<hbm>> -> memref<1x200x64xf32, #tpu.memory_space<hbm>>
        %dma_wait3A_1155 = tpu.memref_squeeze %dma_wait3A_1154 : memref<1x200x64xf32, #tpu.memory_space<hbm>> -> memref<200x64xf32, #tpu.memory_space<hbm>>
        %dma_wait3A_1156 = arith.constant 0 : i32
        %dma_wait3A_1157 = arith.constant 0 : i32
        %dma_wait3A_1158 = tpu.memref_slice %arg6[%add3A_1143, %dma_wait3A_1156, %dma_wait3A_1157] : memref<4096x200x64xf32, #tpu.memory_space<hbm>> -> memref<1x200x64xf32, #tpu.memory_space<hbm>>
        %dma_wait3A_1159 = tpu.memref_squeeze %dma_wait3A_1158 : memref<1x200x64xf32, #tpu.memory_space<hbm>> -> memref<200x64xf32, #tpu.memory_space<hbm>>
        tpu.wait_dma2 semaphore(%run_scoped3A : memref<!tpu.dma_semaphore, #tpu.memory_space<semaphore_mem>>) src(%arg17 : memref<200x64xf32, #tpu.memory_space<vmem>>) dst(%dma_wait3A_1159 : memref<200x64xf32, #tpu.memory_space<hbm>>)
        tpu.yield
      }) : () -> ()
    }
    %scan3A_566 = arith.constant 128 : i32
    %dma_wait3A = arith.constant 0 : i32
    %dma_wait3A_567 = arith.constant 0 : i32
    %dma_wait3A_568 = tpu.memref_slice %arg11[%dma_wait3A, %dma_wait3A_567] : memref<400x128xf32, #tpu.memory_space<vmem>> -> memref<200x128xf32, #tpu.memory_space<vmem>>
    %dma_wait3A_569 = arith.constant 0 : i32
    %dma_wait3A_570 = arith.constant 0 : i32
    %dma_wait3A_571 = tpu.memref_slice %arg4[%dma_wait3A_569, %dma_wait3A_570] : memref<500000x128xf32, #tpu.memory_space<hbm>> -> memref<200x128xf32, #tpu.memory_space<hbm>>
    %dma_wait3A_572 = arith.constant 0 : i32
    %dma_wait3A_573 = arith.constant 0 : i32
    %dma_wait3A_574 = tpu.memref_slice %arg11[%dma_wait3A_572, %dma_wait3A_573] : memref<400x128xf32, #tpu.memory_space<vmem>> -> memref<200x128xf32, #tpu.memory_space<vmem>>
    %dma_wait3A_575 = arith.constant 0 : i32
    %dma_wait3A_576 = arith.constant 0 : i32
    %dma_wait3A_577 = tpu.memref_slice %arg4[%dma_wait3A_575, %dma_wait3A_576] : memref<500000x128xf32, #tpu.memory_space<hbm>> -> memref<200x128xf32, #tpu.memory_space<hbm>>
    tpu.wait_dma2 semaphore(%arg18 : memref<!tpu.dma_semaphore, #tpu.memory_space<semaphore_mem>>) src(%dma_wait3A_577 : memref<200x128xf32, #tpu.memory_space<hbm>>) dst(%dma_wait3A_574 : memref<200x128xf32, #tpu.memory_space<vmem>>)
    return
  }
}

</mosaic_0001>

<sc_bundles>
// kernel: kernel.3.cloned.1.call-start
scs
__scs_entry_jumppad:
0x0: {  	(pc) =	sbr.rel $0x88, $3  }
0x1: {  	(tag) =	ssettag $0x0;
	lr =	simm.s32 $0x1  }
0x2: {  	[smem:$0x3F99] =	sst lr;
	_ =	strace $0xD0000000  }
0x3: {  	_ = 	snop  }
0x4: {  	_ = 	snop  }
0x5: {  	_ = 	snop  }
0x6: {  	_ = 	snop  }
0x7: {  	_ = 	snop  }
__scs_overlays_trampoline_lowered:
0x8: {  	[smem:$0x3FA8] =	sst s0  }
0x9: {  	[smem:$0x3FA9] =	sst s1  }
0xa: {  	[smem:$0x3FAA] =	sst s2  }
0xb: {  	[smem:$0x3FAB] =	sst s3  }
0xc: {  	[smem:$0x3FAC] =	sst s4  }
0xd: {  	[smem:$0x3FAD] =	sst s5  }
0xe: {  	[smem:$0x3FAE] =	sst s6  }
0xf: {  	[smem:$0x3FAF] =	sst s7  }
0x10: {  	[smem:$0x3FB0] =	sst s8  }
0x11: {  	[smem:$0x3FB1] =	sst s9;
	s0 =	simm.s32 @!p0 $0x0  }
0x12: {  	s1 =	sld [smem:$0x3F97];
	s0 =	simm.s32 @p0 $0x1  }
0x13: {  	[smem:$0x3FB2] =	sst s0;
	s0 =	simm.s32 @!p1 $0x0  }
0x14: {  	s2 =	sld [smem:$0x3F96];
	s0 =	simm.s32 @p1 $0x1  }
0x15: {  	[smem:$0x3FB3] =	sst s0;
	s0 =	simm.s32 @!p2 $0x0  }
0x16: {  	s3 =	sld [smem:$0x3FDB];
	s0 =	simm.s32 @p2 $0x1  }
0x17: {  	s4 =	simm.s32 $0x1BF5;
	[smem:$0x3FB5] =	sst s0  }
0x18: {  	s0 =	sld [smem:$0x3F98];
	_ =	swait.ge [sflag:s4], $0x0  }
0x19: {  	s7 =	sld [smem:$0x3F99]  }
0x1a: {  	s8 =	sadd.s32 $0xFFFFE003, lr  }
0x1b: {  	s9 =	sadd.s32 $0xFFFFFEF7, lr;
	s5 =	simm.s32 $0xFFFFFFFF;
	p2 =	slt.u32 s8, $0xFFFFF086  }
0x1c: {  	p1 =	slt.u32 s9, $0xF7A;
	s5 =	simm.s32 @!p2 $0x0  }
0x1d: {  	s5 =	simm.s32 @p1 $0x1;
	p0 =	seq.s32 s7, s2  }
0x1e: {  	s7 =	smul.u32 @!p0 $0xF7A, s2;
	p2 =	seq.s32 @!p0 s5, $0x0  }
0x1f: {  	s9 =	smul.u32 $0xF7A, s1;
	s8 =	simm.s32 @!p0 $0x1BF5;
	p2 =	por !p2, p0  }
0x20: {  	[sflag:s8] =	ssyncset.s32 @!p0 $0xFFFFF086;
	s6 =	sadd.s32 @!p0 s3, s7;
	s7 =	simm.s32 @!p0 $0x108  }
0x21: {  	s3 =	sadd.s32 s3, s9;
	s6 =	sadd.s32 @!p0 $0x88, s6;
	s7 =	simm.s32 @p2 $0x1082  }
0x22: {  	[simem:s7], [sflag:s8] =	dma.local @!p0 [hbm:s6], $0xF7A  }
0x23: {  	s9 =	sor.u32 $0xD0000000, s2;
	s6 =	simm.s32 $0x108;
	_ =	swait.ge @!p0 [sflag:s8], $0x0  }
0x24: {  	s3 =	sadd.s32 $0x88, s3;
	s6 =	simm.s32 @!p1 $0x1082;
	[sflag:s4] =	ssyncset.s32 $0xFFFFF086  }
0x25: {  	[simem:s6], [sflag:s4] =	dma.local [hbm:s3], $0xF7A  }
0x26: {  	[smem:$0x3F99] =	sst s1;
	(tag) =	ssettag s2;
	_ =	strace s9  }
0x27: {  	s1 =	sld [smem:$0x3FA9]  }
0x28: {  	s2 =	sld [smem:$0x3FAA]  }
0x29: {  	s4 =	sld [smem:$0x3FAC]  }
0x2a: {  	p0 =	seq.s32 s5, $0x0;
	s5 =	sld [smem:$0x3FAD]  }
0x2b: {  	s6 =	sld [smem:$0x3FAE]  }
0x2c: {  	s7 =	sld [smem:$0x3FAF]  }
0x2d: {  	s3 =	simm.s32 $0x108;
	s8 =	sld [smem:$0x3FB0]  }
0x2e: {  	s3 =	simm.s32 @!p0 $0x1082;
	s9 =	sld [smem:$0x3FB1]  }
0x2f: {  	lr =	sadd.s32 s0, s3;
	s0 =	sld [smem:$0x3FA8]  }
0x30: {  	s3 =	sld [smem:$0x3FAB]  }
0x31: {  	[smem:$0x3FB4] =	sst s10  }
0x32: {  	s10 =	sld [smem:$0x3FB2];
	_ =	sdelay $0x3  }
0x33: {  	p0 =	seq.s32 s10, $0x1;
	s10 =	sld [smem:$0x3FB4];
	_ =	sdelay $0x3  }
0x34: {  	[smem:$0x3FB4] =	sst s10  }
0x35: {  	s10 =	sld [smem:$0x3FB3];
	_ =	sdelay $0x3  }
0x36: {  	p1 =	seq.s32 s10, $0x1;
	s10 =	sld [smem:$0x3FB4];
	_ =	sdelay $0x3  }
0x37: {  	[smem:$0x3FB4] =	sst s10  }
0x38: {  	s10 =	sld [smem:$0x3FB5]  }
0x39: {  	_ = 	snop;
	(pc) =	sbr.ind lr, $3  }
0x3a: {  	_ = 	snop  }
0x3b: {  	_ = 	snop  }
0x3c: {  	p2 =	seq.s32 s10, $0x1;
	s10 =	sld [smem:$0x3FB4]  }
0x3d: {  	_ =	shalt  }
0x3e: {  	_ =	shalt  }
0x3f: {  	_ =	shalt  }
0x40: {  	_ =	shalt  }
0x41: {  	_ =	shalt  }
0x42: {  	_ =	shalt  }
0x43: {  	_ =	shalt  }
0x44: {  	_ =	shalt  }
0x45: {  	_ =	shalt  }
0x46: {  	_ =	shalt  }
0x47: {  	_ =	shalt  }
0x48: {  	_ =	shalt  }
0x49: {  	_ =	shalt  }
0x4a: {  	_ =	shalt  }
0x4b: {  	_ =	shalt  }
0x4c: {  	_ =	shalt  }
0x4d: {  	_ =	shalt  }
0x4e: {  	_ =	shalt  }
0x4f: {  	_ =	shalt  }
0x50: {  	_ =	shalt  }
0x51: {  	_ =	shalt  }
0x52: {  	_ =	shalt  }
0x53: {  	_ =	shalt  }
0x54: {  	_ =	shalt  }
0x55: {  	_ =	shalt  }
0x56: {  	_ =	shalt  }
0x57: {  	_ =	shalt  }
0x58: {  	_ =	shalt  }
0x59: {  	_ =	shalt  }
0x5a: {  	_ =	shalt  }
0x5b: {  	_ =	shalt  }
0x5c: {  	_ =	shalt  }
0x5d: {  	_ =	shalt  }
0x5e: {  	_ =	shalt  }
0x5f: {  	_ =	shalt  }
0x60: {  	_ =	shalt  }
0x61: {  	_ =	shalt  }
0x62: {  	_ =	shalt  }
0x63: {  	_ =	shalt  }
0x64: {  	_ =	shalt  }
0x65: {  	_ =	shalt  }
0x66: {  	_ =	shalt  }
0x67: {  	_ =	shalt  }
0x68: {  	_ =	shalt  }
0x69: {  	_ =	shalt  }
0x6a: {  	_ =	shalt  }
0x6b: {  	_ =	shalt  }
0x6c: {  	_ =	shalt  }
0x6d: {  	_ =	shalt  }
0x6e: {  	_ =	shalt  }
0x6f: {  	_ =	shalt  }
0x70: {  	_ =	shalt  }
0x71: {  	_ =	shalt  }
0x72: {  	_ =	shalt  }
0x73: {  	_ =	shalt  }
0x74: {  	_ =	shalt  }
0x75: {  	_ =	shalt  }
0x76: {  	_ =	shalt  }
0x77: {  	_ =	shalt  }
0x78: {  	_ =	shalt  }
0x79: {  	_ =	shalt  }
0x7a: {  	_ =	shalt  }
0x7b: {  	_ =	shalt  }
0x7c: {  	_ =	shalt  }
0x7d: {  	_ =	shalt  }
0x7e: {  	_ =	shalt  }
0x7f: {  	_ =	shalt  }
0x80: {  	_ =	shalt  }
0x81: {  	_ =	shalt  }
0x82: {  	_ =	shalt  }
0x83: {  	_ =	shalt  }
0x84: {  	_ =	shalt  }
0x85: {  	_ =	shalt  }
0x86: {  	_ =	shalt  }
0x87: {  	_ =	shalt  }
.Lfunc_end0:
.L_simem_size_0:
called_computation_lowered:
.L_overlay_start_0:
0x88: {  	s2 =	sld [smem:$0x3FD9]  }
0x89: {  	s3 =	sld [smem:$0x3FFE];
	_ =	sdelay $0x1  }
0x8a: {  	s1 =	srdreg.scid  }
0x8b: {  	s0 =	sand.u32 $0x1, s1  }
0x8c: {  	s17 =	sshll.u32 s0, $0xA;
	s2 =	sadd.s32 s3, s2  }
0x8d: {  	s2 =	sadd.s32 s2, s17  }
0x8e: {  	[smem:$0x3FC0] =	sst s2  }
0x8f: {  	_ = 	snop  }
0x90: {  	s2 =	sld [smem:$0x3FD0];
	(tm) =	ssettm $0x1  }
0x91: {  	s18 =	sld [smem:$0x3FFB];
	_ =	sdelay $0x3  }
0x92: {  	_ =	strace s18  }
0x93: {  	s3 =	sld [smem:$0x3FFC];
	_ =	sdelay $0x3  }
0x94: {  	_ =	strace s3  }
0x95: {  	s3 =	sld [smem:$0x3FFD];
	_ =	sdelay $0x3  }
0x96: {  	_ =	strace s3  }
0x97: {  	_ =	strace $0x8FFFFFFF  }
0x98: {  	s19 =	sld [smem:$0x3FDB];
	_ =	sdelay $0x1  }
0x99: {  	s4 =	simm.s32 $_scs_section_size  }
0x9a: {  	s5 =	simm.s32 $_size__tile_overlayer_lowered;
	s6 =	simm.s32 $_tile_overlayer_lowered  }
0x9b: {  	s22 =	simm.s32 $0x1BFF;
	s21 =	sshll.u32 s6, $0x1;
	s3 =	sadd.s32 s4, s19  }
0x9c: {  	s7 =	simm.s32 $0x0;
	s20 =	sshll.u32 s5, $0x1;
	s5 =	sadd.s32 s21, s3  }
0x9d: {  	[timem:s7], [sflag:s22] =	dma.local [hbm:s5], s20  }
0x9e: {  	_ =	swait.ge [sflag:s22], s20  }
0x9f: {  	s4 =	ssub.s32 $0x0, s20;
	[sflag:s22] =	ssyncset.done $0x0  }
0xa0: {  	[sflag:s22] =	ssyncadd.s32 s4;
	_ =	sdelay $0x1  }
0xa1: {  	s23 =	simm.s32 $0x1B8B  }
0xa2: {  	_ =	swait.ge [sflag:s23], $0x1  }
0xa3: {  	[sflag:s23] =	ssyncset.done $0x0  }
0xa4: {  	s25 =	simm.s32 $0x1B8E;
	s24 =	sld [smem:$0x3FFE];
	[sflag:s23] =	ssyncadd.s32 $0xFFFFFFFF  }
0xa5: {  	s26 =	simm.s32 $execute0_lowered;
	[smem:$0x3FD2] =	sst s25  }
0xa6: {  	s5 =	sshll.u32 s26, $0x1;
	_ =	strace $0x80000046;
	[dreg:$0x1] =	wrdreg $0xFFFFFFFF  }
0xa7: {  	s28 =	simm.s32 $_size_execute0_lowered;
	s3 =	sadd.s32 s3, s5;
	[dreg:$0x0] =	wrdreg $0x0  }
0xa8: {  	s5 =	sshll.u32 s28, $0x1;
	[dreg:$0x2] =	wrdreg s3  }
0xa9: {  	[dreg:$0x3] =	wrdreg s5  }
0xaa: {  	[dreg:$0x4] =	wrdreg $0xC0  }
0xab: {  	_ =	task [dreg:s7], $0x5FFFF  }
0xac: {  	[dreg:$0x1] =	wrdreg $0xFFFFFFFF  }
0xad: {  	[dreg:$0x0] =	wrdreg $0x60  }
0xae: {  	[dreg:$0x2] =	wrdreg s2  }
0xaf: {  	[dreg:$0x3] =	wrdreg s24  }
0xb0: {  	[dreg:$0x4] =	wrdreg $0x9  }
0xb1: {  	_ =	task.clear_ibuf [dreg:s7], $0x5FFFF;
	_ =	strace $0x90000046  }
0xb2: {  	s29 =	simm.s32 $0x9;
	_ =	strace $0x80000048  }
0xb3: {  	_ =	swait.ge [sflag:s29], $0x1  }
0xb4: {  	[sflag:s29] =	ssyncadd.s32 $0xFFFFFFFF  }
0xb5: {  	_ =	strace $0x90000048  }
0xb6: {  	_ =	sfence  }
0xb7: {  	s30 =	sld [smem:$0x0];
	_ =	sdelay $0x2  }
0xb8: {  	s31 =	sshll.u32 s1, $0xD;
	s1 =	sshrl.u32 s1, $0x2  }
0xb9: {  	s3 =	sand.u32 $0x4000, s31;
	s1 =	sadd.s32 s1, s30  }
0xba: {  	s0 =	sor.u32 s3, s0;
	s1 =	sshll.u32 s1, $0x11  }
0xbb: {  	s0 =	sor.u32 s1, s0  }
0xbc: {  	s0 =	sadd.s32 $0x8F2B, s0  }
0xbd: {  	[sflag:s0] =	ssyncadd.remote.s32 $0x1  }
0xbe: {  	_ =	sfence.sel $0xFFFF  }
0xbf: {  	[dreg:$0x0] =	wrdreg $0xFFFFFFFF;
	(pc) =	sbr.abs _section_cstart, $3  }
0xc0: {  	[dreg:$0x1] =	wrdreg $0xFFFFFFFF  }
0xc1: {  	_ =	task.clear_ibuf [dreg:s7], $0x2FFFF;
	_ =	strace $0x9FFFFFFF  }
0xc2: {  	(tm) =	ssettm $0x7FFFFFFF  }
0xc3: {  	_ =	shalt  }
tec
execute0_lowered:
.L_overlay_start_1:
0x0: {  	(tag) =	ssettag $0x1  }
0x1: {  	s5 =	rddreg [dreg:$0x0]  }
0x2: {  	s0 =	rddreg [dreg:$0x1];
	s1 =	simm.s32 $0x0  }
0x3: {  	s19 =	srdreg.scid;
	s4 =	stileid.u32;
	s17 =	simm.s32 $0x2  }
0x4: {  	[smem:$0x7FF] =	sst s1;
	s6 =	sadd.s32 $0x1400, s0;
	s2 =	sadd.s32 $0xF43800, s0  }
0x5: {  	s20 =	sadd.s32 $0x21400, s0;
	_ =	strace $0x80000047;
	[dreg:$0x4] =	wrdreg s2  }
0x6: {  	s1 =	sand.u32 $0x1, s19;
	s21 =	sadd.s32 $0x22C00, s0;
	[dreg:$0x5] =	wrdreg s20  }
0x7: {  	s4 =	sshll.u32 s4, $0x8;
	s23 =	sadd.s32 $0x21A40, s0;
	[dreg:$0x6] =	wrdreg s21  }
0x8: {  	s24 =	sadd.s32 $0x22A40, s0;
	s25 =	sadd.s32 $0x22A50, s0;
	[dreg:$0x7] =	wrdreg s23  }
0x9: {  	s22 =	ssub.s32 $0x2, s1;
	s1 =	sshll.u32 s1, $0x7;
	[dreg:$0x8] =	wrdreg s24  }
0xa: {  	s0 =	sadd.s32 $0x22A58, s0;
	[dreg:$0x9] =	wrdreg s25;
	s9 =	sor.u32 s1, s4  }
0xb: {  	s18 =	simm.s32 $0x10E00;
	[dreg:$0xa] =	wrdreg s0;
	s26 =	sshll.u32 s9, $0x5  }
0xc: {  	[dreg:$0x3] =	wrdreg s6;
	s3 =	sshrl.u32 s22, $0x1;
	s29 =	sadd.s32 s5, s26  }
0xd: {  	s2 =	ssub.s32 s22, s3;
	s30 =	sadd.s32 s6, s26;
	[dreg:$0xb] =	wrdreg s29  }
0xe: {  	s28 =	simm.s32 $0x1200;
	s31 =	smax.u32 s2, $0x1;
	[dreg:$0xc] =	wrdreg s30  }
0xf: {  	vm0 =	vmmov $0xff;
	v61 =	vlaneseq.u32;
	s25 =	simm.s32 $0x1400;
	s2 =	simm.s32 $0x0;
	[dreg:$0xd] =	wrdreg s31  }
.LBB2_1:
0x10: {  	[dreg:$0xe] =	wrdreg s2  }
0x11: {  	s0 =	simm.s32 $0x0;
	s1 =	rddreg [dreg:$0x5];
	s24 =	simm.s32 $0xDC00  }
0x12: {  	[tilespmem:s24], [sflag:$0x2] =	stream.linear.gather [hbm4b:s1+s0], $0x3200, $0x38;
	[tilespmem:$0x1F380] =	vst v63  }
0x13: {  	_ =	swait.ge [sflag:s17], $0x3200  }
0x14: {  	[sflag:s17] =	ssyncset.done $0x0  }
0x15: {  	s26 =	rddreg [dreg:$0x7];
	[sflag:s17] =	ssyncadd.s32 $0xFFFFCE00  }
0x16: {  	[tilespmem:s18], [sflag:$0x2] =	stream.linear.gather [hbm4b:s26+s0], $0x8000, $0x38;
	[tilespmem:$0x1F380] =	vst v63  }
0x17: {  	_ =	swait.ge [sflag:s17], $0x8000  }
0x18: {  	[sflag:s17] =	ssyncset.done $0x0  }
0x19: {  	s30 =	simm.s32 $0x18E00;
	s29 =	rddreg [dreg:$0x8];
	[sflag:s17] =	ssyncadd.s32 $0xFFFF8000  }
0x1a: {  	[tilespmem:s30], [sflag:$0x2] =	stream.linear.gather [hbm4b:s29+s0], $0x80, $0x38;
	[tilespmem:$0x1F380] =	vst v63  }
0x1b: {  	_ =	swait.ge [sflag:s17], $0x80  }
0x1c: {  	[sflag:s17] =	ssyncset.done $0x0  }
0x1d: {  	s4 =	simm.s32 $0x18E80;
	s3 =	rddreg [dreg:$0x9];
	[sflag:s17] =	ssyncadd.s32 $0xFFFFFF80  }
0x1e: {  	[tilespmem:s4], [sflag:$0x2] =	stream.linear.gather [hbm4b:s3+s0], $0x40, $0x38;
	[tilespmem:$0x1F380] =	vst v63  }
0x1f: {  	_ =	swait.ge [sflag:s17], $0x40  }
0x20: {  	[sflag:s17] =	ssyncset.done $0x0  }
0x21: {  	s6 =	simm.s32 $0x18F00;
	s5 =	rddreg [dreg:$0xa];
	[sflag:s17] =	ssyncadd.s32 $0xFFFFFFC0  }
0x22: {  	[tilespmem:s6], [sflag:$0x2] =	stream.linear.gather [hbm4b:s5+s0], $0x40, $0x38;
	[tilespmem:$0x1F380] =	vst v63  }
0x23: {  	_ =	swait.ge [sflag:s17], $0x40  }
0x24: {  	[sflag:s17] =	ssyncset.done $0x0  }
0x25: {  	[sflag:s17] =	ssyncadd.s32 $0xFFFFFFC0  }
0x26: {  	v0 =	vld [tilespmem:$0x18E00]  }
0x27: {  	v2 =	vld [tilespmem:$0x18E10]  }
0x28: {  	v3 =	vld [tilespmem:$0x18E20]  }
0x29: {  	v4 =	vld [tilespmem:$0x18E30]  }
0x2a: {  	v1 =	vld [tilespmem:$0x18E40]  }
0x2b: {  	v14 =	vld [tilespmem:$0x18E50]  }
0x2c: {  	v15 =	vld [tilespmem:$0x18E60]  }
0x2d: {  	v16 =	vld [tilespmem:$0x18E70]  }
0x2e: {  	v9 =	vld [tilespmem:$0x18E80]  }
0x2f: {  	v8 =	vld [tilespmem:$0x18E90]  }
0x30: {  	v5 =	vld [tilespmem:$0x18EA0]  }
0x31: {  	v6 =	vld [tilespmem:$0x18EB0]  }
0x32: {  	v10 =	vld [tilespmem:$0x18F00]  }
0x33: {  	v7 =	vld [tilespmem:$0x18F10]  }
0x34: {  	s7 =	rddreg [dreg:$0xb];
	v11 =	vld [tilespmem:$0x18F20]  }
0x35: {  	v12 =	vld [tilespmem:$0x18F30];
	[tilespmem:s0], [sflag:$0x2] =	stream.linear.gather [hbm4b:s7+s0], $0x800, $0x38  }
0x36: {  	_ =	swait.ge [sflag:s17], $0x800  }
0x37: {  	[sflag:s17] =	ssyncset.done $0x0  }
0x38: {  	s10 =	simm.s32 $0x800;
	s8 =	rddreg [dreg:$0xc];
	[sflag:s17] =	ssyncadd.s32 $0xFFFFF800  }
0x39: {  	[tilespmem:s10], [sflag:$0x2] =	stream.linear.gather [hbm4b:s8+s0], $0x800, $0x38;
	[tilespmem:$0x1F380] =	vst v63  }
0x3a: {  	_ =	swait.ge [sflag:s17], $0x800  }
0x3b: {  	[sflag:s17] =	ssyncset.done $0x0  }
0x3c: {  	[sflag:s17] =	ssyncadd.s32 $0xFFFFF800  }
0x3d: {  	v13 =	vld [tilespmem:$0x800]  }
0x3e: {  	v21 =	vld [tilespmem:$0x810];
	_ =	sdelay $0x3  }
0x3f: {  	(xrf0) =	vadd.scan.msk.s32 $0xffff, v13  }
0x40: {  	v22 =	vld [tilespmem:$0x820];
	(xrf0) =	vadd.scan.msk.s32 $0xffff, v21  }
0x41: {  	v23 =	vld [tilespmem:$0x830];
	_ =	sdelay $0x3  }
0x42: {  	(xrf0) =	vadd.scan.msk.s32 $0xffff, v22;
	v17, _, _ =	vpop (xrf0)  }
0x43: {  	v24 =	vld [tilespmem:$0x840];
	v25, _, _ =	vpop (xrf0);
	(xrf0) =	vadd.scan.msk.s32 $0xffff, v23  }
0x44: {  	(v2sf) =	vpush v17, $0xF  }
0x45: {  	(v2sf) =	vpush v25, $0xF  }
0x46: {  	v27 =	vld [tilespmem:$0x850]  }
0x47: {  	v28 =	vld [tilespmem:$0x860]  }
0x48: {  	v29 =	vld [tilespmem:$0x0];
	v26, _, _ =	vpop (xrf0);
	(xrf0) =	vadd.scan.msk.s32 $0xffff, v24  }
0x49: {  	v20 =	vld [tilespmem:$0x870];
	(v2sf) =	vpush v26, $0xF;
	v30, _, _ =	vpop (xrf0)  }
0x4a: {  	[tilespmem:$0x1FF40] =	vst v2;
	v19 =	vld [tilespmem:$0xC00];
	(v2sf) =	vpush v30, $0xF  }
0x4b: {  	[tilespmem:$0x1FF50] =	vst v4;
	v32 =	vld [tilespmem:$0x10];
	(xrf0) =	vadd.scan.msk.s32 $0xffff, v27  }
0x4c: {  	[tilespmem:$0x1FF60] =	vst v3;
	v34 =	vld [tilespmem:$0x20]  }
0x4d: {  	[tilespmem:$0x1FF70] =	vst v5;
	v37 =	vld [tilespmem:$0x30]  }
0x4e: {  	v14 =	vsub.f32 v14, v2;
	v15 =	vsub.f32 v15, v3;
	[tilespmem:$0x1FF80] =	vst v6;
	v40 =	vld [tilespmem:$0x40];
	v18 =	vshll.u32 v29, $0x7;
	v31, _, _ =	vpop (xrf0)  }
0x4f: {  	v18 =	vand.u32 $0x80, v18;
	v33 =	vshll.u32 v17, $0x8;
	(xrf0) =	vadd.scan.msk.s32 $0xffff, v28;
	(v2sf) =	vpush v31, $0xF  }
0x50: {  	v16 =	vsub.f32 v16, v4;
	[tilespmem:$0x1FF90] =	vst v0;
	v13 =	vshll.u32 v13, $0x6;
	v33 =	vor.u32 v18, v33;
	v18 =	vld [tilespmem:$0xC10]  }
0x51: {  	[tilespmem:$0x1FFA0] =	vst v11;
	v47 =	vld [tilespmem:$0x60];
	v29 =	vshrl.u32 v29, $0x1;
	v60 =	vshll.u32 v32, $0x7;
	v62 =	vshll.u32 v34, $0x7;
	v35, _, _ =	vpop (xrf0)  }
0x52: {  	v41 =	vshll.u32 v37, $0x7;
	v36 =	vbroadcast v17, $0xF;
	v17 =	vld [tilespmem:$0xC20];
	(xrf0) =	vadd.scan.msk.s32 $0xffff, v20;
	(v2sf) =	vpush v35, $0xF  }
0x53: {  	v45 =	vshll.u32 v40, $0x7;
	v32 =	vshrl.u32 v32, $0x1;
	v33 =	vor.u32 v13, v33;
	v13 =	vld [tilespmem:$0xC30];
	(xrf0) =	vadd.scan.msk.s32 $0xffff, v19;
	s11 =	spop (v2sf)  }
0x54: {  	[tilespmem:$0x1FFB0] =	vst v7;
	v50 =	vshll.u32 v24, $0x6;
	v55 =	vshrl.u32 v34, $0x1;
	v25 =	vadd.s32 v36, v25;
	s12 =	spop (v2sf)  }
0x55: {  	v56 =	vshrl.u32 v37, $0x1;
	v36 =	vand.u32 $0x80, v60;
	v25 =	vshll.u32 v25, $0x8;
	v38, _, _ =	vpop (xrf0);
	(xrf0) =	vadd.scan.msk.s32 $0xffff, v18;
	s0 =	sadd.s32 s11, s12  }
0x56: {  	[tilespmem:$0x1FFD0] =	vst v14;
	v25 =	vor.u32 v36, v25;
	v36 =	vand.u32 $0x80, v62;
	v26 =	vadd.s32 s0, v26  }
0x57: {  	v59 =	vshll.u32 v47, $0x7;
	v21 =	vshll.u32 v21, $0x6;
	(xrf0) =	vadd.scan.msk.s32 $0xffff, v17;
	v26 =	vshll.u32 v26, $0x8  }
0x58: {  	v42 =	vnsel vm0, $0x0, v13;
	v39, _, _ =	vpop (xrf0);
	(xrf0) =	vadd.scan.msk.s32 $0xffff, v13;
	(v2sf) =	vpush v38, $0xF;
	s13 =	spop (v2sf);
	v26 =	vor.u32 v36, v26  }
0x59: {  	v41 =	vand.u32 $0x80, v41;
	v22 =	vshll.u32 v22, $0x6;
	(v2sf) =	vpush v39, $0xF;
	s0 =	sadd.s32 s0, s13;
	v36, _, _ =	vpop (xrf0);
	(xrf0) =	vadd.scan.msk.s32 $0xffff, v42;
	s14 =	spop (v2sf)  }
0x5a: {  	[tilespmem:$0x1FFE0] =	vst v15;
	v23 =	vshll.u32 v23, $0x6;
	v30 =	vadd.s32 s0, v30;
	(v2sf) =	vpush v36, $0xF;
	s0 =	sadd.s32 s0, s14  }
0x5b: {  	[tilespmem:$0x1FFF0] =	vst v16;
	v22 =	vor.u32 v22, v26;
	v26, _, _ =	vpop (xrf0);
	v44 =	vadd.s32 s0, v31;
	v31 =	vand.u32 $0x80, v45  }
0x5c: {  	[tilespmem:$0x1000] =	vst v29;
	v27 =	vshll.u32 v27, $0x6;
	v60 =	vld [tilespmem:$0x400];
	v30 =	vshll.u32 v30, $0x8;
	(v2sf) =	vpush v26, $0xF  }
0x5d: {  	[tilespmem:$0x1200] =	vst v33;
	v33 =	vshll.u32 v28, $0x6;
	v42 =	vld [tilespmem:$0x50];
	v63 =	vor.u32 v41, v30;
	v41, _, _ =	vpop (xrf0);
	v30 =	vshll.u32 v44, $0x8  }
0x5e: {  	v54 =	vld [tilespmem:$0x70];
	[tilespmem:$0x1010] =	vst v32;
	v62 =	vshrl.u32 v40, $0x1;
	s15 =	spop (v2sf);
	(v2sf) =	vpush v41, $0xF;
	v46 =	vor.u32 v31, v30;
	v31, _, _ =	vpop (xrf0)  }
0x5f: {  	v34 =	vld [tilespmem:$0x410];
	[tilespmem:$0x1020] =	vst v55;
	v21 =	vor.u32 v21, v25;
	v20 =	vshll.u32 v20, $0x6;
	v19 =	vshll.u32 v19, $0x6;
	v53, _, _ =	vpop (xrf0)  }
0x60: {  	[tilespmem:$0x1030] =	vst v56;
	v40 =	vld [tilespmem:$0xC38];
	v18 =	vshll.u32 v18, $0x6;
	v17 =	vshll.u32 v17, $0x6;
	s0 =	sadd.s32 s0, s15;
	(v2sf) =	vpush v53, $0xF  }
0x61: {  	[tilespmem:$0x1040] =	vst v62;
	v13 =	vshll.u32 v13, $0x6;
	v23 =	vor.u32 v23, v63;
	s16 =	spop (v2sf);
	v48 =	vadd.s32 s0, v35  }
0x62: {  	[tilespmem:$0x1210] =	vst v21;
	v45 =	vld [tilespmem:$0x420];
	v49 =	vshll.u32 v42, $0x7;
	s0 =	sadd.s32 s0, s16;
	v63 =	vshrl.u32 v42, $0x1;
	v44 =	vshll.u32 v60, $0x7  }
0x63: {  	[tilespmem:$0x1220] =	vst v22;
	v51 =	vshll.u32 v48, $0x8;
	v52 =	vand.u32 $0x80, v49;
	v58 =	vadd.s32 s0, v38  }
0x64: {  	[tilespmem:$0x1230] =	vst v23;
	v38 =	vshll.u32 v54, $0x7;
	v48 =	vshll.u32 v34, $0x7;
	v24 =	vor.u32 v52, v51;
	v51 =	vld [tilespmem:$0x430]  }
0x65: {  	(xrf0) =	vadd.scan.msk.s32 $0xffff, v40;
	v57 =	vor.u32 v27, v24;
	v24 =	vshll.u32 v58, $0x8;
	v27 =	vand.u32 $0x80, v59  }
0x66: {  	[tilespmem:$0x1050] =	vst v63;
	v21 =	vor.u32 v50, v46;
	v50 =	vand.u32 $0x80, v48;
	v24 =	vor.u32 v27, v24  }
0x67: {  	[tilespmem:$0x1240] =	vst v21;
	v27 =	vand.u32 $0x80, v38;
	v53 =	vshrl.u32 v54, $0x1;
	v56 =	vshll.u32 v45, $0x7;
	s19 =	spop (v2sf)  }
0x68: {  	[tilespmem:$0x1250] =	vst v57;
	v54 =	vshrl.u32 v60, $0x1;
	v35 =	vor.u32 v33, v24;
	v21 =	vand.u32 $0x80, v56;
	s0 =	sadd.s32 s0, s19;
	s20 =	spop (v2sf)  }
0x69: {  	[tilespmem:$0x1070] =	vst v53;
	v59 =	vshll.u32 v51, $0x7;
	v37 =	vadd.s32 s0, v39;
	v39 =	vshrl.u32 v47, $0x1;
	s0 =	sadd.s32 s0, s20  }
0x6a: {  	[tilespmem:$0x1080] =	vst v54;
	v60 =	vand.u32 $0x80, v59;
	v24 =	vshll.u32 v37, $0x8;
	v43 =	vadd.s32 s0, v36;
	s21 =	spop (v2sf)  }
0x6b: {  	v57 =	vld [tilespmem:$0x438];
	[tilespmem:$0x1260] =	vst v35;
	v42 =	vor.u32 v27, v24;
	v24 =	vshll.u32 v43, $0x8;
	v27 =	vand.u32 $0x80, v44;
	s0 =	sadd.s32 s0, s21;
	s22 =	spop (v2sf)  }
0x6c: {  	[tilespmem:$0x1060] =	vst v39;
	v46 =	vor.u32 v27, v24;
	v20 =	vor.u32 v20, v42;
	v47 =	vadd.s32 s0, v26;
	s0 =	sadd.s32 s0, s22  }
0x6d: {  	v19 =	vor.u32 v19, v46;
	[tilespmem:$0x1270] =	vst v20;
	v49 =	vshll.u32 v47, $0x8;
	s23 =	spop (v2sf);
	v55 =	vadd.s32 s0, v41  }
0x6e: {  	[tilespmem:$0x1280] =	vst v19;
	v19 =	vshrl.u32 v34, $0x1;
	v52 =	vor.u32 v50, v49;
	s0 =	sadd.s32 s0, s23;
	v20 =	vshll.u32 v55, $0x8  }
0x6f: {  	[tilespmem:$0x1090] =	vst v19;
	v18 =	vor.u32 v18, v52;
	v58 =	vadd.s32 s0, v31;
	v20 =	vor.u32 v21, v20;
	s24 =	spop (v2sf)  }
0x70: {  	v62, _, _ =	vpop (xrf0);
	v63 =	vshll.u32 v57, $0x7;
	[tilespmem:$0x1290] =	vst v18;
	v18 =	vshll.u32 v58, $0x8;
	v17 =	vor.u32 v17, v20;
	s0 =	sadd.s32 s0, s24  }
0x71: {  	v19 =	vshrl.u32 v45, $0x1;
	v18 =	vor.u32 v60, v18;
	[tilespmem:$0x12A0] =	vst v17;
	v17 =	vadd.s32 s0, v62  }
0x72: {  	[tilespmem:$0x10A0] =	vst v19;
	v13 =	vor.u32 v13, v18;
	v18 =	vand.u32 $0x80, v63;
	v17 =	vshll.u32 v17, $0x8  }
0x73: {  	[tilespmem:$0x12B0] =	vst v13;
	v13 =	vshrl.u32 v51, $0x1;
	v17 =	vor.u32 v18, v17;
	v18 =	vshll.u32 v40, $0x6  }
0x74: {  	[tilespmem:$0x10B0] =	vst v13;
	v13 =	vor.u32 v18, v17  }
0x75: {  	[tilespmem:$0x12B8] =	vst v13;
	v13 =	vshrl.u32 v57, $0x1  }
0x76: {  	s29 =	simm.s32 $0xC8;
	s30 =	simm.s32 $0x1000;
	s26 =	rddreg [dreg:$0x4];
	[tilespmem:$0x10B8] =	vst v13;
	v13 =	vsub.f32 v1, v0  }
0x77: {  	[tilespmem:s25], [sflag:$0x1] =	stream.indirect.gather [hbm4b:s26+s29], $0x80, s30, s29, $0xb8;
	[tilespmem:$0x1F380] =	vst v63  }
0x78: {  	s31 =	simm.s32 $0x0;
	[tilespmem:$0x1FFC0] =	vst v13  }
.LBB2_2:
0x79: {  	s0 =	sadd.s32 $0x1, s31  }
0x7a: {  	p0 =	seq.s32 s31, $0x7F;
	s3 =	simm.s32 $0x1;
	s1 =	sand.u32 $0x7, s0  }
0x7b: {  	_ =	swait.ge [sflag:s3], $0x6400;
	p1 =	sne.s32 @!p0 s1, $0x0  }
0x7c: {  	[sflag:s3] =	ssyncset.done $0x0;
	p0 =	por p1, p0  }
0x7d: {  	[sflag:s3] =	ssyncadd.s32 $0xFFFF9C00;
	s2 =	sadd.s32 @!p0 s9, s0  }
0x7e: {  	s3 =	rddreg [dreg:$0x0];
	s2 =	sshll.u32 @!p0 s2, $0x5  }
0x7f: {  	s4 =	simm.s32 @!p0 $0x0;
	s3 =	sadd.s32 @!p0 s3, s2  }
0x80: {  	[tilespmem:s4], [sflag:$0x2] =	stream.linear.gather @!p0 [hbm4b:s3+s4], $0x800, $0x38;
	[tilespmem:$0x1F380] =	vst v63  }
0x81: {  	s3 =	simm.s32 @!p0 $0x2  }
0x82: {  	_ =	swait.ge @!p0 [sflag:s3], $0x800  }
0x83: {  	[sflag:s3] =	ssyncset.done @!p0 $0x0;
	s5 =	rddreg [dreg:$0x3]  }
0x84: {  	s6 =	simm.s32 @!p0 $0x800;
	[sflag:s3] =	ssyncadd.s32 @!p0 $0xFFFFF800;
	s2 =	sadd.s32 @!p0 s5, s2  }
0x85: {  	[tilespmem:s6], [sflag:$0x2] =	stream.linear.gather @!p0 [hbm4b:s2+s4], $0x800, $0x38;
	[tilespmem:$0x1F380] =	vst v63  }
0x86: {  	_ =	swait.ge @!p0 [sflag:s3], $0x800  }
0x87: {  	[sflag:s3] =	ssyncset.done @!p0 $0x0  }
0x88: {  	s30 =	sshll.u32 s1, $0x7;
	[sflag:s3] =	ssyncadd.s32 @!p0 $0xFFFFF800  }
0x89: {  	v1 =	vld [tilespmem:s30+$0x800];
	_ =	sdelay $0x4  }
0x8a: {  	(xrf0) =	vadd.scan.msk.s32 $0xffff, v1  }
0x8b: {  	v17 =	vld [tilespmem:s30+$0x0];
	_ =	sdelay $0x4  }
0x8c: {  	v19 =	vshll.u32 v17, $0x7;
	v18, _, _ =	vpop (xrf0)  }
0x8d: {  	s1 =	sand.u32 $0x1, s0;
	v19 =	vand.u32 $0x80, v19;
	v20 =	vshll.u32 v18, $0x8  }
0x8e: {  	s5 =	smul.u32 $0xD0, s1;
	v1 =	vshll.u32 v1, $0x6;
	v19 =	vor.u32 v19, v20  }
0x8f: {  	v1 =	vor.u32 v1, v19  }
0x90: {  	[tilespmem:s5+$0x1200] =	vst v1;
	v1 =	vshrl.u32 v17, $0x1  }
0x91: {  	[tilespmem:s5+$0x1000] =	vst v1  }
0x92: {  	v1 =	vld [tilespmem:s30+$0x810];
	_ =	sdelay $0x4  }
0x93: {  	(xrf0) =	vadd.scan.msk.s32 $0xffff, v1;
	_ =	sdelay $0x1  }
0x94: {  	v17 =	vld [tilespmem:s30+$0x10];
	_ =	sdelay $0x2  }
0x95: {  	v19 =	vbroadcast v18, $0xF  }
0x96: {  	v52, _, _ =	vpop (xrf0)  }
0x97: {  	(v2sf) =	vpush v18, $0xF;
	v18 =	vadd.s32 v19, v52;
	v19 =	vshll.u32 v17, $0x7  }
0x98: {  	(v2sf) =	vpush v52, $0xF;
	v18 =	vshll.u32 v18, $0x8;
	v19 =	vand.u32 $0x80, v19  }
0x99: {  	v1 =	vshll.u32 v1, $0x6;
	v18 =	vor.u32 v19, v18  }
0x9a: {  	v1 =	vor.u32 v1, v18  }
0x9b: {  	[tilespmem:s5+$0x1210] =	vst v1;
	v1 =	vshrl.u32 v17, $0x1  }
0x9c: {  	[tilespmem:s5+$0x1010] =	vst v1  }
0x9d: {  	v1 =	vld [tilespmem:s30+$0x820];
	_ =	sdelay $0x4  }
0x9e: {  	(xrf0) =	vadd.scan.msk.s32 $0xffff, v1;
	_ =	sdelay $0x1  }
0x9f: {  	v17 =	vld [tilespmem:s30+$0x20];
	_ =	sdelay $0x1  }
0xa0: {  	s7 =	spop (v2sf)  }
0xa1: {  	s8 =	spop (v2sf)  }
0xa2: {  	s4 =	sadd.s32 s7, s8;
	v18, _, _ =	vpop (xrf0)  }
0xa3: {  	v53 =	vshll.u32 v17, $0x7;
	v19 =	vadd.s32 s4, v18  }
0xa4: {  	v20 =	vand.u32 $0x80, v53;
	(v2sf) =	vpush v18, $0xF;
	v19 =	vshll.u32 v19, $0x8  }
0xa5: {  	v1 =	vshll.u32 v1, $0x6;
	v18 =	vor.u32 v20, v19  }
0xa6: {  	v1 =	vor.u32 v1, v18  }
0xa7: {  	[tilespmem:s5+$0x1220] =	vst v1;
	v1 =	vshrl.u32 v17, $0x1  }
0xa8: {  	[tilespmem:s5+$0x1020] =	vst v1  }
0xa9: {  	v1 =	vld [tilespmem:s30+$0x830];
	_ =	sdelay $0x4  }
0xaa: {  	(xrf0) =	vadd.scan.msk.s32 $0xffff, v1;
	_ =	sdelay $0x1  }
0xab: {  	v17 =	vld [tilespmem:s30+$0x30];
	_ =	sdelay $0x2  }
0xac: {  	s10 =	spop (v2sf)  }
0xad: {  	s4 =	sadd.s32 s4, s10;
	v18, _, _ =	vpop (xrf0)  }
0xae: {  	v54 =	vshll.u32 v17, $0x7;
	v19 =	vadd.s32 s4, v18  }
0xaf: {  	v20 =	vand.u32 $0x80, v54;
	(v2sf) =	vpush v18, $0xF;
	v19 =	vshll.u32 v19, $0x8  }
0xb0: {  	v1 =	vshll.u32 v1, $0x6;
	v18 =	vor.u32 v20, v19  }
0xb1: {  	v1 =	vor.u32 v1, v18  }
0xb2: {  	[tilespmem:s5+$0x1230] =	vst v1;
	v1 =	vshrl.u32 v17, $0x1  }
0xb3: {  	[tilespmem:s5+$0x1030] =	vst v1  }
0xb4: {  	v1 =	vld [tilespmem:s30+$0x840];
	_ =	sdelay $0x4  }
0xb5: {  	(xrf0) =	vadd.scan.msk.s32 $0xffff, v1;
	_ =	sdelay $0x1  }
0xb6: {  	v17 =	vld [tilespmem:s30+$0x40];
	_ =	sdelay $0x2  }
0xb7: {  	s11 =	spop (v2sf)  }
0xb8: {  	s4 =	sadd.s32 s4, s11;
	v18, _, _ =	vpop (xrf0)  }
0xb9: {  	v55 =	vshll.u32 v17, $0x7;
	v19 =	vadd.s32 s4, v18  }
0xba: {  	v20 =	vand.u32 $0x80, v55;
	(v2sf) =	vpush v18, $0xF;
	v19 =	vshll.u32 v19, $0x8  }
0xbb: {  	v1 =	vshll.u32 v1, $0x6;
	v18 =	vor.u32 v20, v19  }
0xbc: {  	v1 =	vor.u32 v1, v18  }
0xbd: {  	[tilespmem:s5+$0x1240] =	vst v1;
	v1 =	vshrl.u32 v17, $0x1  }
0xbe: {  	[tilespmem:s5+$0x1040] =	vst v1  }
0xbf: {  	v1 =	vld [tilespmem:s30+$0x850];
	_ =	sdelay $0x4  }
0xc0: {  	(xrf0) =	vadd.scan.msk.s32 $0xffff, v1;
	_ =	sdelay $0x1  }
0xc1: {  	v17 =	vld [tilespmem:s30+$0x50];
	_ =	sdelay $0x2  }
0xc2: {  	s12 =	spop (v2sf)  }
0xc3: {  	s4 =	sadd.s32 s4, s12;
	v18, _, _ =	vpop (xrf0)  }
0xc4: {  	v56 =	vshll.u32 v17, $0x7;
	v19 =	vadd.s32 s4, v18  }
0xc5: {  	v20 =	vand.u32 $0x80, v56;
	(v2sf) =	vpush v18, $0xF;
	v19 =	vshll.u32 v19, $0x8  }
0xc6: {  	v1 =	vshll.u32 v1, $0x6;
	v18 =	vor.u32 v20, v19  }
0xc7: {  	v1 =	vor.u32 v1, v18  }
0xc8: {  	[tilespmem:s5+$0x1250] =	vst v1;
	v1 =	vshrl.u32 v17, $0x1  }
0xc9: {  	[tilespmem:s5+$0x1050] =	vst v1  }
0xca: {  	v1 =	vld [tilespmem:s30+$0x860];
	_ =	sdelay $0x4  }
0xcb: {  	(xrf0) =	vadd.scan.msk.s32 $0xffff, v1;
	_ =	sdelay $0x1  }
0xcc: {  	v17 =	vld [tilespmem:s30+$0x60];
	_ =	sdelay $0x2  }
0xcd: {  	s13 =	spop (v2sf)  }
0xce: {  	s4 =	sadd.s32 s4, s13;
	v18, _, _ =	vpop (xrf0)  }
0xcf: {  	v57 =	vshll.u32 v17, $0x7;
	v19 =	vadd.s32 s4, v18  }
0xd0: {  	v20 =	vand.u32 $0x80, v57;
	(v2sf) =	vpush v18, $0xF;
	v19 =	vshll.u32 v19, $0x8  }
0xd1: {  	v1 =	vshll.u32 v1, $0x6;
	v18 =	vor.u32 v20, v19  }
0xd2: {  	v1 =	vor.u32 v1, v18  }
0xd3: {  	[tilespmem:s5+$0x1260] =	vst v1;
	v1 =	vshrl.u32 v17, $0x1  }
0xd4: {  	[tilespmem:s5+$0x1060] =	vst v1  }
0xd5: {  	v1 =	vld [tilespmem:s30+$0x870];
	_ =	sdelay $0x4  }
0xd6: {  	(xrf0) =	vadd.scan.msk.s32 $0xffff, v1;
	_ =	sdelay $0x1  }
0xd7: {  	v17 =	vld [tilespmem:s30+$0x70];
	_ =	sdelay $0x2  }
0xd8: {  	s14 =	spop (v2sf)  }
0xd9: {  	s4 =	sadd.s32 s4, s14;
	v18, _, _ =	vpop (xrf0)  }
0xda: {  	v58 =	vshll.u32 v17, $0x7;
	v19 =	vadd.s32 s4, v18  }
0xdb: {  	v20 =	vand.u32 $0x80, v58;
	(v2sf) =	vpush v18, $0xF;
	v19 =	vshll.u32 v19, $0x8  }
0xdc: {  	v1 =	vshll.u32 v1, $0x6;
	v18 =	vor.u32 v20, v19  }
0xdd: {  	v1 =	vor.u32 v1, v18  }
0xde: {  	[tilespmem:s5+$0x1270] =	vst v1;
	v1 =	vshrl.u32 v17, $0x1  }
0xdf: {  	[tilespmem:s5+$0x1070] =	vst v1  }
0xe0: {  	v1 =	vld [tilespmem:s30+$0xC00];
	_ =	sdelay $0x4  }
0xe1: {  	(xrf0) =	vadd.scan.msk.s32 $0xffff, v1;
	_ =	sdelay $0x1  }
0xe2: {  	v17 =	vld [tilespmem:s30+$0x400];
	_ =	sdelay $0x2  }
0xe3: {  	s15 =	spop (v2sf)  }
0xe4: {  	s4 =	sadd.s32 s4, s15;
	v18, _, _ =	vpop (xrf0)  }
0xe5: {  	v59 =	vshll.u32 v17, $0x7;
	v19 =	vadd.s32 s4, v18  }
0xe6: {  	s16 =	sadd.s32 $0x80, s5;
	v20 =	vand.u32 $0x80, v59;
	(v2sf) =	vpush v18, $0xF;
	v19 =	vshll.u32 v19, $0x8  }
0xe7: {  	s6 =	sand.u32 $0x180, s16;
	s7 =	sand.u32 $0x70, s5;
	v1 =	vshll.u32 v1, $0x6;
	v18 =	vor.u32 v20, v19  }
0xe8: {  	s6 =	sor.u32 s7, s6;
	v1 =	vor.u32 v1, v18  }
0xe9: {  	[tilespmem:s6+$0x1200] =	vst v1;
	v1 =	vshrl.u32 v17, $0x1  }
0xea: {  	[tilespmem:s6+$0x1000] =	vst v1  }
0xeb: {  	v1 =	vld [tilespmem:s30+$0xC10];
	_ =	sdelay $0x4  }
0xec: {  	(xrf0) =	vadd.scan.msk.s32 $0xffff, v1;
	_ =	sdelay $0x1  }
0xed: {  	v17 =	vld [tilespmem:s30+$0x410];
	_ =	sdelay $0x2  }
0xee: {  	s19 =	spop (v2sf)  }
0xef: {  	s4 =	sadd.s32 s4, s19;
	v18, _, _ =	vpop (xrf0)  }
0xf0: {  	v60 =	vshll.u32 v17, $0x7;
	v19 =	vadd.s32 s4, v18  }
0xf1: {  	v20 =	vand.u32 $0x80, v60;
	(v2sf) =	vpush v18, $0xF;
	v19 =	vshll.u32 v19, $0x8  }
0xf2: {  	v1 =	vshll.u32 v1, $0x6;
	v18 =	vor.u32 v20, v19  }
0xf3: {  	v1 =	vor.u32 v1, v18  }
0xf4: {  	[tilespmem:s5+$0x1290] =	vst v1;
	v1 =	vshrl.u32 v17, $0x1  }
0xf5: {  	[tilespmem:s5+$0x1090] =	vst v1  }
0xf6: {  	v1 =	vld [tilespmem:s30+$0xC20];
	_ =	sdelay $0x4  }
0xf7: {  	(xrf0) =	vadd.scan.msk.s32 $0xffff, v1;
	_ =	sdelay $0x1  }
0xf8: {  	v17 =	vld [tilespmem:s30+$0x420];
	_ =	sdelay $0x2  }
0xf9: {  	s20 =	spop (v2sf)  }
0xfa: {  	s4 =	sadd.s32 s4, s20;
	v18, _, _ =	vpop (xrf0)  }
0xfb: {  	v62 =	vshll.u32 v17, $0x7;
	v19 =	vadd.s32 s4, v18  }
0xfc: {  	v20 =	vand.u32 $0x80, v62;
	(v2sf) =	vpush v18, $0xF;
	v19 =	vshll.u32 v19, $0x8  }
0xfd: {  	v1 =	vshll.u32 v1, $0x6;
	v18 =	vor.u32 v20, v19  }
0xfe: {  	v1 =	vor.u32 v1, v18  }
0xff: {  	[tilespmem:s5+$0x12A0] =	vst v1;
	v1 =	vshrl.u32 v17, $0x1  }
0x100: {  	[tilespmem:s5+$0x10A0] =	vst v1  }
0x101: {  	v1 =	vld [tilespmem:s30+$0xC30];
	_ =	sdelay $0x4  }
0x102: {  	(xrf0) =	vadd.scan.msk.s32 $0xffff, v1;
	v17 =	vnsel vm0, $0x0, v1  }
0x103: {  	(xrf0) =	vadd.scan.msk.s32 $0xffff, v17  }
0x104: {  	v17 =	vld [tilespmem:s30+$0x430];
	_ =	sdelay $0x2  }
0x105: {  	s21 =	spop (v2sf)  }
0x106: {  	s4 =	sadd.s32 s4, s21;
	v18, _, _ =	vpop (xrf0)  }
0x107: {  	v19 =	vshll.u32 v17, $0x7;
	v18 =	vadd.s32 s4, v18;
	v63, _, _ =	vpop (xrf0)  }
0x108: {  	v19 =	vand.u32 $0x80, v19;
	v18 =	vshll.u32 v18, $0x8;
	(v2sf) =	vpush v63, $0xF  }
0x109: {  	v1 =	vshll.u32 v1, $0x6;
	v18 =	vor.u32 v19, v18  }
0x10a: {  	v1 =	vor.u32 v1, v18  }
0x10b: {  	[tilespmem:s5+$0x12B0] =	vst v1;
	v1 =	vshrl.u32 v17, $0x1  }
0x10c: {  	[tilespmem:s5+$0x10B0] =	vst v1  }
0x10d: {  	v1 =	vld [tilespmem:s30+$0xC38];
	_ =	sdelay $0x4  }
0x10e: {  	(xrf0) =	vadd.scan.msk.s32 $0xffff, v1;
	_ =	sdelay $0x1  }
0x10f: {  	v17 =	vld [tilespmem:s30+$0x438];
	_ =	sdelay $0x2  }
0x110: {  	s22 =	spop (v2sf)  }
0x111: {  	s3 =	sadd.s32 s4, s22;
	v18, _, _ =	vpop (xrf0)  }
0x112: {  	v19 =	vshll.u32 v17, $0x7;
	v18 =	vadd.s32 s3, v18  }
0x113: {  	s2 =	smul.u32 $0x19000, s1;
	v19 =	vand.u32 $0x80, v19;
	v18 =	vshll.u32 v18, $0x8  }
0x114: {  	v1 =	vshll.u32 v1, $0x6;
	v18 =	vor.u32 v19, v18  }
0x115: {  	s23 =	sand.u32 $0x1, s31;
	s24 =	sor.u32 $0x1000, s5;
	s2 =	sshrl.u32 s2, $0x2;
	v1 =	vor.u32 v1, v18  }
0x116: {  	s29 =	rddreg [dreg:$0x4];
	s16 =	smul.u32 $0xC8, s23;
	s26 =	sadd.s32 $0x1400, s2;
	[tilespmem:s5+$0x12B8] =	vst v1;
	v1 =	vshrl.u32 v17, $0x1  }
0x117: {  	s19 =	simm.s32 $0x0;
	s30 =	simm.s32 $0xC8;
	s4 =	smul.u32 $0xD0, s23;
	[tilespmem:s5+$0x10B8] =	vst v1  }
0x118: {  	[tilespmem:s26], [sflag:$0x1] =	stream.indirect.gather [hbm4b:s29+s30], $0x80, s24, s30, $0xb8;
	[tilespmem:$0x1F380] =	vst v63  }
.LBB2_3:
0x119: {  	s1 =	sadd.s32 s4, s19  }
0x11a: {  	v1 =	vmov s1  }
0x11b: {  	v1 =	vand.u32 $0xFFFFFFFC, v1  }
0x11c: {  	v1 =	vbroadcast v1, $0x0;
	_ =	sdelay $0x5  }
0x11d: {  	v1 =	vld.idx.msk [tilespmem:v1+s28+$0x0], $0xffff  }
0x11e: {  	s20 =	sor.u32 $0x1, s19  }
0x11f: {  	s5 =	sadd.s32 s4, s20  }
0x120: {  	v25 =	vmov s5  }
0x121: {  	v25 =	vand.u32 $0xFFFFFFFD, v25  }
0x122: {  	s3 =	sadd.s32 s16, s19;
	v25 =	vbroadcast v25, $0x0;
	v17 =	vshrl.u32 v1, $0x1;
	v18 =	vshrl.u32 v1, $0x2  }
0x123: {  	s1 =	sshll.u32 s3, $0x7;
	v17 =	vand.u32 $0x40, v17;
	v20 =	vand.u32 $0x3FFFFFC0, v18  }
0x124: {  	v21 =	vor.u32 s1, v17;
	v17 =	vor.u32 v61, v20  }
0x125: {  	v22 =	vand.u32 $0x3FFFFF80, v18;
	v19 =	vor.u32 v61, v21;
	v17 =	vand.u32 $0x4F, v17  }
0x126: {  	v18 =	vor.u32 $0x10, v61;
	v17 =	vor.u32 v22, v17  }
0x127: {  	s6 =	sshll.u32 s19, $0x6;
	v24 =	vor.u32 v18, v20  }
0x128: {  	v25 =	vld.idx.msk [tilespmem:v25+s28+$0x0], $0xffff;
	s1 =	sand.u32 $0x3FFFFFC0, s6;
	v23 =	vor.u32 v18, v21;
	v24 =	vand.u32 $0x5F, v24  }
0x129: {  	v27 =	vld [tilespmem:s1+$0xDC00];
	v24 =	vor.u32 v22, v24  }
0x12a: {  	v26 =	vld.idx.msk [tilespmem:v19+s25+$0x0], $0xffff;
	v19 =	vor.u32 $0x20, v61  }
0x12b: {  	v28 =	vld.idx.msk [tilespmem:v17+s18+$0x0], $0xffff;
	v17 =	vor.u32 v19, v20  }
0x12c: {  	v30 =	vld [tilespmem:s1+$0xDC10];
	v17 =	vand.u32 $0x6F, v17  }
0x12d: {  	v23 =	vld.idx.msk [tilespmem:v23+s25+$0x0], $0xffff;
	v29 =	vor.u32 v19, v21;
	v31 =	vor.u32 v22, v17;
	v17 =	vor.u32 $0x30, v61  }
0x12e: {  	v1 =	vshrl.u32 v1, $0x6;
	v24 =	vld.idx.msk [tilespmem:v24+s18+$0x0], $0xffff;
	v20 =	vor.u32 v17, v20  }
0x12f: {  	v1 =	vand.u32 $0x1, v1;
	v21 =	vor.u32 v17, v21;
	v20 =	vand.u32 $0x7F, v20  }
0x130: {  	v32 =	vshrl.u32 v25, $0x1;
	v43 =	vshrl.u32 v25, $0x2;
	v37 =	vld [tilespmem:s1+$0xDC20];
	v20 =	vor.u32 v22, v20  }
0x131: {  	v1 =	vcvt.s32.f32 v1;
	v42 =	vand.u32 $0x40, v32;
	v44 =	vand.u32 $0x3FFFFFC0, v43;
	v41 =	vld [tilespmem:s1+$0xDC30]  }
0x132: {  	v47 =	vand.u32 $0x3FFFFF80, v43;
	v35 =	vadd.f32 v27, v26;
	v23 =	vadd.f32 v30, v23;
	v29 =	vld.idx.msk [tilespmem:v29+s25+$0x0], $0xffff  }
0x133: {  	v51 =	vor.u32 v18, v44;
	v36 =	vadd.f32 v28, v0;
	v24 =	vadd.f32 v24, v2;
	v38 =	vld.idx.msk [tilespmem:v31+s18+$0x0], $0xffff  }
0x134: {  	v33 =	vor.u32 v61, v44;
	v39 =	vmul.f32 v1, v13;
	v52 =	vand.u32 $0x5F, v51;
	v40 =	vld.idx.msk [tilespmem:v21+s25+$0x0], $0xffff  }
0x135: {  	s7 =	sadd.s32 s16, s20;
	v22 =	vadd.f32 v36, v35;
	v23 =	vadd.f32 v24, v23;
	v24 =	vor.u32 v17, v44;
	v20 =	vld.idx.msk [tilespmem:v20+s18+$0x0], $0xffff  }
0x136: {  	s1 =	sshll.u32 s7, $0x7;
	v45 =	vmul.f32 v1, v14;
	v31 =	vor.u32 v47, v52;
	v24 =	vand.u32 $0x7F, v24  }
0x137: {  	s8 =	sshll.u32 s20, $0x6;
	v21 =	vadd.f32 v22, v39;
	v22 =	vor.u32 s1, v42;
	v24 =	vor.u32 v47, v24  }
0x138: {  	v54 =	vld [tilespmem:s8+$0xDC00];
	s10 =	sor.u32 $0x60, s8;
	v46 =	vand.u32 $0x4F, v33;
	v56 =	vor.u32 v19, v44;
	v34 =	vor.u32 v61, v22  }
0x139: {  	s2 =	sor.u32 $0x50, s8;
	v60 =	vld [tilespmem:s10+$0xDC00];
	v27 =	vadd.f32 v37, v29;
	v29 =	vor.u32 v47, v46;
	v48 =	vadd.f32 v38, v3  }
0x13a: {  	v36 =	vld [tilespmem:s2+$0xDC00];
	v50 =	vor.u32 v18, v22;
	v49 =	vadd.f32 v41, v40;
	v20 =	vadd.f32 v20, v4  }
0x13b: {  	v35 =	vmul.f32 v1, v15;
	v1 =	vmul.f32 v1, v16;
	v55 =	vor.u32 v19, v22;
	v31 =	vld.idx.msk [tilespmem:v31+s18+$0x0], $0xffff  }
0x13c: {  	v22 =	vor.u32 v17, v22;
	v26 =	vadd.f32 v48, v27;
	v24 =	vld.idx.msk [tilespmem:v24+s18+$0x0], $0xffff;
	v20 =	vadd.f32 v20, v49  }
0x13d: {  	v57 =	vand.u32 $0x6F, v56;
	v27 =	vadd.f32 v23, v45;
	v53 =	vld.idx.msk [tilespmem:v34+s25+$0x0], $0xffff  }
0x13e: {  	v26 =	vadd.f32 v26, v35;
	v20 =	vadd.f32 v20, v1;
	v1 =	vld.idx.msk [tilespmem:v29+s18+$0x0], $0xffff;
	v29 =	vor.u32 v47, v57  }
0x13f: {  	v37 =	vmul.f32 v21, v21;
	v30 =	vld.idx.msk [tilespmem:v50+s25+$0x0], $0xffff;
	v58 =	vadd.f32 v27, v21;
	v38 =	vmul.f32 v27, v27  }
0x140: {  	v32 =	vld.idx.msk [tilespmem:v55+s25+$0x0], $0xffff;
	v39 =	vmul.f32 v26, v26;
	v35 =	vadd.f32 v20, v26;
	v40 =	vmul.f32 v20, v20  }
0x141: {  	s1 =	sor.u32 $0x70, s8;
	v22 =	vld.idx.msk [tilespmem:v22+s25+$0x0], $0xffff;
	v62 =	vadd.f32 v38, v37  }
0x142: {  	s21 =	sor.u32 $0x2, s19;
	v38 =	vld [tilespmem:s1+$0xDC00];
	v59 =	vadd.f32 v35, v58;
	v63 =	vadd.f32 v40, v39  }
0x143: {  	s11 =	sadd.s32 s4, s21;
	v25 =	vshrl.u32 v25, $0x6;
	v23 =	vadd.f32 v54, v53;
	v29 =	vld.idx.msk [tilespmem:v29+s18+$0x0], $0xffff;
	v1 =	vadd.f32 v1, v0  }
0x144: {  	v25 =	vand.u32 $0x1, v25;
	v39 =	vmov s11;
	v35 =	vadd.f32 v63, v62;
	(xrf2) =	vadd.scan.msk.f32 $0xffff, v59  }
0x145: {  	v25 =	vcvt.s32.f32 v25;
	v1 =	vadd.f32 v1, v23;
	v23 =	vand.u32 $0xFFFFFFFE, v39  }
0x146: {  	v41 =	vadd.f32 v31, v2;
	v24 =	vadd.f32 v24, v4;
	(xrf2) =	vadd.scan.msk.f32 $0xffff, v35;
	v43 =	vbroadcast v23, $0x0  }
0x147: {  	v42 =	vadd.f32 v60, v32;
	v40 =	vadd.f32 v36, v30  }
0x148: {  	v44 =	vmul.f32 v25, v13;
	v22 =	vadd.f32 v38, v22;
	v29 =	vadd.f32 v29, v3  }
0x149: {  	v46 =	vmul.f32 v25, v15;
	v45 =	vmul.f32 v25, v14;
	v28 =	vadd.f32 v41, v40  }
0x14a: {  	v47 =	vmul.f32 v25, v16;
	v22 =	vadd.f32 v24, v22;
	v29 =	vadd.f32 v29, v42  }
0x14b: {  	v25 =	vadd.f32 v28, v45;
	v24 =	vadd.f32 v1, v44  }
0x14c: {  	v1 =	vadd.f32 v22, v47;
	v23 =	vadd.f32 v29, v46;
	v28 =	vld.idx.msk [tilespmem:v43+s28+$0x0], $0xffff  }
0x14d: {  	v51 =	vmul.f32 v25, v25;
	v49 =	vadd.f32 v25, v24;
	v50 =	vmul.f32 v24, v24  }
0x14e: {  	s22 =	sor.u32 $0x3, s19;
	v54 =	vmul.f32 v1, v1;
	v48, _, _ =	vpop (xrf2);
	v29 =	vadd.f32 v1, v23;
	v53 =	vmul.f32 v23, v23  }
0x14f: {  	s13 =	sadd.s32 s4, s22;
	v56 =	vadd.f32 v51, v50;
	v33 =	vmul.f32 $1.562500000e-02, v48  }
0x150: {  	v51 =	vmov s13;
	v52, _, _ =	vpop (xrf2);
	v22 =	vadd.f32 v29, v49;
	v57 =	vadd.f32 v54, v53  }
0x151: {  	v32 =	vmul.f32 $1.562500000e-02, v52;
	v55 =	vmul.f32 v33, v33;
	v59 =	vshrl.u32 v28, $0x1  }
0x152: {  	v62 =	vshrl.u32 v28, $0x2;
	v28 =	vshrl.u32 v28, $0x6;
	v33 =	vbroadcast v33, $0xF  }
0x153: {  	s12 =	sadd.s32 s16, s21;
	v29 =	vadd.f32 v57, v56;
	v60 =	vand.u32 $0x40, v59;
	v63 =	vand.u32 $0x3FFFFFC0, v62  }
0x154: {  	s1 =	sshll.u32 s12, $0x7;
	(xrf2) =	vadd.scan.msk.f32 $0xffff, v22;
	v30 =	vand.u32 $0x3FFFFF80, v62;
	v28 =	vand.u32 $0x1, v28;
	v58 =	vsub.f32 v32, v55  }
0x155: {  	s14 =	sshll.u32 s21, $0x6;
	v22 =	vor.u32 s1, v60;
	v48 =	vor.u32 v61, v63;
	v53 =	vor.u32 v18, v63  }
0x156: {  	v36 =	vld.idx.msk [tilespmem:v51+s28+$0x0], $0xffff;
	s1 =	sand.u32 $0x3FFFFFC0, s14;
	v34 =	vor.u32 v17, v63;
	v28 =	vcvt.s32.f32 v28;
	v49 =	vor.u32 v61, v22  }
0x157: {  	v21 =	vsub.f32 v21, v33;
	v52 =	vor.u32 v18, v22;
	v57 =	vld [tilespmem:s1+$0xDC00];
	v31 =	vadd.f32 $9.999999740e-06, v58  }
0x158: {  	v27 =	vsub.f32 v27, v33;
	v26 =	vsub.f32 v26, v33;
	v42 =	vor.u32 v19, v22;
	v45 =	vld [tilespmem:s1+$0xDC10]  }
0x159: {  	v20 =	vsub.f32 v20, v33;
	v22 =	vor.u32 v17, v22;
	v47 =	vld [tilespmem:s1+$0xDC30];
	v31 =	vbroadcast v31, $0xF  }
0x15a: {  	(xrf2) =	vadd.scan.msk.f32 $0xffff, v29;
	v29 =	vand.u32 $0x4F, v48;
	v55 =	vand.u32 $0x5F, v53;
	v58 =	vor.u32 v19, v63;
	v63 =	vld [tilespmem:s1+$0xDC20]  }
0x15b: {  	v29 =	vor.u32 v30, v29;
	v50 =	vshrl.u32 v31, $0x1;
	v38 =	vmul.f32 $5.000000000e-01, v31;
	v54 =	vld.idx.msk [tilespmem:v49+s25+$0x0], $0xffff  }
0x15c: {  	v34 =	vand.u32 $0x7F, v34;
	v41 =	vor.u32 v30, v55;
	v31 =	vld.idx.msk [tilespmem:v52+s25+$0x0], $0xffff;
	v35 =	vsub.s32 $0x5F3759DF, v50  }
0x15d: {  	v51 =	vshrl.u32 v36, $0x1;
	v44 =	vand.u32 $0x6F, v58;
	v62 =	vld.idx.msk [tilespmem:v42+s25+$0x0], $0xffff;
	v56 =	vmul.f32 v35, v38  }
0x15e: {  	s15 =	sadd.s32 s16, s22;
	v53 =	vand.u32 $0x40, v51;
	v51 =	vmul.f32 v28, v14;
	v59 =	vor.u32 v30, v44;
	v22 =	vld.idx.msk [tilespmem:v22+s25+$0x0], $0xffff;
	v43, _, _ =	vpop (xrf2)  }
0x15f: {  	s2 =	sshll.u32 s15, $0x7;
	v30 =	vor.u32 v30, v34;
	v37 =	vmul.f32 v35, v56;
	v32 =	vmul.f32 $1.562500000e-02, v43  }
0x160: {  	v29 =	vld.idx.msk [tilespmem:v29+s18+$0x0], $0xffff;
	v43 =	vor.u32 s2, v53;
	v53 =	vmul.f32 v28, v16;
	v39 =	vadd.f32 v57, v54  }
0x161: {  	v41 =	vld.idx.msk [tilespmem:v41+s18+$0x0], $0xffff;
	v54 =	vshrl.u32 v36, $0x2;
	v49 =	vor.u32 v61, v43;
	v31 =	vadd.f32 v45, v31  }
0x162: {  	v45 =	vmul.f32 v28, v13;
	v56 =	vor.u32 v18, v43;
	v57 =	vadd.f32 v63, v62  }
0x163: {  	v52 =	vld.idx.msk [tilespmem:v59+s18+$0x0], $0xffff;
	v22 =	vadd.f32 v47, v22;
	v59 =	vor.u32 v19, v43;
	v63 =	vmul.f32 v28, v15  }
0x164: {  	v30 =	vld.idx.msk [tilespmem:v30+s18+$0x0], $0xffff;
	v60, _, _ =	vpop (xrf2);
	v43 =	vor.u32 v17, v43;
	v36 =	vshrl.u32 v36, $0x6;
	v37 =	vsub.f32 $1.500000000e+00, v37  }
0x165: {  	v44 =	vmul.f32 $1.562500000e-02, v60;
	v46 =	vmul.f32 v32, v32;
	v29 =	vadd.f32 v29, v0  }
0x166: {  	v41 =	vadd.f32 v41, v2;
	v36 =	vand.u32 $0x1, v36;
	v32 =	vbroadcast v32, $0xF  }
0x167: {  	v37 =	vmul.f32 v35, v37;
	v34 =	vsub.f32 v44, v46;
	v29 =	vadd.f32 v29, v39  }
0x168: {  	v46 =	vand.u32 $0x3FFFFFC0, v54;
	v41 =	vadd.f32 v41, v31;
	v40 =	vadd.f32 v52, v3  }
0x169: {  	s23 =	sshll.u32 s22, $0x6;
	v44 =	vand.u32 $0x3FFFFF80, v54;
	v30 =	vadd.f32 v30, v4;
	v24 =	vsub.f32 v24, v32  }
0x16a: {  	s24 =	sor.u32 $0x50, s23;
	v47 =	vld [tilespmem:s23+$0xDC00];
	v25 =	vsub.f32 v25, v32;
	v48 =	vor.u32 v61, v46;
	v50 =	vor.u32 v18, v46  }
0x16b: {  	v54 =	vld [tilespmem:s24+$0xDC00];
	v60 =	vor.u32 v19, v46;
	v46 =	vor.u32 v17, v46;
	v55 =	vand.u32 $0x4F, v48  }
0x16c: {  	v58 =	vand.u32 $0x5F, v50;
	v42 =	vld.idx.msk [tilespmem:v49+s25+$0x0], $0xffff;
	v40 =	vadd.f32 v40, v57;
	v62 =	vand.u32 $0x6F, v60  }
0x16d: {  	s26 =	sor.u32 $0x60, s23;
	v22 =	vadd.f32 v30, v22;
	v48 =	vld.idx.msk [tilespmem:v56+s25+$0x0], $0xffff;
	v31 =	vadd.f32 v29, v45;
	v39 =	vor.u32 v44, v55  }
0x16e: {  	v30 =	vadd.f32 v41, v51;
	v45 =	vld [tilespmem:s26+$0xDC00];
	v38 =	vmul.f32 v37, v38;
	v35 =	vor.u32 v44, v58  }
0x16f: {  	v43 =	vld.idx.msk [tilespmem:v43+s25+$0x0], $0xffff;
	v52 =	vor.u32 v44, v62;
	v55 =	vand.u32 $0x7F, v46;
	v28 =	vadd.f32 v40, v63  }
0x170: {  	s1 =	sor.u32 $0x70, s23;
	v29 =	vadd.f32 v22, v53;
	v22 =	vld.idx.msk [tilespmem:v59+s25+$0x0], $0xffff;
	v40 =	vor.u32 v44, v55;
	v56 =	vmul.f32 v31, v31  }
0x171: {  	v34 =	vadd.f32 $9.999999740e-06, v34;
	v57 =	vmul.f32 v30, v30;
	v53 =	vld [tilespmem:s1+$0xDC00];
	v38 =	vmul.f32 v38, v37  }
0x172: {  	s24 =	sadd.s32 $0x4, s19;
	v51 =	vadd.f32 v30, v31;
	v58 =	vmul.f32 v28, v28;
	v59 =	vmul.f32 v29, v29;
	v39 =	vld.idx.msk [tilespmem:v39+s18+$0x0], $0xffff  }
0x173: {  	v36 =	vcvt.s32.f32 v36;
	s29 =	sadd.s32 s4, s24;
	v62 =	vadd.f32 v29, v28;
	v41 =	vadd.f32 v57, v56;
	v35 =	vld.idx.msk [tilespmem:v35+s18+$0x0], $0xffff  }
0x174: {  	v46 =	vmov s29;
	v38 =	vsub.f32 $1.500000000e+00, v38;
	v60 =	vld.idx.msk [tilespmem:v52+s18+$0x0], $0xffff;
	v63 =	vadd.f32 v59, v58  }
0x175: {  	v57 =	vbroadcast v34, $0xF;
	v42 =	vadd.f32 v47, v42;
	v56 =	vadd.f32 v62, v51;
	v40 =	vld.idx.msk [tilespmem:v40+s18+$0x0], $0xffff  }
0x176: {  	v55 =	vadd.f32 v54, v48;
	v47 =	vand.u32 $0xFFFFFFFC, v46;
	v41 =	vadd.f32 v63, v41  }
0x177: {  	v59 =	vmul.f32 v36, v13;
	v62 =	vmul.f32 v36, v15;
	v52 =	vshrl.u32 v57, $0x1;
	(xrf2) =	vadd.scan.msk.f32 $0xffff, v56  }
0x178: {  	v37 =	vmul.f32 v38, v37;
	v22 =	vadd.f32 v45, v22;
	v43 =	vadd.f32 v53, v43;
	(xrf2) =	vadd.scan.msk.f32 $0xffff, v41  }
0x179: {  	v63 =	vmul.f32 v36, v16;
	v39 =	vadd.f32 v39, v0;
	v35 =	vadd.f32 v35, v2  }
0x17a: {  	v56 =	vsub.s32 $0x5F3759DF, v52;
	v58 =	vadd.f32 v60, v3;
	v40 =	vadd.f32 v40, v4  }
0x17b: {  	v60 =	vmul.f32 v36, v14;
	v39 =	vadd.f32 v39, v42;
	v35 =	vadd.f32 v35, v55  }
0x17c: {  	v22 =	vadd.f32 v58, v22;
	v42 =	vmul.f32 $5.000000000e-01, v57;
	v40 =	vadd.f32 v40, v43  }
0x17d: {  	v5 =	vmul.f32 v37, v21;
	v36 =	vadd.f32 v39, v59;
	v35 =	vadd.f32 v35, v60  }
0x17e: {  	v34 =	vadd.f32 v22, v62;
	v39 =	vbroadcast v47, $0x0;
	v45 =	vmul.f32 v56, v42  }
0x17f: {  	v22 =	vadd.f32 v40, v63;
	v48 =	vmul.f32 v36, v36;
	v49 =	vmul.f32 v35, v35  }
0x180: {  	v1 =	vsub.f32 v1, v32;
	v50 =	vmul.f32 v34, v34;
	v59 =	vmul.f32 v56, v45  }
0x181: {  	v53 =	vadd.f32 v35, v36;
	v51 =	vmul.f32 v22, v22;
	v54 =	vadd.f32 v22, v34;
	v58, _, _ =	vpop (xrf2)  }
0x182: {  	v40 =	vadd.f32 v49, v48;
	v38 =	vmul.f32 $1.562500000e-02, v58;
	v48 =	vsub.f32 $1.500000000e+00, v59;
	v60, _, _ =	vpop (xrf2)  }
0x183: {  	[tilespmem:$0x1FCC0] =	vst v5;
	v5 =	vmul.f32 v37, v27;
	v57 =	vadd.f32 v54, v53;
	v62 =	vmul.f32 $1.562500000e-02, v60  }
0x184: {  	v55 =	vadd.f32 v51, v50;
	v39 =	vld.idx.msk [tilespmem:v39+s28+$0x0], $0xffff;
	v63 =	vmul.f32 v38, v38;
	v21 =	vmul.f32 v56, v48  }
0x185: {  	[tilespmem:$0x1FCD0] =	vst v5;
	v5 =	vmul.f32 v37, v26;
	v38 =	vbroadcast v38, $0xF;
	(xrf2) =	vadd.scan.msk.f32 $0xffff, v57  }
0x186: {  	v40 =	vadd.f32 v55, v40;
	v49 =	vsub.f32 v62, v63;
	v42 =	vmul.f32 v21, v42  }
0x187: {  	[tilespmem:$0x1FCE0] =	vst v5;
	v5 =	vmul.f32 v37, v20;
	v37 =	vsub.f32 v23, v32;
	v30 =	vsub.f32 v30, v38  }
0x188: {  	v28 =	vsub.f32 v28, v38;
	(xrf2) =	vadd.scan.msk.f32 $0xffff, v40;
	v27 =	vadd.f32 $9.999999740e-06, v49;
	v26 =	vmul.f32 v42, v21  }
0x189: {  	s30 =	sadd.s32 s16, s24;
	v50 =	vshrl.u32 v39, $0x1;
	v51 =	vshrl.u32 v39, $0x2;
	v39 =	vshrl.u32 v39, $0x6  }
0x18a: {  	s1 =	sshll.u32 s30, $0x7;
	v40 =	vand.u32 $0x40, v50;
	v43 =	vand.u32 $0x3FFFFFC0, v51;
	v27 =	vbroadcast v27, $0xF  }
0x18b: {  	v41 =	vand.u32 $0x3FFFFF80, v51;
	v26 =	vsub.f32 $1.500000000e+00, v26;
	v40 =	vor.u32 s1, v40  }
0x18c: {  	v39 =	vand.u32 $0x1, v39;
	v52 =	vor.u32 v61, v43;
	v53 =	vor.u32 v61, v40  }
0x18d: {  	s2 =	sshll.u32 s24, $0x6;
	v59 =	vor.u32 v18, v43;
	v44 =	vand.u32 $0x4F, v52;
	v56 =	vor.u32 v18, v40  }
0x18e: {  	s1 =	sand.u32 $0x3FFFFFC0, s2;
	v54 =	vshrl.u32 v27, $0x1;
	v27 =	vmul.f32 $5.000000000e-01, v27;
	v63 =	vor.u32 v19, v40  }
0x18f: {  	v51 =	vld [tilespmem:s1+$0xDC00];
	v42 =	vor.u32 v41, v44;
	v44 =	vsub.s32 $0x5F3759DF, v54;
	v54 =	vmul.f32 v26, v21;
	v55, _, _ =	vpop (xrf2)  }
0x190: {  	v40 =	vor.u32 v17, v40;
	v58 =	vmul.f32 v44, v27;
	v46 =	vmul.f32 $1.562500000e-02, v55;
	v55 =	vld [tilespmem:s1+$0xDC30]  }
0x191: {  	[tilespmem:$0x1FCF0] =	vst v5;
	v57 =	vor.u32 v19, v43;
	v43 =	vor.u32 v17, v43;
	v48 =	vand.u32 $0x5F, v59;
	v45 =	vld.idx.msk [tilespmem:v53+s25+$0x0], $0xffff  }
0x192: {  	v48 =	vor.u32 v41, v48;
	v5 =	vmul.f32 v54, v24;
	v33 =	vmul.f32 v44, v58;
	v60, _, _ =	vpop (xrf2);
	v47 =	vld.idx.msk [tilespmem:v56+s25+$0x0], $0xffff  }
0x193: {  	v53 =	vand.u32 $0x6F, v57;
	v26 =	vld.idx.msk [tilespmem:v63+s25+$0x0], $0xffff;
	v49 =	vmul.f32 $1.562500000e-02, v60;
	v62 =	vmul.f32 v46, v46  }
0x194: {  	v43 =	vand.u32 $0x7F, v43;
	[tilespmem:$0x1FD00] =	vst v5;
	v42 =	vld.idx.msk [tilespmem:v42+s18+$0x0], $0xffff;
	v59 =	vor.u32 v41, v53;
	v60 =	vsub.f32 $1.500000000e+00, v33  }
0x195: {  	s6 =	sadd.s32 $0x5, s19;
	v5 =	vmul.f32 v54, v25;
	v52 =	vld.idx.msk [tilespmem:v40+s25+$0x0], $0xffff;
	v49 =	vsub.f32 v49, v62;
	v62 =	vor.u32 v41, v43  }
0x196: {  	s3 =	sadd.s32 s4, s6;
	v29 =	vsub.f32 v29, v38;
	v39 =	vcvt.s32.f32 v39;
	v53 =	vld [tilespmem:s1+$0xDC10];
	v23 =	vmul.f32 v44, v60  }
0x197: {  	v58 =	vmov s3;
	v48 =	vld.idx.msk [tilespmem:v48+s18+$0x0], $0xffff;
	[tilespmem:$0x1FD10] =	vst v5;
	v5 =	vmul.f32 v54, v37;
	v49 =	vadd.f32 $9.999999740e-06, v49  }
0x198: {  	v43 =	vld [tilespmem:s1+$0xDC20];
	v20 =	vmul.f32 v23, v27;
	v56 =	vadd.f32 v51, v45;
	v51 =	vmul.f32 v39, v14  }
0x199: {  	v57 =	vadd.f32 v42, v0;
	v42 =	vand.u32 $0xFFFFFFFD, v58;
	v63 =	vbroadcast v49, $0xF;
	v49 =	vld.idx.msk [tilespmem:v59+s18+$0x0], $0xffff  }
0x19a: {  	v25 =	vadd.f32 v55, v52;
	v52 =	vmul.f32 v39, v15;
	v59 =	vbroadcast v42, $0x0;
	v33 =	vld.idx.msk [tilespmem:v62+s18+$0x0], $0xffff  }
0x19b: {  	v60 =	vadd.f32 v53, v47;
	v50 =	vshrl.u32 v63, $0x1;
	v41 =	vmul.f32 $5.000000000e-01, v63  }
0x19c: {  	v37 =	vadd.f32 v57, v56;
	v62 =	vadd.f32 v48, v2;
	v24 =	vsub.s32 $0x5F3759DF, v50  }
0x19d: {  	v26 =	vadd.f32 v43, v26;
	v48 =	vmul.f32 v39, v13;
	v63 =	vmul.f32 v24, v41  }
0x19e: {  	v53 =	vmul.f32 v20, v23;
	v50 =	vadd.f32 v62, v60;
	v21 =	vadd.f32 v49, v3  }
0x19f: {  	v27 =	vadd.f32 v37, v48;
	v49 =	vadd.f32 v33, v4;
	v55 =	vmul.f32 v24, v63  }
0x1a0: {  	v39 =	vmul.f32 v39, v16;
	v37 =	vld.idx.msk [tilespmem:v59+s28+$0x0], $0xffff;
	v26 =	vadd.f32 v21, v26;
	v21 =	vadd.f32 v50, v51  }
0x1a1: {  	v56 =	vmul.f32 v27, v27;
	v25 =	vadd.f32 v49, v25;
	v40 =	vsub.f32 $1.500000000e+00, v55  }
0x1a2: {  	s8 =	sadd.s32 $0x6, s19;
	v33 =	vadd.f32 v26, v52;
	v57 =	vmul.f32 v21, v21;
	v60 =	vadd.f32 v21, v27  }
0x1a3: {  	s7 =	sadd.s32 s4, s8;
	v1 =	vmul.f32 v54, v1;
	v20 =	vadd.f32 v25, v39;
	v25 =	vsub.f32 $1.500000000e+00, v53  }
0x1a4: {  	v53 =	vmov s7;
	v58 =	vmul.f32 v33, v33;
	v26 =	vadd.f32 v57, v56  }
0x1a5: {  	v48 =	vshrl.u32 v37, $0x1;
	v50 =	vshrl.u32 v37, $0x2;
	v56 =	vand.u32 $0xFFFFFFFE, v53  }
0x1a6: {  	s5 =	sadd.s32 s16, s6;
	v59 =	vmul.f32 v20, v20;
	v62 =	vadd.f32 v20, v33;
	v42 =	vand.u32 $0x40, v48  }
0x1a7: {  	s1 =	sshll.u32 s5, $0x7;
	v39 =	vand.u32 $0x3FFFFFC0, v50;
	v43 =	vand.u32 $0x3FFFFF80, v50;
	v44 =	vbroadcast v56, $0x0  }
0x1a8: {  	v42 =	vor.u32 s1, v42;
	v51 =	vor.u32 v61, v39;
	v54 =	vor.u32 v19, v39  }
0x1a9: {  	s10 =	sshll.u32 s6, $0x6;
	v63 =	vadd.f32 v59, v58;
	v49 =	vadd.f32 v62, v60;
	v52 =	vor.u32 v61, v42  }
0x1aa: {  	s11 =	sor.u32 $0x50, s10;
	v55 =	vand.u32 $0x4F, v51;
	v58 =	vsub.f32 v31, v38;
	v31 =	vmul.f32 v24, v40  }
0x1ab: {  	s12 =	sor.u32 $0x60, s10;
	[tilespmem:$0x1FD30] =	vst v1;
	v48 =	vld [tilespmem:s11+$0xDC00];
	v1 =	vor.u32 v18, v42;
	v59 =	vor.u32 v18, v39;
	v40 =	vbroadcast v46, $0xF  }
0x1ac: {  	v53 =	vor.u32 v19, v42;
	v46 =	vld [tilespmem:s12+$0xDC00];
	v57 =	vor.u32 v43, v55;
	v26 =	vadd.f32 v63, v26  }
0x1ad: {  	v42 =	vor.u32 v17, v42;
	v39 =	vor.u32 v17, v39;
	(xrf2) =	vadd.scan.msk.f32 $0xffff, v49;
	v60 =	vmul.f32 v31, v41;
	v63 =	vld [tilespmem:s10+$0xDC00]  }
0x1ae: {  	v24 =	vand.u32 $0x5F, v59;
	v39 =	vand.u32 $0x7F, v39;
	(xrf2) =	vadd.scan.msk.f32 $0xffff, v26;
	v26 =	vmul.f32 v25, v23;
	v38 =	vld.idx.msk [tilespmem:v44+s28+$0x0], $0xffff  }
0x1af: {  	v36 =	vsub.f32 v36, v40;
	v39 =	vor.u32 v43, v39;
	v23 =	vmul.f32 v60, v31;
	v62 =	vld.idx.msk [tilespmem:v52+s25+$0x0], $0xffff  }
0x1b0: {  	[tilespmem:$0x1FD20] =	vst v5;
	v52 =	vor.u32 v43, v24;
	v24 =	vand.u32 $0x6F, v54;
	v1 =	vld.idx.msk [tilespmem:v1+s25+$0x0], $0xffff;
	v5 =	vmul.f32 v26, v58  }
0x1b1: {  	v32 =	vld.idx.msk [tilespmem:v57+s18+$0x0], $0xffff;
	v44 =	vsub.f32 $1.500000000e+00, v23;
	v55 =	vor.u32 v43, v24;
	v58 =	vshrl.u32 v37, $0x6  }
0x1b2: {  	v24 =	vsub.f32 v35, v40;
	v23 =	vsub.f32 v34, v40;
	v37 =	vld.idx.msk [tilespmem:v53+s25+$0x0], $0xffff;
	v35 =	vand.u32 $0x1, v58  }
0x1b3: {  	[tilespmem:$0x1FD40] =	vst v5;
	v35 =	vcvt.s32.f32 v35;
	v5 =	vmul.f32 v26, v30;
	v59 =	vshrl.u32 v38, $0x1  }
0x1b4: {  	s13 =	sadd.s32 s16, s8;
	v42 =	vld.idx.msk [tilespmem:v42+s25+$0x0], $0xffff;
	v25 =	vadd.f32 v63, v62;
	v60 =	vand.u32 $0x40, v59;
	v62 =	vshrl.u32 v38, $0x2  }
0x1b5: {  	s2 =	sshll.u32 s13, $0x7;
	s1 =	sor.u32 $0x70, s10;
	v45 =	vld.idx.msk [tilespmem:v52+s18+$0x0], $0xffff;
	v1 =	vadd.f32 v48, v1;
	v48 =	vmul.f32 v35, v13;
	v38 =	vshrl.u32 v38, $0x6  }
0x1b6: {  	v63 =	vld [tilespmem:s1+$0xDC00];
	v32 =	vadd.f32 v32, v0;
	v51 =	vand.u32 $0x3FFFFFC0, v62;
	v47 =	vor.u32 s2, v60  }
0x1b7: {  	v59 =	vld.idx.msk [tilespmem:v39+s18+$0x0], $0xffff;
	v50 =	vand.u32 $0x3FFFFF80, v62;
	v37 =	vadd.f32 v46, v37;
	v58 =	vor.u32 v61, v47  }
0x1b8: {  	v41 =	vld.idx.msk [tilespmem:v55+s18+$0x0], $0xffff;
	v56, _, _ =	vpop (xrf2);
	v53 =	vor.u32 v18, v47;
	v55 =	vor.u32 v18, v51;
	v54 =	vor.u32 v19, v47  }
0x1b9: {  	v47 =	vor.u32 v17, v47;
	v34 =	vmul.f32 $1.562500000e-02, v56;
	v25 =	vadd.f32 v32, v25;
	v57, _, _ =	vpop (xrf2)  }
0x1ba: {  	v62 =	vand.u32 $0x5F, v55;
	v56 =	vmul.f32 v35, v14;
	v49 =	vmul.f32 $1.562500000e-02, v57  }
0x1bb: {  	s14 =	sshll.u32 s8, $0x6;
	v43 =	vmul.f32 v34, v34;
	v57 =	vor.u32 v61, v51;
	v45 =	vadd.f32 v45, v2  }
0x1bc: {  	s1 =	sand.u32 $0x3FFFFFC0, s14;
	v42 =	vadd.f32 v63, v42;
	v32 =	vadd.f32 v59, v4;
	v63 =	vor.u32 v19, v51  }
0x1bd: {  	v52 =	vld [tilespmem:s1+$0xDC00];
	v48 =	vadd.f32 v25, v48;
	v60 =	vand.u32 $0x4F, v57;
	v41 =	vadd.f32 v41, v3  }
0x1be: {  	v57 =	vld [tilespmem:s1+$0xDC10];
	v39 =	vor.u32 v50, v60;
	v1 =	vadd.f32 v45, v1;
	v45 =	vor.u32 v50, v62  }
0x1bf: {  	v46 =	vld.idx.msk [tilespmem:v58+s25+$0x0], $0xffff;
	v60 =	vand.u32 $0x6F, v63;
	v62 =	vmul.f32 v35, v15;
	v32 =	vadd.f32 v32, v42  }
0x1c0: {  	v42 =	vld.idx.msk [tilespmem:v53+s25+$0x0], $0xffff;
	v63 =	vmul.f32 v35, v16;
	v58 =	vor.u32 v17, v51;
	v43 =	vsub.f32 v49, v43  }
0x1c1: {  	v47 =	vld.idx.msk [tilespmem:v47+s25+$0x0], $0xffff;
	v37 =	vadd.f32 v41, v37;
	v41 =	vor.u32 v50, v60;
	v59 =	vand.u32 $0x7F, v58  }
0x1c2: {  	v51 =	vadd.f32 v1, v56;
	v1 =	vadd.f32 v32, v63;
	v32 =	vor.u32 v50, v59;
	v50 =	vld [tilespmem:s1+$0xDC20]  }
0x1c3: {  	[tilespmem:$0x1FD50] =	vst v5;
	v5 =	vmul.f32 v26, v28;
	v38 =	vand.u32 $0x1, v38;
	v35 =	vadd.f32 v37, v62;
	v37 =	vld.idx.msk [tilespmem:v54+s25+$0x0], $0xffff  }
0x1c4: {  	v25 =	vsub.f32 v22, v40;
	v60 =	vmul.f32 v48, v48;
	v43 =	vadd.f32 $9.999999740e-06, v43;
	v39 =	vld.idx.msk [tilespmem:v39+s18+$0x0], $0xffff  }
0x1c5: {  	v62 =	vmul.f32 v51, v51;
	v53 =	vmul.f32 v1, v1;
	v58 =	vadd.f32 v51, v48;
	v45 =	vld.idx.msk [tilespmem:v45+s18+$0x0], $0xffff  }
0x1c6: {  	s10 =	sadd.s32 $0x7, s19;
	v63 =	vmul.f32 v35, v35;
	v59 =	vadd.f32 v1, v35;
	v46 =	vadd.f32 v52, v46;
	v41 =	vld.idx.msk [tilespmem:v41+s18+$0x0], $0xffff  }
0x1c7: {  	s15 =	sadd.s32 s4, s10;
	[tilespmem:$0x1FD60] =	vst v5;
	v5 =	vmul.f32 v26, v29;
	v55 =	vadd.f32 v57, v42;
	v22 =	vadd.f32 v62, v60;
	v62 =	vld [tilespmem:s1+$0xDC30]  }
0x1c8: {  	v57 =	vmov s15;
	v60 =	vadd.f32 v53, v63;
	v63 =	vld.idx.msk [tilespmem:v32+s18+$0x0], $0xffff;
	v53 =	vcvt.s32.f32 v38  }
0x1c9: {  	v52 =	vadd.f32 v59, v58;
	v32 =	vmul.f32 v44, v31;
	v58 =	vadd.f32 v50, v37  }
0x1ca: {  	v50 =	vbroadcast v43, $0xF;
	v22 =	vadd.f32 v60, v22;
	v60 =	vmul.f32 v53, v13  }
0x1cb: {  	v49 =	vmul.f32 v53, v15;
	v39 =	vadd.f32 v39, v0;
	v56 =	vadd.f32 v45, v2  }
0x1cc: {  	v28 =	vmul.f32 v53, v16;
	v59 =	vadd.f32 v41, v3;
	v40 =	vadd.f32 v62, v47  }
0x1cd: {  	[tilespmem:$0x1FD70] =	vst v5;
	v5 =	vmul.f32 v32, v36;
	v54 =	vadd.f32 v39, v46;
	v62 =	vadd.f32 v63, v4  }
0x1ce: {  	v38 =	vadd.f32 v56, v55;
	v63 =	vmul.f32 v53, v14;
	v39 =	vld.idx.msk [tilespmem:v57+s28+$0x0], $0xffff;
	v37 =	vadd.f32 v59, v58  }
0x1cf: {  	v26 =	vmul.f32 $5.000000000e-01, v50;
	v40 =	vadd.f32 v62, v40;
	v31 =	vadd.f32 v54, v60  }
0x1d0: {  	v56 =	vshrl.u32 v50, $0x1;
	v30 =	vadd.f32 v38, v63;
	v29 =	vadd.f32 v37, v49  }
0x1d1: {  	v28 =	vadd.f32 v40, v28;
	v40 =	vbroadcast v34, $0xF;
	v54 =	vmul.f32 v31, v31  }
0x1d2: {  	(xrf2) =	vadd.scan.msk.f32 $0xffff, v52;
	v52 =	vadd.f32 v30, v31;
	v55 =	vmul.f32 v30, v30;
	v57 =	vmul.f32 v29, v29  }
0x1d3: {  	s23 =	sadd.s32 s16, s10;
	v60 =	vshrl.u32 v39, $0x1;
	v63 =	vshrl.u32 v39, $0x2;
	v53 =	vadd.f32 v28, v29  }
0x1d4: {  	s1 =	sshll.u32 s23, $0x7;
	v58 =	vmul.f32 v28, v28;
	v59 =	vadd.f32 v55, v54;
	v36 =	vand.u32 $0x40, v60  }
0x1d5: {  	s11 =	sadd.s32 $0x8, s19;
	(xrf2) =	vadd.scan.msk.f32 $0xffff, v22;
	v43 =	vand.u32 $0x3FFFFFC0, v63;
	v45 =	vand.u32 $0x3FFFFF80, v63;
	v44 =	vor.u32 s1, v36  }
0x1d6: {  	s26 =	sadd.s32 s4, s11;
	v50 =	vor.u32 v61, v43;
	v63 =	vor.u32 v19, v43;
	v22 =	vadd.f32 v53, v52  }
0x1d7: {  	v62 =	vadd.f32 v58, v57;
	v52 =	vor.u32 v61, v44;
	v53 =	vmov s26  }
0x1d8: {  	v46 =	vor.u32 v18, v44;
	v57 =	vor.u32 v18, v43;
	v43 =	vor.u32 v17, v43  }
0x1d9: {  	s29 =	sshll.u32 s10, $0x6;
	v54 =	vand.u32 $0xFFFFFFFC, v53;
	v43 =	vand.u32 $0x7F, v43;
	v49 =	vadd.f32 v62, v59  }
0x1da: {  	s30 =	sor.u32 $0x50, s29;
	(xrf2) =	vadd.scan.msk.f32 $0xffff, v22;
	v22 =	vand.u32 $0x4F, v50;
	v47 =	vbroadcast v54, $0x0;
	v50 =	vld [tilespmem:s29+$0xDC00];
	v54 =	vor.u32 v19, v44  }
0x1db: {  	v39 =	vshrl.u32 v39, $0x6;
	v38 =	vsub.f32 v21, v40;
	v43 =	vor.u32 v45, v43;
	(xrf2) =	vadd.scan.msk.f32 $0xffff, v49;
	v49 =	vld [tilespmem:s30+$0xDC00]  }
0x1dc: {  	v37 =	vsub.f32 v33, v40;
	v39 =	vand.u32 $0x1, v39;
	v22 =	vor.u32 v45, v22;
	v33 =	vld.idx.msk [tilespmem:v52+s25+$0x0], $0xffff  }
0x1dd: {  	s3 =	sor.u32 $0x60, s29;
	v36 =	vsub.f32 v27, v40;
	v27 =	vsub.f32 v20, v40;
	v59 =	vand.u32 $0x5F, v57;
	v40 =	vld.idx.msk [tilespmem:v46+s25+$0x0], $0xffff  }
0x1de: {  	v55, _, _ =	vpop (xrf2);
	v62 =	vor.u32 v45, v59;
	v52 =	vcvt.s32.f32 v39;
	v39 =	vld [tilespmem:s3+$0xDC00]  }
0x1df: {  	v34 =	vsub.s32 $0x5F3759DF, v56;
	v56 =	vmul.f32 $1.562500000e-02, v55;
	v58, _, _ =	vpop (xrf2);
	v54 =	vld.idx.msk [tilespmem:v54+s25+$0x0], $0xffff  }
0x1e0: {  	v57 =	vand.u32 $0x6F, v63;
	v21 =	vmul.f32 $1.562500000e-02, v58;
	v43 =	vld.idx.msk [tilespmem:v43+s18+$0x0], $0xffff  }
0x1e1: {  	v60 =	vmul.f32 v56, v56;
	v53 =	vbroadcast v56, $0xF;
	v46 =	vor.u32 v45, v57;
	v22 =	vld.idx.msk [tilespmem:v22+s18+$0x0], $0xffff  }
0x1e2: {  	v47 =	vld.idx.msk [tilespmem:v47+s28+$0x0], $0xffff  }
0x1e3: {  	v59 =	vor.u32 v17, v44;
	v42 =	vsub.f32 v21, v60;
	v21 =	vsub.f32 v48, v53;
	v48 =	vld.idx.msk [tilespmem:v62+s18+$0x0], $0xffff  }
0x1e4: {  	[tilespmem:$0x1FD80] =	vst v5;
	v5 =	vsub.f32 v51, v53;
	v20 =	vsub.f32 v35, v53  }
0x1e5: {  	v33 =	vadd.f32 v50, v33;
	v50 =	vmul.f32 v52, v13;
	v40 =	vadd.f32 v49, v40;
	v58, _, _ =	vpop (xrf2)  }
0x1e6: {  	v46 =	vld.idx.msk [tilespmem:v46+s18+$0x0], $0xffff;
	v54 =	vadd.f32 v39, v54;
	v43 =	vadd.f32 v43, v4;
	v44 =	vmul.f32 $1.562500000e-02, v58  }
0x1e7: {  	s12 =	sadd.s32 $0x9, s19;
	v62 =	vadd.f32 v22, v0;
	v63 =	vshrl.u32 v47, $0x1;
	v56 =	vshrl.u32 v47, $0x2  }
0x1e8: {  	s5 =	sadd.s32 s16, s11;
	s7 =	sadd.s32 s4, s12;
	s1 =	sor.u32 $0x70, s29;
	v51 =	vld.idx.msk [tilespmem:v59+s25+$0x0], $0xffff;
	v48 =	vadd.f32 v48, v2;
	v60, _, _ =	vpop (xrf2);
	v35 =	vand.u32 $0x40, v63;
	v57 =	vand.u32 $0x3FFFFFC0, v56  }
0x1e9: {  	s2 =	sshll.u32 s5, $0x7;
	v22 =	vld [tilespmem:s1+$0xDC00];
	v63 =	vmov s7;
	v45 =	vmul.f32 $1.562500000e-02, v60;
	v33 =	vadd.f32 v62, v33  }
0x1ea: {  	v58 =	vor.u32 s2, v35;
	v59 =	vor.u32 v61, v57;
	v40 =	vadd.f32 v48, v40  }
0x1eb: {  	v48 =	vmul.f32 v52, v14;
	v46 =	vadd.f32 v46, v3;
	v60 =	vor.u32 v61, v58  }
0x1ec: {  	v62 =	vand.u32 $0x4F, v59;
	v35 =	vadd.f32 v33, v50;
	v50 =	vand.u32 $0x3FFFFF80, v56  }
0x1ed: {  	v39 =	vand.u32 $0xFFFFFFFD, v63;
	v59 =	vor.u32 v19, v58;
	v33 =	vor.u32 v50, v62  }
0x1ee: {  	v49 =	vadd.f32 v22, v51;
	v51 =	vor.u32 v18, v58;
	v22 =	vor.u32 v18, v57  }
0x1ef: {  	s13 =	sshll.u32 s11, $0x6;
	v62 =	vor.u32 v19, v57;
	v63 =	vand.u32 $0x5F, v22;
	v22 =	vmul.f32 v52, v15  }
0x1f0: {  	s1 =	sand.u32 $0x3FFFFFC0, s13;
	v56 =	vld.idx.msk [tilespmem:v60+s25+$0x0], $0xffff;
	v60 =	vbroadcast v39, $0x0;
	v39 =	vadd.f32 v40, v48;
	v40 =	vadd.f32 v46, v54  }
0x1f1: {  	v57 =	vor.u32 v17, v57;
	v52 =	vmul.f32 v52, v16;
	v49 =	vadd.f32 v43, v49;
	v46 =	vld [tilespmem:s1+$0xDC00]  }
0x1f2: {  	v48 =	vor.u32 v50, v63;
	v63 =	vand.u32 $0x6F, v62;
	v33 =	vld.idx.msk [tilespmem:v33+s18+$0x0], $0xffff;
	v43 =	vadd.f32 v40, v22  }
0x1f3: {  	v59 =	vld.idx.msk [tilespmem:v59+s25+$0x0], $0xffff;
	v40 =	vadd.f32 v49, v52;
	v52 =	vor.u32 v50, v63;
	v22 =	vand.u32 $0x7F, v57  }
0x1f4: {  	v51 =	vld.idx.msk [tilespmem:v51+s25+$0x0], $0xffff;
	v50 =	vor.u32 v50, v22  }
0x1f5: {  	v47 =	vshrl.u32 v47, $0x6;
	v49 =	vld [tilespmem:s1+$0xDC10]  }
0x1f6: {  	v47 =	vand.u32 $0x1, v47;
	v54 =	vor.u32 v17, v58;
	v58 =	vld.idx.msk [tilespmem:v60+s28+$0x0], $0xffff  }
0x1f7: {  	v47 =	vcvt.s32.f32 v47;
	v22 =	vld [tilespmem:s1+$0xDC20];
	v46 =	vadd.f32 v46, v56;
	v33 =	vadd.f32 v33, v0  }
0x1f8: {  	v55 =	vmul.f32 v44, v44;
	v52 =	vld.idx.msk [tilespmem:v52+s18+$0x0], $0xffff  }
0x1f9: {  	v1 =	vsub.f32 v1, v53;
	v53 =	vmul.f32 v47, v13;
	v50 =	vld.idx.msk [tilespmem:v50+s18+$0x0], $0xffff;
	v46 =	vadd.f32 v33, v46  }
0x1fa: {  	v49 =	vadd.f32 v49, v51;
	v51 =	vld [tilespmem:s1+$0xDC30];
	v33 =	vsub.f32 v45, v55  }
0x1fb: {  	s14 =	sadd.s32 s16, s12;
	v45 =	vadd.f32 v46, v53;
	v46 =	vld.idx.msk [tilespmem:v54+s25+$0x0], $0xffff;
	v63 =	vshrl.u32 v58, $0x1;
	v54 =	vshrl.u32 v58, $0x2  }
0x1fc: {  	s15 =	sshll.u32 s14, $0x7;
	v48 =	vld.idx.msk [tilespmem:v48+s18+$0x0], $0xffff;
	v56 =	vadd.f32 v22, v59;
	v53 =	vand.u32 $0x40, v63;
	v62 =	vand.u32 $0x3FFFFFC0, v54  }
0x1fd: {  	v52 =	vadd.f32 v52, v3;
	v54 =	vand.u32 $0x3FFFFF80, v54;
	v53 =	vor.u32 s15, v53  }
0x1fe: {  	v22 =	vor.u32 v61, v62;
	v50 =	vadd.f32 v50, v4;
	v63 =	vor.u32 v61, v53  }
0x1ff: {  	v59 =	vand.u32 $0x4F, v22;
	v52 =	vadd.f32 v52, v56;
	v56 =	vor.u32 v18, v53  }
0x200: {  	v22 =	vor.u32 v18, v62;
	v59 =	vor.u32 v54, v59;
	v46 =	vadd.f32 v51, v46  }
0x201: {  	s23 =	sshll.u32 s12, $0x6;
	v48 =	vadd.f32 v48, v2;
	v22 =	vand.u32 $0x5F, v22  }
0x202: {  	v61 =	vmul.f32 v47, v15;
	v51 =	vor.u32 v54, v22;
	v46 =	vadd.f32 v50, v46;
	v50 =	vld [tilespmem:s23+$0xDC00]  }
0x203: {  	[tilespmem:$0x1FCB0] =	vst v5;
	v5 =	vmul.f32 v47, v16;
	v63 =	vld.idx.msk [tilespmem:v63+s25+$0x0], $0xffff  }
0x204: {  	v48 =	vadd.f32 v48, v49;
	v49 =	vmul.f32 v47, v14;
	v47 =	vadd.f32 v52, v61;
	v52 =	vld.idx.msk [tilespmem:v56+s25+$0x0], $0xffff  }
0x205: {  	s26 =	sor.u32 $0x50, s23;
	v59 =	vld.idx.msk [tilespmem:v59+s18+$0x0], $0xffff  }
0x206: {  	v6 =	vmul.f32 v32, v24;
	v46 =	vadd.f32 v46, v5;
	v5 =	vld [tilespmem:s26+$0xDC00]  }
0x207: {  	v2 =	vor.u32 v19, v62;
	v48 =	vadd.f32 v48, v49;
	v49 =	vld.idx.msk [tilespmem:v51+s18+$0x0], $0xffff  }
0x208: {  	v2 =	vand.u32 $0x6F, v2;
	[tilespmem:$0x1FD90] =	vst v6;
	v6 =	vld [tilespmem:$0x1FF40]  }
0x209: {  	v57 =	vadd.f32 v39, v35;
	v60 =	vadd.f32 v40, v43;
	v2 =	vor.u32 v54, v2;
	_ =	sdelay $0x1  }
0x20a: {  	v55 =	vadd.f32 v60, v57;
	v57 =	vmul.f32 v35, v35  }
0x20b: {  	v60 =	vmul.f32 v39, v39;
	v4 =	vmul.f32 v43, v43;
	v3 =	vor.u32 v19, v53  }
0x20c: {  	v22 =	vmul.f32 v40, v40;
	v49 =	vadd.f32 v49, v6;
	v6 =	vmul.f32 v32, v23  }
0x20d: {  	v41 =	vmul.f32 v34, v26;
	v2 =	vld.idx.msk [tilespmem:v2+s18+$0x0], $0xffff  }
0x20e: {  	v57 =	vadd.f32 v60, v57;
	v53 =	vor.u32 v17, v53;
	v4 =	vadd.f32 v22, v4;
	[tilespmem:$0x1FDA0] =	vst v6;
	v6 =	vld [tilespmem:$0x1FF60]  }
0x20f: {  	v62 =	vor.u32 v17, v62;
	v56 =	vadd.f32 v48, v45;
	v22 =	vadd.f32 v46, v47  }
0x210: {  	v24 =	vmul.f32 v34, v41;
	v4 =	vadd.f32 v4, v57;
	v51 =	vand.u32 $0x7F, v62  }
0x211: {  	s29 =	sor.u32 $0x60, s23;
	s13 =	sadd.s32 $0xA, s19;
	v3 =	vld.idx.msk [tilespmem:v3+s25+$0x0], $0xffff;
	v60 =	vadd.f32 v22, v56;
	v56 =	vmul.f32 v47, v47;
	v22 =	vmul.f32 v46, v46  }
0x212: {  	s30 =	sadd.s32 s4, s13;
	v57 =	vmul.f32 v48, v48;
	v62 =	vld [tilespmem:s29+$0xDC00];
	v51 =	vor.u32 v54, v51;
	v54 =	vmul.f32 v45, v45  }
0x213: {  	v61 =	vadd.f32 v22, v56;
	v22 =	vmov s30;
	v2 =	vadd.f32 v2, v6;
	v6 =	vld [tilespmem:$0x1FFC0]  }
0x214: {  	s1 =	sor.u32 $0x70, s23;
	v41 =	vld.idx.msk [tilespmem:v53+s25+$0x0], $0xffff;
	v57 =	vadd.f32 v57, v54;
	v56 =	vshrl.u32 v58, $0x6;
	v54 =	vand.u32 $0xFFFFFFFE, v22  }
0x215: {  	v53 =	vld [tilespmem:s1+$0xDC00];
	v56 =	vand.u32 $0x1, v56;
	v54 =	vbroadcast v54, $0x0  }
0x216: {  	v58 =	vcvt.s32.f32 v56  }
0x217: {  	v24 =	vsub.f32 $1.500000000e+00, v24;
	v50 =	vadd.f32 v50, v63;
	v51 =	vld.idx.msk [tilespmem:v51+s18+$0x0], $0xffff  }
0x218: {  	(xrf2) =	vadd.scan.msk.f32 $0xffff, v55;
	v63 =	vbroadcast v44, $0xF;
	v44 =	vadd.f32 v59, v0;
	v59 =	vmul.f32 v58, v6;
	v6 =	vld [tilespmem:$0x1FF50]  }
0x219: {  	v5 =	vadd.f32 v5, v52;
	v3 =	vadd.f32 v62, v3  }
0x21a: {  	v13 =	vlaneseq.u32;
	(xrf2) =	vadd.scan.msk.f32 $0xffff, v4;
	v41 =	vadd.f32 v53, v41;
	v22 =	vsub.f32 v31, v63  }
0x21b: {  	v44 =	vadd.f32 v44, v50;
	v55 =	vld.idx.msk [tilespmem:v54+s28+$0x0], $0xffff;
	v2 =	vadd.f32 v2, v3;
	v3 =	vmul.f32 v58, v15  }
0x21c: {  	v31 =	vsub.f32 v28, v63;
	v4 =	vadd.f32 v49, v5;
	v5 =	vmul.f32 v58, v14  }
0x21d: {  	v62 =	vmul.f32 v58, v16;
	v53 =	vadd.f32 v2, v3;
	v51 =	vadd.f32 v51, v6  }
0x21e: {  	v56 =	vadd.f32 v44, v59;
	v6 =	vmul.f32 v32, v25;
	v32 =	vadd.f32 v4, v5  }
0x21f: {  	(xrf2) =	vadd.scan.msk.f32 $0xffff, v60;
	v54 =	vmul.f32 v34, v24;
	v2 =	vadd.f32 v61, v57;
	v41 =	vadd.f32 v51, v41  }
0x220: {  	v60 =	vshrl.u32 v55, $0x2;
	v3 =	vmul.f32 v56, v56;
	v4 =	vmul.f32 v32, v32  }
0x221: {  	v57 =	vmul.f32 v53, v53;
	v24 =	vand.u32 $0x3FFFFFC0, v60;
	v51 =	vadd.f32 v41, v62  }
0x222: {  	s3 =	sadd.s32 s16, s13;
	v61, _, _ =	vpop (xrf2);
	v44 =	vsub.f32 v29, v63;
	v3 =	vadd.f32 v4, v3;
	v4 =	vshrl.u32 v55, $0x1  }
0x223: {  	s1 =	sshll.u32 s3, $0x7;
	v25 =	vmul.f32 $1.562500000e-02, v61;
	v4 =	vand.u32 $0x40, v4;
	v58 =	vmul.f32 v51, v51  }
0x224: {  	(xrf2) =	vadd.scan.msk.f32 $0xffff, v2;
	v5 =	vadd.f32 v32, v56;
	v59 =	vadd.f32 v51, v53;
	v4 =	vor.u32 s1, v4  }
0x225: {  	v52, _, _ =	vpop (xrf2);
	v62 =	vor.u32 v13, v4;
	v49 =	vor.u32 v18, v4;
	v2 =	vadd.f32 v58, v57  }
0x226: {  	v5 =	vadd.f32 v59, v5;
	v57 =	vmul.f32 $1.562500000e-02, v52;
	v58 =	vor.u32 v18, v24  }
0x227: {  	s5 =	sshll.u32 s13, $0x6;
	[tilespmem:$0x1FDB0] =	vst v6;
	v52 =	vor.u32 v19, v4;
	v4 =	vor.u32 v17, v4;
	v59 =	vand.u32 $0x5F, v58  }
0x228: {  	v6 =	vld [tilespmem:$0x1FF40];
	s1 =	sand.u32 $0x3FFFFFC0, s5;
	v2 =	vadd.f32 v2, v3;
	v3 =	vor.u32 v13, v24;
	(xrf2) =	vadd.scan.msk.f32 $0xffff, v5;
	v5 =	vand.u32 $0x3FFFFF80, v60  }
0x229: {  	s14 =	sadd.s32 $0xB, s19;
	v41 =	vsub.f32 v30, v63;
	v30 =	vld [tilespmem:s1+$0xDC00];
	v60, _, _ =	vpop (xrf2);
	v3 =	vand.u32 $0x4F, v3;
	v28 =	vor.u32 v5, v59  }
0x22a: {  	s7 =	sadd.s32 s4, s14;
	v29 =	vmul.f32 $1.562500000e-02, v60;
	v60 =	vld [tilespmem:s1+$0xDC10];
	(xrf2) =	vadd.scan.msk.f32 $0xffff, v2;
	v2 =	vor.u32 v5, v3;
	v3 =	vmul.f32 v25, v25  }
0x22b: {  	v61 =	vor.u32 v19, v24;
	v58 =	vmov s7;
	v49 =	vld.idx.msk [tilespmem:v49+s25+$0x0], $0xffff  }
0x22c: {  	v50 =	vsub.f32 v57, v3;
	v3 =	vld.idx.msk [tilespmem:v62+s25+$0x0], $0xffff;
	v62 =	vand.u32 $0x6F, v61  }
0x22d: {  	v25 =	vbroadcast v25, $0xF;
	v4 =	vld.idx.msk [tilespmem:v4+s25+$0x0], $0xffff;
	v57 =	vor.u32 v5, v62  }
0x22e: {  	v63, _, _ =	vpop (xrf2);
	v59 =	vmul.f32 v29, v29;
	v28 =	vld.idx.msk [tilespmem:v28+s18+$0x0], $0xffff  }
0x22f: {  	v34 =	vsub.f32 v35, v25;
	v23 =	vsub.f32 v43, v25;
	v43 =	vmul.f32 $1.562500000e-02, v63;
	v2 =	vld.idx.msk [tilespmem:v2+s18+$0x0], $0xffff  }
0x230: {  	v35 =	vsub.f32 v39, v25;
	v40 =	vsub.f32 v40, v25;
	v25 =	vbroadcast v29, $0xF;
	v58 =	vld.idx.msk [tilespmem:v58+s28+$0x0], $0xffff  }
0x231: {  	v24 =	vor.u32 v17, v24;
	v29 =	vadd.f32 $9.999999740e-06, v42;
	v42 =	vsub.f32 v43, v59;
	v59 =	vld.idx.msk [tilespmem:v52+s25+$0x0], $0xffff  }
0x232: {  	v24 =	vand.u32 $0x7F, v24;
	v43 =	vsub.f32 v48, v25;
	v39, _, _ =	vpop (xrf2);
	v48 =	vld.idx.msk [tilespmem:v57+s18+$0x0], $0xffff  }
0x233: {  	v5 =	vor.u32 v5, v24;
	v3 =	vadd.f32 v30, v3;
	v61 =	vmul.f32 $1.562500000e-02, v39;
	v39 =	vld [tilespmem:s1+$0xDC20]  }
0x234: {  	v28 =	vadd.f32 v28, v6;
	v6 =	vld [tilespmem:$0x1FF60];
	v2 =	vadd.f32 v2, v0  }
0x235: {  	v52 =	vsub.f32 v45, v25;
	v30 =	vld [tilespmem:s1+$0xDC30]  }
0x236: {  	v62 =	vshrl.u32 v55, $0x6;
	v49 =	vadd.f32 v60, v49;
	v2 =	vadd.f32 v2, v3;
	v3 =	vld [tilespmem:$0x1FFC0]  }
0x237: {  	v55 =	vand.u32 $0x1, v62;
	v24 =	vsub.f32 v47, v25;
	v29 =	vbroadcast v29, $0xF  }
0x238: {  	v25 =	vsub.f32 v46, v25;
	v47 =	vcvt.s32.f32 v55;
	v5 =	vld.idx.msk [tilespmem:v5+s18+$0x0], $0xffff;
	v28 =	vadd.f32 v28, v49  }
0x239: {  	v60 =	vmul.f32 $5.000000000e-01, v29;
	v45, _, _ =	vpop (xrf2);
	v49 =	vadd.f32 v39, v59;
	v39 =	vadd.f32 v48, v6;
	v6 =	vld [tilespmem:$0x1FF50]  }
0x23a: {  	v62 =	vshrl.u32 v58, $0x1;
	v45 =	vmul.f32 $1.562500000e-02, v45;
	v63 =	vmul.f32 v61, v61  }
0x23b: {  	s15 =	sadd.s32 s16, s14;
	v55 =	vmul.f32 v47, v14;
	v4 =	vadd.f32 v30, v4;
	v3 =	vmul.f32 v47, v3  }
0x23c: {  	s1 =	sshll.u32 s15, $0x7;
	v45 =	vsub.f32 v45, v63;
	v63 =	vand.u32 $0x40, v62;
	v62 =	vshrl.u32 v58, $0x2  }
0x23d: {  	v48 =	vadd.f32 v28, v55;
	v46 =	vadd.f32 v2, v3;
	v3 =	vor.u32 s1, v63  }
0x23e: {  	s15 =	sadd.s32 $0xC, s19;
	v59 =	vmul.f32 v47, v15;
	v5 =	vadd.f32 v5, v6;
	v57 =	vor.u32 v13, v3  }
0x23f: {  	s23 =	sadd.s32 s4, s15;
	v28 =	vand.u32 $0x3FFFFFC0, v62;
	v55 =	vadd.f32 v39, v49;
	v39 =	vmul.f32 v48, v48  }
0x240: {  	v63 =	vmov s23;
	v4 =	vadd.f32 v5, v4;
	v5 =	vmul.f32 v47, v16  }
0x241: {  	v49 =	vadd.f32 v55, v59;
	v2 =	vshrl.u32 v29, $0x1;
	v55 =	vand.u32 $0xFFFFFFFC, v63  }
0x242: {  	v30 =	vbroadcast v55, $0x0;
	v47 =	vadd.f32 v4, v5;
	v4 =	vor.u32 v13, v28  }
0x243: {  	s26 =	sshll.u32 s14, $0x6;
	v55 =	vmul.f32 v46, v46;
	v4 =	vand.u32 $0x4F, v4;
	v29 =	vld.idx.msk [tilespmem:v57+s25+$0x0], $0xffff;
	v57 =	vand.u32 $0x3FFFFF80, v62  }
0x244: {  	v2 =	vsub.s32 $0x5F3759DF, v2;
	v5 =	vld [tilespmem:s26+$0xDC00];
	v4 =	vor.u32 v57, v4  }
0x245: {  	v55 =	vadd.f32 v39, v55;
	v39 =	vmul.f32 v2, v60  }
0x246: {  	v62 =	vmul.f32 v49, v49;
	v63 =	vmul.f32 v47, v47  }
0x247: {  	v26 =	vmul.f32 v54, v26  }
0x248: {  	v59 =	vmul.f32 v2, v39;
	v62 =	vadd.f32 v63, v62;
	v63 =	vor.u32 v18, v28  }
0x249: {  	v39 =	vor.u32 v19, v28;
	v5 =	vadd.f32 v5, v29;
	v29 =	vand.u32 $0x5F, v63;
	v4 =	vld.idx.msk [tilespmem:v4+s18+$0x0], $0xffff  }
0x24a: {  	v63 =	vor.u32 v57, v29;
	v29 =	vand.u32 $0x6F, v39  }
0x24b: {  	v26 =	vmul.f32 v26, v54;
	v29 =	vor.u32 v57, v29  }
0x24c: {  	v6 =	vor.u32 v18, v3  }
0x24d: {  	v26 =	vsub.f32 $1.500000000e+00, v26  }
0x24e: {  	s29 =	sor.u32 $0x50, s26;
	v11 =	vld [tilespmem:$0x1FF60];
	v28 =	vor.u32 v17, v28;
	v4 =	vadd.f32 v4, v0  }
0x24f: {  	v54 =	vmul.f32 v26, v54;
	v26 =	vld [tilespmem:s29+$0xDC00];
	v28 =	vand.u32 $0x7F, v28  }
0x250: {  	v4 =	vadd.f32 v4, v5;
	v5 =	vor.u32 v57, v28;
	v28 =	vld.idx.msk [tilespmem:v29+s18+$0x0], $0xffff  }
0x251: {  	v61 =	vbroadcast v61, $0xF;
	v6 =	vld.idx.msk [tilespmem:v6+s25+$0x0], $0xffff;
	_ =	sdelay $0x1  }
0x252: {  	v32 =	vsub.f32 v32, v61;
	v7 =	vor.u32 v19, v3  }
0x253: {  	v39 =	vmov v8;
	v8 =	vsub.f32 $1.500000000e+00, v59;
	v59 =	vsub.f32 v56, v61;
	v56 =	vld.idx.msk [tilespmem:v30+s28+$0x0], $0xffff  }
0x254: {  	v58 =	vshrl.u32 v58, $0x6;
	v16 =	vmovc v10;
	v10 =	vld [tilespmem:$0x1FF40];
	v28 =	vadd.f32 v28, v11;
	v11 =	vmul.f32 v54, v36  }
0x255: {  	v3 =	vor.u32 v17, v3;
	v55 =	vadd.f32 v62, v55;
	v6 =	vadd.f32 v26, v6;
	v63 =	vld.idx.msk [tilespmem:v63+s18+$0x0], $0xffff  }
0x256: {  	v26 =	vand.u32 $0x1, v58;
	v30 =	vsub.f32 v53, v61;
	[tilespmem:$0x1FDC0] =	vst v11;
	v11 =	vmul.f32 v54, v38  }
0x257: {  	s30 =	sor.u32 $0x60, s26;
	v7 =	vld.idx.msk [tilespmem:v7+s25+$0x0], $0xffff;
	v53 =	vadd.f32 v47, v49;
	v61 =	vsub.f32 v51, v61;
	v58 =	vcvt.s32.f32 v26  }
0x258: {  	v2 =	vmul.f32 v2, v8;
	v62 =	vshrl.u32 v56, $0x1;
	v29 =	vld [tilespmem:s30+$0xDC00];
	[tilespmem:$0x1FDD0] =	vst v11;
	v11 =	vmul.f32 v54, v37  }
0x259: {  	v8 =	vadd.f32 v48, v46;
	v51 =	vshrl.u32 v56, $0x2;
	v26 =	vand.u32 $0x40, v62  }
0x25a: {  	s3 =	sadd.s32 s16, s15;
	v57 =	vand.u32 $0x3FFFFFC0, v51;
	v62 =	vadd.f32 v63, v10;
	v10 =	vld [tilespmem:$0x1FFC0];
	[tilespmem:$0x1FDE0] =	vst v11;
	v11 =	vmul.f32 v54, v27  }
0x25b: {  	s2 =	sshll.u32 s3, $0x7;
	v8 =	vadd.f32 v53, v8;
	v53 =	vor.u32 v13, v57;
	v5 =	vld.idx.msk [tilespmem:v5+s18+$0x0], $0xffff  }
0x25c: {  	v14 =	vmovc v9;
	v9 =	vand.u32 $0x3FFFFF80, v51;
	v63 =	vor.u32 s2, v26;
	v26 =	vand.u32 $0x4F, v53;
	[tilespmem:$0x1FDF0] =	vst v11;
	v11 =	vld [tilespmem:$0x1FF50]  }
0x25d: {  	v7 =	vadd.f32 v29, v7;
	v29 =	vor.u32 v9, v26;
	_ =	sdelay $0x1  }
0x25e: {  	s1 =	sor.u32 $0x70, s26;
	v3 =	vld.idx.msk [tilespmem:v3+s25+$0x0], $0xffff  }
0x25f: {  	v53 =	vld [tilespmem:s1+$0xDC00];
	v51 =	vmul.f32 v58, v10;
	v10 =	vor.u32 v13, v63  }
0x260: {  	v5 =	vadd.f32 v5, v11;
	v11 =	vld [tilespmem:$0x1FFD0]  }
0x261: {  	s5 =	sshll.u32 s15, $0x6;
	v7 =	vadd.f32 v28, v7;
	v28 =	vld.idx.msk [tilespmem:v29+s18+$0x0], $0xffff  }
0x262: {  	s1 =	sand.u32 $0x3FFFFFC0, s5;
	v26 =	vadd.f32 v4, v51;
	v4 =	vadd.f32 v62, v6;
	v6 =	vmul.f32 v2, v60  }
0x263: {  	v62 =	vld [tilespmem:s1+$0xDC00]  }
0x264: {  	v6 =	vmul.f32 v6, v2;
	v10 =	vld.idx.msk [tilespmem:v10+s25+$0x0], $0xffff  }
0x265: {  	v3 =	vadd.f32 v53, v3;
	v51 =	vadd.f32 $9.999999740e-06, v33;
	v53 =	vmul.f32 v58, v11  }
0x266: {  	v54 =	vmul.f32 v58, v15;
	v6 =	vsub.f32 $1.500000000e+00, v6;
	v28 =	vadd.f32 v28, v0;
	v11 =	vld [tilespmem:$0x1FFF0]  }
0x267: {  	v3 =	vadd.f32 v5, v3;
	v36 =	vadd.f32 v4, v53  }
0x268: {  	v5 =	vbroadcast v51, $0xF;
	v53 =	vadd.f32 v7, v54;
	v7 =	vadd.f32 $9.999999740e-06, v50  }
0x269: {  	v2 =	vmul.f32 v6, v2;
	v10 =	vadd.f32 v62, v10;
	v62 =	vor.u32 v19, v63  }
0x26a: {  	(xrf2) =	vadd.scan.msk.f32 $0xffff, v8;
	v4 =	vmul.f32 $5.000000000e-01, v5;
	v54 =	vor.u32 v19, v57;
	v7 =	vbroadcast v7, $0xF  }
0x26b: {  	v37 =	vand.u32 $0x6F, v54;
	v6 =	vmul.f32 v36, v36;
	v60 =	vmul.f32 v58, v11  }
0x26c: {  	v8 =	vmul.f32 v53, v53;
	v37 =	vor.u32 v9, v37;
	v58 =	vshrl.u32 v7, $0x1  }
0x26d: {  	v7 =	vmul.f32 $5.000000000e-01, v7;
	v51 =	vadd.f32 v3, v60;
	v3 =	vshrl.u32 v5, $0x1  }
0x26e: {  	v5 =	vmul.f32 v26, v26;
	v60 =	vor.u32 v18, v57;
	v3 =	vsub.s32 $0x5F3759DF, v3  }
0x26f: {  	(xrf2) =	vadd.scan.msk.f32 $0xffff, v55;
	v29 =	vand.u32 $0x5F, v60;
	v27 =	vmul.f32 v51, v51;
	v55 =	vmul.f32 v3, v4  }
0x270: {  	v5 =	vadd.f32 v6, v5;
	v29 =	vor.u32 v9, v29;
	v11 =	vadd.f32 v51, v53  }
0x271: {  	v6 =	vadd.f32 v27, v8;
	v8 =	vadd.f32 v28, v10;
	v10 =	vmul.f32 v3, v55  }
0x272: {  	s30 =	sadd.s32 $0xD, s19;
	v27 =	vor.u32 v18, v63;
	v28 =	vsub.s32 $0x5F3759DF, v58;
	v55 =	vor.u32 v17, v57  }
0x273: {  	s7 =	sadd.s32 s4, s30;
	v38 =	vand.u32 $0x7F, v55;
	v57 =	vmul.f32 v28, v7;
	v55 =	vor.u32 v17, v63  }
0x274: {  	v58, _, _ =	vpop (xrf2);
	v63 =	vmov s7;
	v9 =	vor.u32 v9, v38;
	v10 =	vsub.f32 $1.500000000e+00, v10  }
0x275: {  	v0 =	vld [tilespmem:$0x1FFC0];
	v38 =	vmul.f32 $1.562500000e-02, v58;
	v58 =	vand.u32 $0xFFFFFFFD, v63;
	v63 =	vadd.f32 v36, v26  }
0x276: {  	v33 =	vld.idx.msk [tilespmem:v62+s25+$0x0], $0xffff  }
0x277: {  	v50 =	vmul.f32 v28, v57;
	v57 =	vld [tilespmem:s1+$0xDC10];
	v3 =	vmul.f32 v3, v10;
	v10 =	vadd.f32 v11, v63  }
0x278: {  	v60 =	vshrl.u32 v56, $0x6;
	v5 =	vadd.f32 v6, v5;
	v29 =	vld.idx.msk [tilespmem:v29+s18+$0x0], $0xffff  }
0x279: {  	v54 =	vand.u32 $0x1, v60;
	v27 =	vld.idx.msk [tilespmem:v27+s25+$0x0], $0xffff;
	(xrf2) =	vadd.scan.msk.f32 $0xffff, v10;
	v10 =	vmul.f32 v2, v21  }
0x27a: {  	v54 =	vcvt.s32.f32 v54;
	v62, _, _ =	vpop (xrf2);
	(xrf2) =	vadd.scan.msk.f32 $0xffff, v5;
	v5 =	vld [tilespmem:$0x1FCB0]  }
0x27b: {  	v50 =	vsub.f32 $1.500000000e+00, v50;
	[tilespmem:$0x1FE00] =	vst v10;
	v10 =	vld [tilespmem:$0x1FF40]  }
0x27c: {  	v60 =	vld [tilespmem:s1+$0xDC20];
	v0 =	vmul.f32 v54, v0  }
0x27d: {  	v4 =	vmul.f32 v3, v4;
	v11 =	vmul.f32 v28, v50  }
0x27e: {  	v15 =	vmov v12;
	v1 =	vmul.f32 v2, v1;
	v12 =	vld.idx.msk [tilespmem:v37+s18+$0x0], $0xffff  }
0x27f: {  	v50 =	vadd.f32 v8, v0;
	v0 =	vld.idx.msk [tilespmem:v55+s25+$0x0], $0xffff;
	v4 =	vmul.f32 v4, v3;
	v7 =	vmul.f32 v11, v7  }
0x280: {  	v9 =	vld.idx.msk [tilespmem:v9+s18+$0x0], $0xffff;
	v6 =	vadd.f32 v57, v27;
	v5 =	vmul.f32 v2, v5;
	v10 =	vadd.f32 v29, v10  }
0x281: {  	v58 =	vbroadcast v58, $0x0;
	v8 =	vadd.f32 v60, v33;
	v33 =	vld [tilespmem:s1+$0xDC30];
	v7 =	vmul.f32 v7, v11  }
0x282: {  	[tilespmem:$0x1FE10] =	vst v5;
	v5 =	vld [tilespmem:$0x1FF60];
	v6 =	vadd.f32 v10, v6;
	v10 =	vmul.f32 v2, v20;
	v2 =	vsub.f32 $1.500000000e+00, v4  }
0x283: {  	v4 =	vsub.f32 $1.500000000e+00, v7;
	v7 =	vld [tilespmem:$0x1FFE0]  }
0x284: {  	v2 =	vmul.f32 v2, v3;
	v3 =	vld [tilespmem:$0x1FF50];
	_ =	sdelay $0x2  }
0x285: {  	v5 =	vadd.f32 v12, v5  }
0x286: {  	v0 =	vadd.f32 v33, v0;
	[tilespmem:$0x1FE20] =	vst v10;
	v10 =	vld.idx.msk [tilespmem:v58+s28+$0x0], $0xffff;
	v7 =	vmul.f32 v54, v7  }
0x287: {  	[tilespmem:$0x1FE30] =	vst v1;
	v1 =	vadd.f32 v5, v8;
	v5 =	vld [tilespmem:$0x1FFD0];
	v3 =	vadd.f32 v9, v3  }
0x288: {  	v56 =	vmul.f32 $1.562500000e-02, v62  }
0x289: {  	v62 =	vmul.f32 v38, v38;
	v0 =	vadd.f32 v3, v0;
	v3 =	vmul.f32 v2, v41  }
0x28a: {  	v21 =	vadd.f32 v1, v7;
	v1 =	vmul.f32 v2, v22;
	v7, _, _ =	vpop (xrf2)  }
0x28b: {  	v37 =	vsub.f32 v56, v62;
	v57 =	vmul.f32 v50, v50;
	v7 =	vmul.f32 $1.562500000e-02, v7;
	[tilespmem:$0x1FE50] =	vst v3;
	v3 =	vld [tilespmem:$0x1FFF0]  }
0x28c: {  	v4 =	vmul.f32 v4, v11;
	[tilespmem:$0x1FE40] =	vst v1;
	v1 =	vshrl.u32 v10, $0x1;
	v5 =	vmul.f32 v54, v5  }
0x28d: {  	s23 =	sadd.s32 s16, s30;
	v9, _, _ =	vpop (xrf2);
	v1 =	vand.u32 $0x40, v1;
	v12 =	vmul.f32 v7, v7;
	v7 =	vbroadcast v7, $0xF  }
0x28e: {  	s1 =	sshll.u32 s23, $0x7;
	v9 =	vmul.f32 $1.562500000e-02, v9;
	v20 =	vadd.f32 v6, v5;
	v5 =	vmul.f32 v2, v44  }
0x28f: {  	v6 =	vor.u32 s1, v1;
	v2 =	vmul.f32 v2, v31;
	v36 =	vsub.f32 v36, v7  }
0x290: {  	[tilespmem:$0x1FE60] =	vst v5;
	v5 =	vbroadcast v38, $0xF;
	v55 =	vadd.f32 v20, v50;
	v3 =	vmul.f32 v54, v3  }
0x291: {  	v58 =	vmul.f32 v20, v20;
	v38 =	vsub.f32 v9, v12;
	v12 =	vmul.f32 v4, v34  }
0x292: {  	v60 =	vsub.f32 v46, v5;
	v54 =	vadd.f32 v0, v3;
	v0 =	vshrl.u32 v10, $0x2  }
0x293: {  	v1 =	vsub.f32 v48, v5;
	v27 =	vsub.f32 v49, v5;
	v8 =	vand.u32 $0x3FFFFFC0, v0  }
0x294: {  	v33 =	vsub.f32 v47, v5;
	v3 =	vor.u32 v13, v6;
	v11 =	vor.u32 v13, v8  }
0x295: {  	[tilespmem:$0x1FE80] =	vst v12;
	v12 =	vmul.f32 v4, v35;
	v0 =	vand.u32 $0x3FFFFF80, v0;
	v11 =	vand.u32 $0x4F, v11  }
0x296: {  	v5 =	vmul.f32 v21, v21;
	v62 =	vmul.f32 v54, v54;
	v11 =	vor.u32 v0, v11  }
0x297: {  	s26 =	sshll.u32 s30, $0x6;
	v9 =	vadd.f32 v58, v57;
	[tilespmem:$0x1FE90] =	vst v12;
	v12 =	vmul.f32 v4, v23;
	v56 =	vadd.f32 v54, v21  }
0x298: {  	v63 =	vld [tilespmem:s26+$0xDC00];
	[tilespmem:$0x1FE70] =	vst v2;
	v57 =	vsub.f32 v26, v7;
	v4 =	vmul.f32 v4, v40;
	v5 =	vadd.f32 v62, v5  }
0x299: {  	[tilespmem:$0x1FEA0] =	vst v12;
	v12 =	vadd.f32 $9.999999740e-06, v42;
	v2 =	vadd.f32 v56, v55;
	v3 =	vld.idx.msk [tilespmem:v3+s25+$0x0], $0xffff  }
0x29a: {  	[tilespmem:$0x1FEB0] =	vst v4;
	v4 =	vadd.f32 v5, v9;
	v5 =	vadd.f32 $9.999999740e-06, v45;
	v45 =	vld [tilespmem:$0x1FF90]  }
0x29b: {  	v49 =	vor.u32 v19, v8;
	(xrf2) =	vadd.scan.msk.f32 $0xffff, v2;
	v9 =	vld.idx.msk [tilespmem:v11+s18+$0x0], $0xffff;
	v11 =	vbroadcast v12, $0xF;
	v12 =	vor.u32 v18, v8  }
0x29c: {  	s29 =	sor.u32 $0x50, s26;
	v2 =	vbroadcast v5, $0xF;
	v5 =	vor.u32 v18, v6;
	(xrf2) =	vadd.scan.msk.f32 $0xffff, v4;
	v4 =	vand.u32 $0x5F, v12  }
0x29d: {  	s5 =	sor.u32 $0x60, s26;
	s1 =	sadd.s32 $0xE, s19;
	v46 =	vor.u32 v19, v6;
	v48 =	vld [tilespmem:s29+$0xDC00];
	v26 =	vand.u32 $0x6F, v49;
	v4 =	vor.u32 v0, v4  }
0x29e: {  	s3 =	sadd.s32 s4, s1;
	v58 =	vld [tilespmem:s5+$0xDC00];
	v26 =	vor.u32 v0, v26;
	v6 =	vor.u32 v17, v6;
	v8 =	vor.u32 v17, v8  }
0x29f: {  	s2 =	sor.u32 $0x70, s26;
	v62 =	vld [tilespmem:$0x1FF40];
	v3 =	vadd.f32 v63, v3;
	v12 =	vmov s3;
	v8 =	vand.u32 $0x7F, v8  }
0x2a0: {  	v63 =	vld [tilespmem:s2+$0xDC00];
	v12 =	vand.u32 $0xFFFFFFFE, v12;
	v0 =	vor.u32 v0, v8;
	v9 =	vadd.f32 v9, v45  }
0x2a1: {  	v41 =	vsub.f32 v51, v7;
	v40 =	vsub.f32 v53, v7;
	v12 =	vbroadcast v12, $0x0;
	v5 =	vld.idx.msk [tilespmem:v5+s25+$0x0], $0xffff  }
0x2a2: {  	v47 =	vshrl.u32 v11, $0x1;
	v3 =	vadd.f32 v9, v3;
	v9 =	vmul.f32 $5.000000000e-01, v11;
	v4 =	vld.idx.msk [tilespmem:v4+s18+$0x0], $0xffff  }
0x2a3: {  	v7 =	vsub.s32 $0x5F3759DF, v47;
	v47 =	vld [tilespmem:$0x1FFC0];
	v11 =	vshrl.u32 v2, $0x1;
	v2 =	vmul.f32 $5.000000000e-01, v2  }
0x2a4: {  	v10 =	vshrl.u32 v10, $0x6;
	v6 =	vld.idx.msk [tilespmem:v6+s25+$0x0], $0xffff;
	v8 =	vsub.s32 $0x5F3759DF, v11;
	v51 =	vmul.f32 v7, v9  }
0x2a5: {  	v10 =	vand.u32 $0x1, v10;
	v0 =	vld.idx.msk [tilespmem:v0+s18+$0x0], $0xffff;
	v53 =	vmul.f32 v8, v2  }
0x2a6: {  	v10 =	vcvt.s32.f32 v10;
	v11 =	vmul.f32 v7, v51;
	v51 =	vld [tilespmem:$0x1FF50]  }
0x2a7: {  	v12 =	vld.idx.msk [tilespmem:v12+s28+$0x0], $0xffff;
	v5 =	vadd.f32 v48, v5;
	v28 =	vmul.f32 v8, v53;
	v4 =	vadd.f32 v4, v62  }
0x2a8: {  	v49 =	vld [tilespmem:$0x1FFD0];
	v48 =	vmul.f32 v10, v47;
	v11 =	vsub.f32 $1.500000000e+00, v11  }
0x2a9: {  	v22 =	vld.idx.msk [tilespmem:v46+s25+$0x0], $0xffff;
	v4 =	vadd.f32 v4, v5;
	v5 =	vsub.f32 $1.500000000e+00, v28  }
0x2aa: {  	v26 =	vld.idx.msk [tilespmem:v26+s18+$0x0], $0xffff;
	v34 =	vadd.f32 v3, v48;
	v7 =	vmul.f32 v7, v11  }
0x2ab: {  	v55, _, _ =	vpop (xrf2);
	v11 =	vld [tilespmem:$0x1FF60];
	v3 =	vmul.f32 v8, v5;
	v5 =	vadd.f32 v63, v6;
	v0 =	vadd.f32 v0, v51  }
0x2ac: {  	s7 =	sadd.s32 s16, s1;
	v23 =	vmul.f32 $1.562500000e-02, v55;
	v6 =	vshrl.u32 v12, $0x1  }
0x2ad: {  	s2 =	sshll.u32 s7, $0x7;
	v56, _, _ =	vpop (xrf2);
	v28 =	vmul.f32 v10, v49;
	v6 =	vand.u32 $0x40, v6;
	v0 =	vadd.f32 v0, v5;
	v5 =	vld [tilespmem:$0x1FFE0]  }
0x2ae: {  	v29 =	vmul.f32 $1.562500000e-02, v56;
	v8 =	vshrl.u32 v12, $0x2;
	v6 =	vor.u32 s2, v6  }
0x2af: {  	v35 =	vadd.f32 v4, v28;
	v28 =	vand.u32 $0x3FFFFFC0, v8;
	v55 =	vor.u32 v13, v6  }
0x2b0: {  	v56 =	vld [tilespmem:$0x1FFF0];
	v4 =	vadd.f32 v58, v22;
	v53 =	vor.u32 v13, v28;
	v11 =	vadd.f32 v26, v11  }
0x2b1: {  	s23 =	sshll.u32 s1, $0x6;
	v8 =	vand.u32 $0x3FFFFF80, v8;
	v2 =	vmul.f32 v3, v2;
	v22 =	vand.u32 $0x4F, v53  }
0x2b2: {  	s2 =	sand.u32 $0x3FFFFFC0, s23;
	v62 =	vor.u32 v18, v6;
	v4 =	vadd.f32 v11, v4;
	v5 =	vmul.f32 v10, v5  }
0x2b3: {  	v46 =	vmul.f32 v23, v23;
	v63 =	vld [tilespmem:s2+$0xDC00];
	v11 =	vor.u32 v8, v22  }
0x2b4: {  	v58 =	vbroadcast v23, $0xF;
	v2 =	vmul.f32 v2, v3;
	v23 =	vadd.f32 v4, v5;
	v4 =	vld.idx.msk [tilespmem:v55+s25+$0x0], $0xffff  }
0x2b5: {  	v9 =	vmul.f32 v7, v9;
	v10 =	vmul.f32 v10, v56;
	v5 =	vor.u32 v18, v28  }
0x2b6: {  	v2 =	vsub.f32 $1.500000000e+00, v2;
	v5 =	vand.u32 $0x5F, v5  }
0x2b7: {  	v53 =	vld.idx.msk [tilespmem:v62+s25+$0x0], $0xffff;
	v42 =	vadd.f32 v0, v10;
	v0 =	vmul.f32 v9, v7;
	v5 =	vor.u32 v8, v5  }
0x2b8: {  	v10 =	vmul.f32 v34, v34;
	v9 =	vld.idx.msk [tilespmem:v11+s18+$0x0], $0xffff;
	v11 =	vmul.f32 v35, v35  }
0x2b9: {  	v44 =	vsub.f32 v29, v46;
	v2 =	vmul.f32 v2, v3;
	v3 =	vadd.f32 v63, v4;
	v4 =	vld [tilespmem:$0x1FF90]  }
0x2ba: {  	v20 =	vsub.f32 v20, v58;
	v10 =	vadd.f32 v11, v10;
	v11 =	vld [tilespmem:s2+$0xDC10]  }
0x2bb: {  	v21 =	vsub.f32 v21, v58;
	v26 =	vsub.f32 v54, v58;
	v63 =	vld [tilespmem:$0x1FF40]  }
0x2bc: {  	v22 =	vsub.f32 v50, v58;
	v0 =	vsub.f32 $1.500000000e+00, v0;
	v5 =	vld.idx.msk [tilespmem:v5+s18+$0x0], $0xffff  }
0x2bd: {  	v56 =	vor.u32 v19, v6;
	v54 =	vmul.f32 v23, v23;
	v55 =	vmul.f32 v42, v42  }
0x2be: {  	v58 =	vadd.f32 v42, v23;
	v0 =	vmul.f32 v0, v7;
	v4 =	vadd.f32 v9, v4  }
0x2bf: {  	s29 =	sadd.s32 $0xF, s19;
	v6 =	vor.u32 v17, v6;
	v45 =	vadd.f32 v55, v54;
	v7 =	vadd.f32 v35, v34  }
0x2c0: {  	s26 =	sadd.s32 s4, s29;
	v3 =	vadd.f32 v4, v3;
	v4 =	vadd.f32 v11, v53;
	v11 =	vmul.f32 v0, v52  }
0x2c1: {  	v47 =	vld [tilespmem:s2+$0xDC30];
	v46 =	vadd.f32 v58, v7;
	v7 =	vmov s26;
	v5 =	vadd.f32 v5, v63  }
0x2c2: {  	v62 =	vld [tilespmem:s2+$0xDC20];
	v9 =	vshrl.u32 v12, $0x6;
	v12 =	vor.u32 v17, v28;
	[tilespmem:$0x1FEC0] =	vst v11;
	v11 =	vor.u32 v19, v28  }
0x2c3: {  	v12 =	vand.u32 $0x7F, v12;
	v4 =	vadd.f32 v5, v4;
	v5 =	vld [tilespmem:$0x1FFD0];
	v11 =	vand.u32 $0x6F, v11  }
0x2c4: {  	v45 =	vadd.f32 v45, v10;
	v11 =	vor.u32 v8, v11;
	v8 =	vor.u32 v8, v12;
	v12 =	vld [tilespmem:$0x1FFC0]  }
0x2c5: {  	v10 =	vld.idx.msk [tilespmem:v56+s25+$0x0], $0xffff;
	v56 =	vmul.f32 v0, v43;
	v58 =	vmul.f32 v0, v24;
	v9 =	vand.u32 $0x1, v9  }
0x2c6: {  	v6 =	vld.idx.msk [tilespmem:v6+s25+$0x0], $0xffff;
	v9 =	vcvt.s32.f32 v9;
	v0 =	vmul.f32 v0, v25  }
0x2c7: {  	v7 =	vld.idx.msk [tilespmem:v7+s28+$0x0], $0xffff  }
0x2c8: {  	[tilespmem:$0x1FED0] =	vst v0;
	v0 =	vadd.f32 $9.999999740e-06, v37;
	v5 =	vmul.f32 v9, v5  }
0x2c9: {  	v12 =	vmul.f32 v9, v12  }
0x2ca: {  	v0 =	vbroadcast v0, $0xF;
	v25 =	vadd.f32 v4, v5;
	v4 =	vmul.f32 v2, v59  }
0x2cb: {  	v5 =	vmul.f32 v2, v32;
	v24 =	vadd.f32 v3, v12;
	v3 =	vadd.f32 v62, v10  }
0x2cc: {  	v51 =	vld [tilespmem:$0x1FF60];
	[tilespmem:$0x1FEE0] =	vst v4;
	v4 =	vadd.f32 v47, v6;
	v6 =	vmul.f32 v2, v30;
	v10 =	vshrl.u32 v7, $0x2  }
0x2cd: {  	v52 =	vld [tilespmem:$0x1FF50];
	v2 =	vmul.f32 v2, v61;
	v12 =	vand.u32 $0x3FFFFFC0, v10;
	v10 =	vand.u32 $0x3FFFFF80, v10  }
0x2ce: {  	s3 =	sadd.s32 s16, s29;
	[tilespmem:$0x1FF00] =	vst v6;
	v6 =	vld.idx.msk [tilespmem:v8+s18+$0x0], $0xffff;
	v8 =	vshrl.u32 v7, $0x1;
	v48 =	vor.u32 v13, v12;
	v59 =	vor.u32 v18, v12  }
0x2cf: {  	s2 =	sshll.u32 s3, $0x7;
	[tilespmem:$0x1FEF0] =	vst v5;
	v5 =	vld.idx.msk [tilespmem:v11+s18+$0x0], $0xffff;
	v8 =	vand.u32 $0x40, v8;
	v28 =	vand.u32 $0x4F, v48;
	v61 =	vand.u32 $0x5F, v59  }
0x2d0: {  	v59 =	vmul.f32 v24, v24;
	v8 =	vor.u32 s2, v8;
	v28 =	vor.u32 v10, v28  }
0x2d1: {  	v63 =	vor.u32 v10, v61;
	v61 =	vmul.f32 v25, v25;
	v49 =	vor.u32 v13, v8  }
0x2d2: {  	v11 =	vshrl.u32 v0, $0x1;
	v53 =	vor.u32 v18, v8  }
0x2d3: {  	v0 =	vmul.f32 $5.000000000e-01, v0;
	v11 =	vsub.s32 $0x5F3759DF, v11;
	v48 =	vadd.f32 v61, v59;
	v59 =	vld [tilespmem:$0x1FF60]  }
0x2d4: {  	v5 =	vadd.f32 v5, v51;
	v55 =	vor.u32 v19, v8;
	v6 =	vadd.f32 v6, v52;
	v52 =	vld [tilespmem:$0x1FFE0]  }
0x2d5: {  	v54 =	vmul.f32 v11, v0;
	[tilespmem:$0x1FF10] =	vst v2;
	v37 =	vld.idx.msk [tilespmem:v28+s18+$0x0], $0xffff  }
0x2d6: {  	v62 =	vor.u32 v19, v12;
	v8 =	vor.u32 v17, v8;
	v2 =	vadd.f32 v5, v3;
	v5 =	vld.idx.msk [tilespmem:v49+s25+$0x0], $0xffff  }
0x2d7: {  	v50 =	vadd.f32 $9.999999740e-06, v38;
	v51 =	vand.u32 $0x6F, v62;
	v32 =	vld.idx.msk [tilespmem:v53+s25+$0x0], $0xffff  }
0x2d8: {  	v3 =	vadd.f32 v6, v4;
	v4 =	vmul.f32 v11, v54;
	v54 =	vor.u32 v10, v51;
	v53 =	vld [tilespmem:$0x1FFF0]  }
0x2d9: {  	v30 =	vbroadcast v50, $0xF;
	s2 =	sshll.u32 s29, $0x6;
	v38 =	vld.idx.msk [tilespmem:v55+s25+$0x0], $0xffff  }
0x2da: {  	v49 =	vld [tilespmem:s2+$0xDC00];
	v29 =	vmul.f32 v9, v52  }
0x2db: {  	v12 =	vor.u32 v17, v12;
	v6 =	vshrl.u32 v30, $0x1;
	v30 =	vmul.f32 $5.000000000e-01, v30;
	v8 =	vld.idx.msk [tilespmem:v8+s25+$0x0], $0xffff  }
0x2dc: {  	v6 =	vsub.s32 $0x5F3759DF, v6;
	v29 =	vadd.f32 v2, v29;
	v2 =	vand.u32 $0x7F, v12;
	v12 =	vld.idx.msk [tilespmem:v63+s18+$0x0], $0xffff  }
0x2dd: {  	s7 =	sor.u32 $0x60, s2;
	v55 =	vmul.f32 v6, v30;
	v47 =	vld.idx.msk [tilespmem:v54+s18+$0x0], $0xffff;
	v9 =	vmul.f32 v9, v53  }
0x2de: {  	s23 =	sadd.s32 $0x10, s19;
	s5 =	sor.u32 $0x50, s2;
	s2 =	sor.u32 $0x70, s2;
	v2 =	vor.u32 v10, v2;
	v10 =	vld [tilespmem:s7+$0xDC00]  }
0x2df: {  	s26 =	sadd.s32 s4, s23;
	v4 =	vsub.f32 $1.500000000e+00, v4;
	v54 =	vld [tilespmem:s2+$0xDC00];
	v28 =	vadd.f32 v3, v9;
	v9 =	vmul.f32 v6, v55  }
0x2e0: {  	(xrf2) =	vadd.scan.msk.f32 $0xffff, v46;
	v7 =	vshrl.u32 v7, $0x6;
	v62 =	vmov s26;
	v3 =	vld [tilespmem:s5+$0xDC00]  }
0x2e1: {  	(xrf2) =	vadd.scan.msk.f32 $0xffff, v45;
	v50 =	vand.u32 $0xFFFFFFFC, v62;
	v4 =	vmul.f32 v11, v4;
	v55 =	vld [tilespmem:$0x1FF40];
	v9 =	vsub.f32 $1.500000000e+00, v9  }
0x2e2: {  	v7 =	vand.u32 $0x1, v7;
	v53 =	vbroadcast v50, $0x0;
	v50 =	vld [tilespmem:$0x1FFE0]  }
0x2e3: {  	v0 =	vmul.f32 v4, v0;
	v6 =	vmul.f32 v6, v9;
	v9 =	vadd.f32 v10, v38;
	v10 =	vld [tilespmem:$0x1FF90]  }
0x2e4: {  	v7 =	vcvt.s32.f32 v7;
	v5 =	vadd.f32 v49, v5;
	v38 =	vld [tilespmem:$0x1FFD0]  }
0x2e5: {  	v62 =	vld [tilespmem:$0x1FFC0];
	v63 =	vmul.f32 v29, v29;
	v0 =	vmul.f32 v0, v4;
	v61 =	vadd.f32 v47, v59  }
0x2e6: {  	v49 =	vld [tilespmem:$0x1FF50];
	v31 =	vmul.f32 v28, v28;
	v3 =	vadd.f32 v3, v32;
	v12 =	vadd.f32 v12, v55  }
0x2e7: {  	v8 =	vadd.f32 v54, v8;
	v0 =	vsub.f32 $1.500000000e+00, v0;
	v2 =	vld.idx.msk [tilespmem:v2+s18+$0x0], $0xffff  }
0x2e8: {  	v51 =	vmul.f32 v7, v50;
	v11 =	vadd.f32 v31, v63;
	v3 =	vadd.f32 v12, v3  }
0x2e9: {  	v12 =	vadd.f32 $9.999999740e-06, v44;
	v10 =	vadd.f32 v37, v10;
	v43 =	vmul.f32 v7, v38  }
0x2ea: {  	v59, _, _ =	vpop (xrf2);
	v63 =	vmul.f32 v7, v62;
	v0 =	vmul.f32 v0, v4;
	v31 =	vadd.f32 v25, v24  }
0x2eb: {  	v62, _, _ =	vpop (xrf2);
	v5 =	vadd.f32 v10, v5;
	v10 =	vld.idx.msk [tilespmem:v53+s28+$0x0], $0xffff;
	v44 =	vadd.f32 v3, v43;
	v3 =	vbroadcast v12, $0xF  }
0x2ec: {  	v47 =	vmul.f32 $1.562500000e-02, v62;
	v9 =	vadd.f32 v61, v9;
	v2 =	vadd.f32 v2, v49;
	v53 =	vld [tilespmem:$0x1FFF0]  }
0x2ed: {  	v45 =	vadd.f32 v5, v63;
	v5 =	vshrl.u32 v3, $0x1;
	v3 =	vmul.f32 $5.000000000e-01, v3  }
0x2ee: {  	v4 =	vmul.f32 v6, v30;
	v11 =	vadd.f32 v11, v48;
	v5 =	vsub.s32 $0x5F3759DF, v5  }
0x2ef: {  	v2 =	vadd.f32 v2, v8;
	v43 =	vadd.f32 v9, v51;
	v54 =	vmul.f32 v5, v3  }
0x2f0: {  	s5 =	sadd.s32 s16, s23;
	v62 =	vmul.f32 v45, v45;
	v8 =	vshrl.u32 v10, $0x2;
	v9 =	vshrl.u32 v10, $0x1  }
0x2f1: {  	s2 =	sshll.u32 s5, $0x7;
	v7 =	vmul.f32 v7, v53;
	v12 =	vand.u32 $0x3FFFFFC0, v8;
	v9 =	vand.u32 $0x40, v9  }
0x2f2: {  	v8 =	vand.u32 $0x3FFFFF80, v8;
	v52 =	vor.u32 v13, v12;
	v9 =	vor.u32 s2, v9  }
0x2f3: {  	v46 =	vadd.f32 v2, v7;
	v2 =	vmul.f32 v4, v6;
	v55 =	vor.u32 v13, v9  }
0x2f4: {  	s7 =	sshll.u32 s23, $0x6;
	v7 =	vmul.f32 v5, v54;
	v61 =	vor.u32 v18, v12;
	v32 =	vor.u32 v18, v9  }
0x2f5: {  	s26 =	sand.u32 $0x3FFFFFC0, s7;
	v30 =	vand.u32 $0x4F, v52;
	v38 =	vand.u32 $0x5F, v61;
	v49 =	vor.u32 v19, v9  }
0x2f6: {  	v48 =	vld [tilespmem:s26+$0xDC00];
	v4 =	vor.u32 v8, v30;
	v30 =	vmul.f32 $1.562500000e-02, v59;
	v38 =	vor.u32 v8, v38  }
0x2f7: {  	v9 =	vor.u32 v17, v9;
	v52 =	vld [tilespmem:s26+$0xDC10];
	v2 =	vsub.f32 $1.500000000e+00, v2;
	v7 =	vsub.f32 $1.500000000e+00, v7  }
0x2f8: {  	v59 =	vadd.f32 v28, v29;
	v61 =	vadd.f32 v46, v43;
	v63 =	vmul.f32 v30, v30;
	v37 =	vld.idx.msk [tilespmem:v55+s25+$0x0], $0xffff  }
0x2f9: {  	v2 =	vmul.f32 v2, v6;
	v6 =	vadd.f32 v44, v45;
	v5 =	vmul.f32 v5, v7;
	v32 =	vld.idx.msk [tilespmem:v32+s25+$0x0], $0xffff  }
0x2fa: {  	v7 =	vsub.f32 v47, v63;
	v47 =	vadd.f32 v59, v31;
	v63 =	vmul.f32 v44, v44;
	v55 =	vld [tilespmem:$0x1FF40]  }
0x2fb: {  	v6 =	vadd.f32 v61, v6;
	v31 =	vmul.f32 v43, v43;
	v59 =	vmul.f32 v46, v46;
	v38 =	vld.idx.msk [tilespmem:v38+s18+$0x0], $0xffff  }
0x2fc: {  	s2 =	sadd.s32 $0x11, s19;
	v54 =	vld [tilespmem:$0x1FF90];
	v61 =	vor.u32 v19, v12;
	v12 =	vor.u32 v17, v12;
	v3 =	vmul.f32 v5, v3  }
0x2fd: {  	s5 =	sadd.s32 s4, s2;
	v9 =	vld.idx.msk [tilespmem:v9+s25+$0x0], $0xffff;
	v12 =	vand.u32 $0x7F, v12;
	v50 =	vadd.f32 v63, v62;
	v62 =	vand.u32 $0x6F, v61  }
0x2fe: {  	v4 =	vld.idx.msk [tilespmem:v4+s18+$0x0], $0xffff;
	v63 =	vmov s5;
	v51 =	vor.u32 v8, v62;
	v8 =	vor.u32 v8, v12  }
0x2ff: {  	v53 =	vadd.f32 v59, v31;
	v59 =	vld [tilespmem:s26+$0xDC20];
	v32 =	vadd.f32 v52, v32;
	v52 =	vand.u32 $0xFFFFFFFD, v63  }
0x300: {  	v12 =	vld.idx.msk [tilespmem:v49+s25+$0x0], $0xffff;
	v49 =	vadd.f32 v38, v55;
	v38 =	vmul.f32 v0, v1;
	v1 =	vmul.f32 v0, v27  }
0x301: {  	v48 =	vadd.f32 v48, v37;
	v37 =	vmul.f32 v0, v60;
	v60 =	vld [tilespmem:$0x1FF50];
	v31 =	vbroadcast v52, $0x0  }
0x302: {  	[tilespmem:$0x1FF20] =	vst v1;
	v1 =	vld [tilespmem:s26+$0xDC30]  }
0x303: {  	v10 =	vshrl.u32 v10, $0x6;
	v3 =	vmul.f32 v3, v5;
	v8 =	vld.idx.msk [tilespmem:v8+s18+$0x0], $0xffff  }
0x304: {  	v10 =	vand.u32 $0x1, v10;
	v62 =	vmul.f32 v2, v57;
	v57 =	vld [tilespmem:$0x1FFD0]  }
0x305: {  	v10 =	vcvt.s32.f32 v10;
	v53 =	vadd.f32 v53, v50;
	v3 =	vsub.f32 $1.500000000e+00, v3;
	v50 =	vld.idx.msk [tilespmem:v51+s18+$0x0], $0xffff  }
0x306: {  	v36 =	vmul.f32 v2, v36;
	v4 =	vadd.f32 v4, v54;
	v12 =	vadd.f32 v59, v12;
	v59 =	vld [tilespmem:$0x1FF60]  }
0x307: {  	v55 =	vmul.f32 v2, v40;
	v52 =	vmul.f32 v2, v41;
	v2 =	vadd.f32 $9.999999740e-06, v7;
	v7 =	vld.idx.msk [tilespmem:v31+s28+$0x0], $0xffff  }
0x308: {  	v63 =	vmul.f32 v0, v33;
	v1 =	vadd.f32 v1, v9;
	v9 =	vld [tilespmem:$0x1FFC0];
	v8 =	vadd.f32 v8, v60  }
0x309: {  	v27 =	vmul.f32 v3, v5;
	v5 =	vld [tilespmem:$0x1FFE0];
	v0 =	vadd.f32 v4, v48;
	v2 =	vbroadcast v2, $0xF  }
0x30a: {  	v4 =	vadd.f32 v49, v32;
	v31 =	vmul.f32 v10, v57;
	v1 =	vadd.f32 v8, v1;
	v8 =	vld [tilespmem:$0x1FFF0]  }
0x30b: {  	(xrf2) =	vadd.scan.msk.f32 $0xffff, v47;
	v3 =	vshrl.u32 v2, $0x1  }
0x30c: {  	s26 =	sadd.s32 s16, s2;
	v2 =	vmul.f32 $5.000000000e-01, v2;
	v47 =	vadd.f32 v4, v31;
	v4 =	vshrl.u32 v7, $0x1  }
0x30d: {  	s3 =	sshll.u32 s26, $0x7;
	v32 =	vadd.f32 v50, v59;
	v9 =	vmul.f32 v10, v9;
	v4 =	vand.u32 $0x40, v4  }
0x30e: {  	v3 =	vsub.s32 $0x5F3759DF, v3;
	v5 =	vmul.f32 v10, v5;
	v4 =	vor.u32 s3, v4  }
0x30f: {  	v48 =	vadd.f32 v0, v9;
	v0 =	vadd.f32 v32, v12;
	v8 =	vmul.f32 v10, v8  }
0x310: {  	(xrf2) =	vadd.scan.msk.f32 $0xffff, v11;
	v9 =	vmul.f32 v3, v2;
	v10 =	vshrl.u32 v7, $0x2;
	v12 =	vmul.f32 v47, v47  }
0x311: {  	(xrf2) =	vadd.scan.msk.f32 $0xffff, v6;
	v50 =	vadd.f32 v0, v5;
	v0 =	vand.u32 $0x3FFFFFC0, v10;
	v5 =	vor.u32 v13, v4  }
0x312: {  	v49 =	vadd.f32 v1, v8;
	v1 =	vmul.f32 v3, v9;
	v6 =	vor.u32 v13, v0  }
0x313: {  	(xrf2) =	vadd.scan.msk.f32 $0xffff, v53;
	v8 =	vand.u32 $0x3FFFFF80, v10;
	v9 =	vadd.f32 v47, v48;
	v6 =	vand.u32 $0x4F, v6  }
0x314: {  	v11 =	vmul.f32 v48, v48;
	v10 =	vadd.f32 v49, v50;
	v6 =	vor.u32 v8, v6  }
0x315: {  	s7 =	sshll.u32 s2, $0x6;
	v41, _, _ =	vpop (xrf2);
	v61 =	vmul.f32 v50, v50;
	v40 =	vmul.f32 v49, v49;
	v1 =	vsub.f32 $1.500000000e+00, v1  }
0x316: {  	v51 =	vld [tilespmem:s7+$0xDC00];
	v9 =	vadd.f32 v10, v9;
	v10 =	vbroadcast v30, $0xF;
	v30 =	vmul.f32 $1.562500000e-02, v41  }
0x317: {  	[tilespmem:$0x1FF30] =	vst v55;
	v11 =	vadd.f32 v12, v11;
	v5 =	vld.idx.msk [tilespmem:v5+s25+$0x0], $0xffff  }
0x318: {  	v12 =	vadd.f32 v40, v61;
	v54 =	vsub.f32 v34, v10;
	(xrf2) =	vadd.scan.msk.f32 $0xffff, v9;
	v9 =	vbroadcast v30, $0xF  }
0x319: {  	v3 =	vmul.f32 v3, v1;
	v55 =	vsub.f32 v35, v10;
	v57 =	vsub.f32 v23, v10;
	v6 =	vld.idx.msk [tilespmem:v6+s18+$0x0], $0xffff  }
0x31a: {  	v1, _, _ =	vpop (xrf2);
	v60 =	vmul.f32 v30, v30;
	v40 =	vsub.f32 v42, v10;
	v41 =	vsub.f32 v29, v9;
	v29 =	vld [tilespmem:$0x1FF90]  }
0x31b: {  	v10 =	vadd.f32 v12, v11;
	v12 =	vor.u32 v18, v4;
	v1 =	vmul.f32 $1.562500000e-02, v1;
	v11, _, _ =	vpop (xrf2)  }
0x31c: {  	v30 =	vor.u32 v19, v4;
	v5 =	vadd.f32 v51, v5;
	v51 =	vmul.f32 $1.562500000e-02, v11  }
0x31d: {  	(xrf2) =	vadd.scan.msk.f32 $0xffff, v10;
	v10 =	vor.u32 v18, v0;
	v23 =	vsub.f32 v24, v9;
	v1 =	vsub.f32 v1, v60;
	v11, _, _ =	vpop (xrf2)  }
0x31e: {  	v34 =	vsub.f32 v25, v9;
	v11 =	vmul.f32 $1.562500000e-02, v11;
	v61 =	vmul.f32 v51, v51  }
0x31f: {  	v10 =	vand.u32 $0x5F, v10;
	v1 =	vadd.f32 $9.999999740e-06, v1;
	v6 =	vadd.f32 v6, v29  }
0x320: {  	s5 =	sor.u32 $0x50, s7;
	s3 =	sadd.s32 $0x12, s19;
	v42 =	vsub.f32 v28, v9;
	v10 =	vor.u32 v8, v10;
	v9 =	vsub.f32 v11, v61;
	v11 =	vld.idx.msk [tilespmem:v12+s25+$0x0], $0xffff  }
0x321: {  	v4 =	vor.u32 v17, v4;
	v1 =	vbroadcast v1, $0xF;
	v12 =	vld [tilespmem:s5+$0xDC00];
	s5 =	sadd.s32 s4, s3;
	v5 =	vadd.f32 v6, v5  }
0x322: {  	s26 =	sor.u32 $0x60, s7;
	s7 =	sor.u32 $0x70, s7;
	v6 =	vor.u32 v19, v0;
	v0 =	vor.u32 v17, v0;
	v32 =	vmov s5  }
0x323: {  	v60 =	vld [tilespmem:s7+$0xDC00];
	v24 =	vmul.f32 $5.000000000e-01, v1;
	v1 =	vshrl.u32 v1, $0x1;
	v6 =	vand.u32 $0x6F, v6  }
0x324: {  	v0 =	vand.u32 $0x7F, v0;
	v33 =	vand.u32 $0xFFFFFFFE, v32;
	v32 =	vsub.s32 $0x5F3759DF, v1;
	v1 =	vld [tilespmem:$0x1FF40]  }
0x325: {  	v6 =	vor.u32 v8, v6;
	v0 =	vor.u32 v8, v0;
	v8 =	vld.idx.msk [tilespmem:v10+s18+$0x0], $0xffff  }
0x326: {  	v2 =	vmul.f32 v3, v2;
	v4 =	vld.idx.msk [tilespmem:v4+s25+$0x0], $0xffff;
	_ =	sdelay $0x1  }
0x327: {  	v2 =	vmul.f32 v2, v3  }
0x328: {  	v28 =	vld [tilespmem:s26+$0xDC00]  }
0x329: {  	v7 =	vshrl.u32 v7, $0x6;
	v2 =	vsub.f32 $1.500000000e+00, v2;
	v8 =	vadd.f32 v8, v1;
	v1 =	vld [tilespmem:$0x1FFC0]  }
0x32a: {  	v4 =	vadd.f32 v60, v4;
	v60 =	vld [tilespmem:$0x1FF50];
	v11 =	vadd.f32 v12, v11;
	v12 =	vbroadcast v33, $0x0  }
0x32b: {  	v7 =	vand.u32 $0x1, v7;
	v2 =	vmul.f32 v2, v3;
	v3 =	vadd.f32 $9.999999740e-06, v9;
	v9 =	vld [tilespmem:$0x1FFE0]  }
0x32c: {  	v7 =	vcvt.s32.f32 v7;
	v10 =	vld.idx.msk [tilespmem:v30+s25+$0x0], $0xffff  }
0x32d: {  	v33 =	vld [tilespmem:$0x1FF60]  }
0x32e: {  	v0 =	vld.idx.msk [tilespmem:v0+s18+$0x0], $0xffff;
	v1 =	vmul.f32 v7, v1  }
0x32f: {  	v6 =	vld.idx.msk [tilespmem:v6+s18+$0x0], $0xffff  }
0x330: {  	v31, _, _ =	vpop (xrf2);
	v1 =	vadd.f32 v5, v1;
	v5 =	vadd.f32 v8, v11;
	v11 =	vld.idx.msk [tilespmem:v12+s28+$0x0], $0xffff  }
0x331: {  	v29 =	vmul.f32 v2, v54;
	v53 =	vmul.f32 $1.562500000e-02, v31;
	v12 =	vld [tilespmem:$0x1FFD0]  }
0x332: {  	v61 =	vmul.f32 v32, v24;
	v30 =	vmul.f32 v27, v22  }
0x333: {  	v31 =	vmul.f32 v27, v21;
	v35, _, _ =	vpop (xrf2);
	v3 =	vbroadcast v3, $0xF;
	v0 =	vadd.f32 v0, v60  }
0x334: {  	v25 =	vmul.f32 $1.562500000e-02, v35;
	v6 =	vadd.f32 v6, v33;
	v8 =	vadd.f32 v28, v10  }
0x335: {  	v59 =	vmul.f32 v53, v53;
	v9 =	vmul.f32 v7, v9;
	v0 =	vadd.f32 v0, v4  }
0x336: {  	s26 =	sadd.s32 s16, s3;
	v6 =	vadd.f32 v6, v8;
	v12 =	vmul.f32 v7, v12;
	v4 =	vshrl.u32 v11, $0x1  }
0x337: {  	s5 =	sshll.u32 s26, $0x7;
	v35 =	vmul.f32 v27, v26;
	v10 =	vmul.f32 v32, v61;
	v4 =	vand.u32 $0x40, v4  }
0x338: {  	v33 =	vadd.f32 v6, v9;
	v26 =	vadd.f32 v5, v12;
	v12 =	vld [tilespmem:$0x1FFF0];
	v4 =	vor.u32 s5, v4  }
0x339: {  	v6 =	vshrl.u32 v3, $0x1;
	v3 =	vmul.f32 $5.000000000e-01, v3;
	v61 =	vor.u32 v13, v4  }
0x33a: {  	v59 =	vsub.f32 v25, v59;
	v10 =	vsub.f32 $1.500000000e+00, v10;
	v6 =	vsub.s32 $0x5F3759DF, v6  }
0x33b: {  	s7 =	sshll.u32 s3, $0x6;
	v25 =	vmul.f32 v2, v55;
	v8 =	vshrl.u32 v11, $0x2;
	v55 =	vmul.f32 v6, v3  }
0x33c: {  	v28 =	vmul.f32 v27, v20;
	v5 =	vmul.f32 v32, v10;
	v10 =	vand.u32 $0x3FFFFFC0, v8;
	s5 =	sand.u32 $0x3FFFFFC0, s7  }
0x33d: {  	v21 =	vmul.f32 v6, v55;
	v55 =	vld [tilespmem:s5+$0xDC00];
	v7 =	vmul.f32 v7, v12;
	v12 =	vor.u32 v13, v10  }
0x33e: {  	v27 =	vmul.f32 v2, v57;
	v8 =	vand.u32 $0x3FFFFF80, v8;
	v12 =	vand.u32 $0x4F, v12;
	v20 =	vld.idx.msk [tilespmem:v61+s25+$0x0], $0xffff  }
0x33f: {  	v60 =	vor.u32 v18, v10;
	v32 =	vadd.f32 v0, v7;
	v0 =	vor.u32 v8, v12  }
0x340: {  	v2 =	vmul.f32 v2, v40;
	v9 =	vmul.f32 v5, v24;
	v24 =	vand.u32 $0x5F, v60  }
0x341: {  	v22 =	vor.u32 v19, v4;
	v57 =	vor.u32 v8, v24;
	v21 =	vsub.f32 $1.500000000e+00, v21  }
0x342: {  	v40 =	vld [tilespmem:s5+$0xDC20];
	v9 =	vmul.f32 v9, v5;
	v7 =	vor.u32 v18, v4;
	v12 =	vadd.f32 v26, v1  }
0x343: {  	v4 =	vor.u32 v17, v4;
	v54 =	vadd.f32 v32, v33;
	v20 =	vadd.f32 v55, v20;
	v55 =	vld [tilespmem:$0x1FF90]  }
0x344: {  	v61 =	vor.u32 v19, v10;
	v10 =	vor.u32 v17, v10;
	v9 =	vsub.f32 $1.500000000e+00, v9;
	v0 =	vld.idx.msk [tilespmem:v0+s18+$0x0], $0xffff  }
0x345: {  	v13 =	vld [tilespmem:s5+$0xDC10];
	v10 =	vand.u32 $0x7F, v10;
	v12 =	vadd.f32 v54, v12;
	v54 =	vand.u32 $0x6F, v61  }
0x346: {  	v60 =	vld.idx.msk [tilespmem:v22+s25+$0x0], $0xffff;
	v24 =	vmul.f32 v32, v32;
	v61 =	vmul.f32 v33, v33;
	v22 =	vor.u32 v8, v54  }
0x347: {  	v7 =	vld.idx.msk [tilespmem:v7+s25+$0x0], $0xffff;
	v8 =	vor.u32 v8, v10;
	v10 =	vmul.f32 v1, v1;
	v54 =	vmul.f32 v26, v26  }
0x348: {  	v5 =	vmul.f32 v9, v5;
	v4 =	vld.idx.msk [tilespmem:v4+s25+$0x0], $0xffff;
	v9 =	vadd.f32 v24, v61  }
0x349: {  	v6 =	vmul.f32 v6, v21;
	v24 =	vld [tilespmem:s5+$0xDC30];
	v10 =	vadd.f32 v54, v10;
	v0 =	vadd.f32 v0, v55  }
0x34a: {  	v23 =	vmul.f32 v5, v23;
	v21 =	vmul.f32 v5, v34;
	v54 =	vadd.f32 $9.999999740e-06, v59;
	v59 =	vld.idx.msk [tilespmem:v57+s18+$0x0], $0xffff  }
0x34b: {  	v9 =	vadd.f32 v9, v10;
	v10 =	vld.idx.msk [tilespmem:v22+s18+$0x0], $0xffff;
	v22 =	vmul.f32 v5, v41;
	v0 =	vadd.f32 v0, v20  }
0x34c: {  	v20 =	vmul.f32 v5, v42;
	v5 =	vadd.f32 v13, v7;
	v7 =	vadd.f32 v40, v60;
	v60 =	vld [tilespmem:$0x1FF60]  }
0x34d: {  	v57 =	vld [tilespmem:$0x1FF40]  }
0x34e: {  	(xrf2) =	vadd.scan.msk.f32 $0xffff, v12;
	v12 =	vld [tilespmem:$0x1FFD0]  }
0x34f: {  	v54 =	vbroadcast v54, $0xF;
	v8 =	vld.idx.msk [tilespmem:v8+s18+$0x0], $0xffff  }
0x350: {  	v11 =	vshrl.u32 v11, $0x6;
	v3 =	vmul.f32 v6, v3;
	v4 =	vadd.f32 v24, v4;
	(xrf2) =	vadd.scan.msk.f32 $0xffff, v9;
	v9 =	vld [tilespmem:$0x1FFE0]  }
0x351: {  	s7 =	sadd.s32 $0x13, s19;
	v24 =	vmul.f32 $5.000000000e-01, v54;
	v13 =	vshrl.u32 v54, $0x1;
	v54 =	vld [tilespmem:$0x1FF50];
	v10 =	vadd.f32 v10, v60  }
0x352: {  	v11 =	vand.u32 $0x1, v11;
	s26 =	sadd.s32 s4, s7;
	v34 =	vadd.f32 v59, v57;
	v57 =	vld [tilespmem:$0x1FFF0]  }
0x353: {  	v3 =	vmul.f32 v3, v6;
	v59 =	vmov s26;
	v7 =	vadd.f32 v10, v7;
	v10 =	vld [tilespmem:$0x1FFC0]  }
0x354: {  	v11 =	vcvt.s32.f32 v11  }
0x355: {  	v3 =	vsub.f32 $1.500000000e+00, v3  }
0x356: {  	v12 =	vmul.f32 v11, v12;
	v13 =	vsub.s32 $0x5F3759DF, v13;
	v8 =	vadd.f32 v8, v54  }
0x357: {  	v55 =	vmul.f32 v13, v24;
	v5 =	vadd.f32 v34, v5;
	v9 =	vmul.f32 v11, v9  }
0x358: {  	v4 =	vadd.f32 v8, v4;
	v10 =	vmul.f32 v11, v10;
	v11 =	vmul.f32 v11, v57;
	v57 =	vld.idx.msk [tilespmem:v59+s28+$0x0], $0xffff  }
0x359: {  	v40 =	vadd.f32 v5, v12;
	v8 =	vmul.f32 v13, v55  }
0x35a: {  	v3 =	vmul.f32 v3, v6;
	v42 =	vadd.f32 v7, v9;
	v34 =	vadd.f32 v4, v11  }
0x35b: {  	v5 =	vmul.f32 v40, v40;
	v8 =	vsub.f32 $1.500000000e+00, v8;
	v41 =	vadd.f32 v0, v10  }
0x35c: {  	v61 =	vlaneseq.u32;
	v6 =	vmul.f32 v42, v42;
	v7 =	vmul.f32 v34, v34  }
0x35d: {  	v0 =	vmul.f32 v13, v8;
	v4 =	vmul.f32 v41, v41;
	v8 =	vshrl.u32 v57, $0x1  }
0x35e: {  	v6 =	vadd.f32 v7, v6;
	v7 =	vand.u32 $0x40, v8;
	v8 =	vshrl.u32 v57, $0x2  }
0x35f: {  	s26 =	sadd.s32 s16, s7;
	v4 =	vadd.f32 v5, v4;
	v5 =	vbroadcast v51, $0xF;
	v10 =	vand.u32 $0x3FFFFFC0, v8  }
0x360: {  	s5 =	sshll.u32 s26, $0x7;
	v12, _, _ =	vpop (xrf2);
	v59 =	vadd.f32 v34, v42;
	v13 =	vor.u32 v61, v10  }
0x361: {  	v51 =	vmul.f32 $1.562500000e-02, v12;
	v7 =	vor.u32 s5, v7;
	v9 =	vsub.f32 v45, v5  }
0x362: {  	v8 =	vand.u32 $0x3FFFFF80, v8;
	v45 =	vsub.f32 v43, v5;
	v43 =	vadd.f32 v40, v41  }
0x363: {  	v11 =	vsub.f32 v44, v5;
	v44 =	vor.u32 v61, v7;
	v12 =	vand.u32 $0x4F, v13;
	v13, _, _ =	vpop (xrf2)  }
0x364: {  	v60 =	vmul.f32 v51, v51;
	v43 =	vadd.f32 v59, v43;
	v13 =	vmul.f32 $1.562500000e-02, v13  }
0x365: {  	v5 =	vsub.f32 v46, v5;
	v4 =	vadd.f32 v6, v4;
	v6 =	vmul.f32 v0, v24  }
0x366: {  	v54 =	vor.u32 v18, v7;
	v12 =	vor.u32 v8, v12;
	(xrf2) =	vadd.scan.msk.f32 $0xffff, v43;
	v13 =	vsub.f32 v13, v60  }
0x367: {  	v43 =	vmul.f32 v3, v9;
	v9 =	vor.u32 v18, v10;
	(xrf2) =	vadd.scan.msk.f32 $0xffff, v4;
	v4 =	vmul.f32 v6, v0  }
0x368: {  	v18 =	vmul.f32 v3, v45;
	v6 =	vand.u32 $0x5F, v9;
	v9 =	vadd.f32 $9.999999740e-06, v13  }
0x369: {  	s5 =	sshll.u32 s7, $0x6;
	v24 =	vld.idx.msk [tilespmem:v44+s25+$0x0], $0xffff;
	v44 =	vmul.f32 v3, v11;
	v60 =	vor.u32 v19, v7;
	v4 =	vsub.f32 $1.500000000e+00, v4  }
0x36a: {  	v11 =	vld [tilespmem:s5+$0xDC00];
	v13 =	vor.u32 v19, v10;
	v19 =	vmul.f32 v3, v5;
	v3 =	vbroadcast v9, $0xF  }
0x36b: {  	v59 =	vld.idx.msk [tilespmem:v54+s25+$0x0], $0xffff;
	v54 =	vmul.f32 v4, v0  }
0x36c: {  	v12 =	vld.idx.msk [tilespmem:v12+s18+$0x0], $0xffff;
	v4 =	vor.u32 v17, v7;
	v7 =	vor.u32 v17, v10;
	v10 =	vshrl.u32 v3, $0x1  }
0x36d: {  	v55 =	vmul.f32 $5.000000000e-01, v3;
	v3 =	vsub.s32 $0x5F3759DF, v10;
	v10 =	vld [tilespmem:$0x1FF90]  }
0x36e: {  	v6 =	vor.u32 v8, v6;
	_ =	sdelay $0x1  }
0x36f: {  	s26 =	sor.u32 $0x50, s5;
	v13 =	vand.u32 $0x6F, v13  }
0x370: {  	v5 =	vor.u32 v8, v13;
	v9 =	vld [tilespmem:s26+$0xDC00];
	v0 =	vadd.f32 v11, v24;
	v7 =	vand.u32 $0x7F, v7  }
0x371: {  	v7 =	vor.u32 v8, v7;
	v8 =	vbroadcast v53, $0xF;
	v10 =	vadd.f32 v12, v10  }
0x372: {  	v6 =	vld.idx.msk [tilespmem:v6+s18+$0x0], $0xffff  }
0x373: {  	v53 =	vsub.f32 v48, v8;
	v0 =	vadd.f32 v10, v0;
	v10 =	vshrl.u32 v57, $0x6;
	v57 =	vld [tilespmem:$0x1FF40]  }
0x374: {  	v50 =	vsub.f32 v50, v8;
	v49 =	vsub.f32 v49, v8  }
0x375: {  	v9 =	vadd.f32 v9, v59;
	v59 =	vsub.f32 v47, v8;
	v8 =	vld [tilespmem:$0x1FFD0]  }
0x376: {  	v11 =	vld.idx.msk [tilespmem:v60+s25+$0x0], $0xffff  }
0x377: {  	v60 =	vld [tilespmem:$0x1FFC0];
	v13, _, _ =	vpop (xrf2);
	v10 =	vand.u32 $0x1, v10  }
0x378: {  	v48 =	vmul.f32 $1.562500000e-02, v13;
	v17, _, _ =	vpop (xrf2);
	v10 =	vcvt.s32.f32 v10;
	v6 =	vadd.f32 v6, v57  }
0x379: {  	v17 =	vmul.f32 $1.562500000e-02, v17  }
0x37a: {  	v45 =	vmul.f32 v48, v48;
	v8 =	vmul.f32 v10, v8;
	v6 =	vadd.f32 v6, v9  }
0x37b: {  	v5 =	vld.idx.msk [tilespmem:v5+s18+$0x0], $0xffff  }
0x37c: {  	v46 =	vmul.f32 v10, v60;
	v60 =	vsub.f32 v17, v45;
	v17 =	vadd.f32 v6, v8;
	v8 =	vld [tilespmem:$0x1FF60];
	_ =	sdelay $0x1  }
0x37d: {  	s26 =	sor.u32 $0x60, s5;
	s5 =	sor.u32 $0x70, s5;
	v12 =	vmul.f32 v3, v55  }
0x37e: {  	v24 =	vld [tilespmem:s5+$0xDC00]  }
0x37f: {  	v12 =	vmul.f32 v3, v12;
	v9 =	vld [tilespmem:$0x1FCE0]  }
0x380: {  	v5 =	vadd.f32 v5, v8;
	v8 =	vld [tilespmem:$0x1FF70]  }
0x381: {  	v4 =	vld.idx.msk [tilespmem:v4+s25+$0x0], $0xffff;
	v12 =	vsub.f32 $1.500000000e+00, v12  }
0x382: {  	v13 =	vld [tilespmem:s26+$0xDC00]  }
0x383: {  	v57 =	vmul.f32 v3, v12;
	v3 =	vld [tilespmem:$0x1FCC0]  }
0x384: {  	v7 =	vld.idx.msk [tilespmem:v7+s18+$0x0], $0xffff  }
0x385: {  	v8 =	vmul.f32 v9, v8;
	v9 =	vld [tilespmem:$0x1FF50];
	_ =	sdelay $0x1  }
0x386: {  	v45 =	vadd.f32 v0, v46;
	v0 =	vadd.f32 v13, v11;
	v6 =	vld [tilespmem:$0x1FCD0]  }
0x387: {  	v3 =	vmul.f32 v3, v14  }
0x388: {  	v4 =	vadd.f32 v24, v4;
	v0 =	vadd.f32 v5, v0;
	v5 =	vld [tilespmem:$0x1FFB0]  }
0x389: {  	s26 =	sshll.u32 s19, $0x7;
	v3 =	vadd.f32 v3, v16;
	v7 =	vadd.f32 v7, v9  }
0x38a: {  	s5 =	sand.u32 $0x3FFFFF80, s26  }
0x38b: {  	v6 =	vmul.f32 v6, v39;
	[tilespmem:s5+$0x18F80] =	vst v3;
	v3 =	vadd.f32 v7, v4;
	v4 =	vld [tilespmem:$0x1FFA0];
	_ =	sdelay $0x1  }
0x38c: {  	v5 =	vadd.f32 v6, v5;
	v6 =	vld [tilespmem:$0x1FF80]  }
0x38d: {  	v9 =	vld [tilespmem:$0x1FCF0]  }
0x38e: {  	v7 =	vld [tilespmem:$0x1FD00]  }
0x38f: {  	v4 =	vadd.f32 v8, v4;
	v8 =	vld [tilespmem:$0x1FFE0];
	_ =	sdelay $0x2  }
0x390: {  	v6 =	vmul.f32 v9, v6  }
0x391: {  	v9 =	vld [tilespmem:$0x1FD20];
	v7 =	vmul.f32 v7, v14  }
0x392: {  	[tilespmem:s5+$0x18F90] =	vst v5;
	v5 =	vadd.f32 v6, v15;
	v6 =	vld [tilespmem:$0x1FD10];
	v8 =	vmul.f32 v10, v8  }
0x393: {  	[tilespmem:s5+$0x18FA0] =	vst v4;
	v4 =	vadd.f32 v7, v16;
	v7 =	vld [tilespmem:$0x1FF70]  }
0x394: {  	v46 =	vadd.f32 v0, v8;
	v0 =	vld [tilespmem:$0x1FFB0];
	_ =	sdelay $0x2  }
0x395: {  	[tilespmem:s5+$0x18FB0] =	vst v5;
	v5 =	vld [tilespmem:$0x1FF80];
	v6 =	vmul.f32 v6, v39  }
0x396: {  	v7 =	vmul.f32 v9, v7;
	v9 =	vld [tilespmem:$0x1FFF0]  }
0x397: {  	v0 =	vadd.f32 v6, v0;
	v6 =	vld [tilespmem:$0x1FD30];
	_ =	sdelay $0x3  }
0x398: {  	v9 =	vmul.f32 v10, v9  }
0x399: {  	s20 =	sshll.u32 s20, $0x7;
	v5 =	vmul.f32 v6, v5  }
0x39a: {  	s20 =	sand.u32 $0x3FFFFF80, s20;
	v47 =	vadd.f32 v3, v9;
	v3 =	vld [tilespmem:$0x1FFA0]  }
0x39b: {  	[tilespmem:s20+$0x18F90] =	vst v0;
	v0 =	vadd.f32 v5, v15;
	v5 =	vld [tilespmem:$0x1FD50]  }
0x39c: {  	[tilespmem:s20+$0x18F80] =	vst v4;
	v4 =	vld [tilespmem:$0x1FD40]  }
0x39d: {  	[tilespmem:s20+$0x18FB0] =	vst v0;
	v0 =	vld [tilespmem:$0x1FFB0]  }
0x39e: {  	v6 =	vld [tilespmem:$0x1FF70]  }
0x39f: {  	v3 =	vadd.f32 v7, v3;
	v7 =	vld [tilespmem:$0x1FD60]  }
0x3a0: {  	v5 =	vmul.f32 v5, v39  }
0x3a1: {  	v8 =	vld [tilespmem:$0x1FD70];
	v4 =	vmul.f32 v4, v14  }
0x3a2: {  	v0 =	vadd.f32 v5, v0;
	v5 =	vld [tilespmem:$0x1FF80]  }
0x3a3: {  	[tilespmem:s20+$0x18FA0] =	vst v3;
	v3 =	vadd.f32 v4, v16;
	v4 =	vmul.f32 v45, v45  }
0x3a4: {  	s26 =	sshll.u32 s21, $0x7;
	v6 =	vmul.f32 v7, v6;
	v7 =	vmul.f32 v17, v17  }
0x3a5: {  	s20 =	sand.u32 $0x3FFFFF80, s26  }
0x3a6: {  	[tilespmem:s20+$0x18F80] =	vst v3;
	v3 =	vadd.f32 v7, v4;
	v4 =	vld [tilespmem:$0x1FFA0]  }
0x3a7: {  	v5 =	vmul.f32 v8, v5;
	v8 =	vld [tilespmem:$0x1FD80];
	_ =	sdelay $0x3  }
0x3a8: {  	v4 =	vadd.f32 v6, v4;
	v6 =	vld [tilespmem:$0x1FD90]  }
0x3a9: {  	v7 =	vld [tilespmem:$0x1FF70];
	v8 =	vmul.f32 v8, v14  }
0x3aa: {  	[tilespmem:s20+$0x18FA0] =	vst v4;
	v4 =	vld [tilespmem:$0x1FFB0]  }
0x3ab: {  	[tilespmem:s20+$0x18F90] =	vst v0;
	v0 =	vadd.f32 v5, v15;
	v5 =	vadd.f32 v8, v16;
	v8 =	vld [tilespmem:$0x1FDA0];
	_ =	sdelay $0x1  }
0x3ac: {  	v6 =	vmul.f32 v6, v39;
	_ =	sdelay $0x1  }
0x3ad: {  	v4 =	vadd.f32 v6, v4;
	v6 =	vmul.f32 v46, v46  }
0x3ae: {  	s21 =	sshll.u32 s22, $0x7;
	v7 =	vmul.f32 v8, v7;
	v8 =	vmul.f32 v47, v47  }
0x3af: {  	s22 =	sand.u32 $0x3FFFFF80, s21;
	v9 =	vld [tilespmem:$0x1FDB0]  }
0x3b0: {  	[tilespmem:s22+$0x18F80] =	vst v5;
	v5 =	vadd.f32 v8, v6;
	v6 =	vld [tilespmem:$0x1FFA0]  }
0x3b1: {  	[tilespmem:s20+$0x18FB0] =	vst v0;
	v0 =	vld [tilespmem:$0x1FF80];
	_ =	sdelay $0x3  }
0x3b2: {  	v6 =	vadd.f32 v7, v6;
	v7 =	vld [tilespmem:$0x1FDC0]  }
0x3b3: {  	v0 =	vmul.f32 v9, v0;
	_ =	sdelay $0x1  }
0x3b4: {  	v0 =	vadd.f32 v0, v15  }
0x3b5: {  	v8 =	vld [tilespmem:$0x1FDD0]  }
0x3b6: {  	[tilespmem:s22+$0x18FB0] =	vst v0;
	v0 =	vld [tilespmem:$0x1FFB0];
	v7 =	vmul.f32 v7, v14  }
0x3b7: {  	[tilespmem:s22+$0x18FA0] =	vst v6;
	v6 =	vld [tilespmem:$0x1FF70]  }
0x3b8: {  	s26 =	sshll.u32 s24, $0x7;
	v3 =	vadd.f32 v5, v3;
	v5 =	vadd.f32 v7, v16;
	v7 =	vld [tilespmem:$0x1FDE0]  }
0x3b9: {  	s20 =	sand.u32 $0x3FFFFF80, s26  }
0x3ba: {  	v8 =	vmul.f32 v8, v39;
	[tilespmem:s20+$0x18F80] =	vst v5;
	v5 =	vld [tilespmem:$0x1FFA0];
	_ =	sdelay $0x1  }
0x3bb: {  	v0 =	vadd.f32 v8, v0;
	v8 =	vld [tilespmem:$0x1FDF0]  }
0x3bc: {  	v10 =	vadd.f32 v47, v46;
	v9 =	vadd.f32 v17, v45;
	v6 =	vmul.f32 v7, v6;
	v7 =	vld [tilespmem:$0x1FF80];
	_ =	sdelay $0x1  }
0x3bd: {  	[tilespmem:s22+$0x18F90] =	vst v4;
	v4 =	vadd.f32 v10, v9;
	v5 =	vadd.f32 v6, v5;
	v6 =	vld [tilespmem:$0x1FE10]  }
0x3be: {  	v9 =	vld [tilespmem:$0x1FF70]  }
0x3bf: {  	(xrf2) =	vadd.scan.msk.f32 $0xffff, v4;
	v4 =	vld [tilespmem:$0x1FFB0]  }
0x3c0: {  	v7 =	vmul.f32 v8, v7;
	v8 =	vld [tilespmem:$0x1FE00]  }
0x3c1: {  	v10 =	vld [tilespmem:$0x1FE20]  }
0x3c2: {  	v6 =	vmul.f32 v6, v39;
	_ =	sdelay $0x1  }
0x3c3: {  	v4 =	vadd.f32 v6, v4;
	v6 =	vld [tilespmem:$0x1FFA0]  }
0x3c4: {  	v8 =	vmul.f32 v8, v14  }
0x3c5: {  	v9 =	vmul.f32 v10, v9;
	v10 =	vld [tilespmem:$0x1FE30]  }
0x3c6: {  	[tilespmem:s20+$0x18F90] =	vst v0;
	v0 =	vadd.f32 v7, v15;
	v7 =	vadd.f32 v8, v16;
	v8 =	vld [tilespmem:$0x1FF80];
	_ =	sdelay $0x1  }
0x3c7: {  	v6 =	vadd.f32 v9, v6;
	v9 =	vld [tilespmem:$0x1FE40];
	_ =	sdelay $0x1  }
0x3c8: {  	v11 =	vld [tilespmem:$0x1FE60]  }
0x3c9: {  	v8 =	vmul.f32 v10, v8;
	v10 =	vld [tilespmem:$0x1FF70];
	_ =	sdelay $0x1  }
0x3ca: {  	[tilespmem:s20+$0x18FA0] =	vst v5;
	v9 =	vmul.f32 v9, v14;
	v5 =	vadd.f32 v8, v15;
	v8 =	vld [tilespmem:$0x1FE50]  }
0x3cb: {  	[tilespmem:s20+$0x18FB0] =	vst v0;
	v0 =	vld [tilespmem:$0x1FFB0]  }
0x3cc: {  	(xrf2) =	vadd.scan.msk.f32 $0xffff, v3;
	v3 =	vadd.f32 v9, v16;
	v9 =	vld [tilespmem:$0x1FF80]  }
0x3cd: {  	v10 =	vmul.f32 v11, v10;
	v11 =	vld [tilespmem:$0x1FE70];
	_ =	sdelay $0x1  }
0x3ce: {  	v8 =	vmul.f32 v8, v39;
	_ =	sdelay $0x1  }
0x3cf: {  	v0 =	vadd.f32 v8, v0;
	v8 =	vld [tilespmem:$0x1FFA0]  }
0x3d0: {  	v9 =	vmul.f32 v11, v9;
	v11 =	vld [tilespmem:$0x1FE80];
	_ =	sdelay $0x3  }
0x3d1: {  	s6 =	sshll.u32 s6, $0x7;
	v8 =	vadd.f32 v10, v8;
	v10 =	vld [tilespmem:$0x1FE90]  }
0x3d2: {  	s21 =	sand.u32 $0x3FFFFF80, s6;
	v12 =	vld [tilespmem:$0x1FEA0];
	v11 =	vmul.f32 v11, v14  }
0x3d3: {  	[tilespmem:s21+$0x18F90] =	vst v4;
	v4 =	vld [tilespmem:$0x1FFB0]  }
0x3d4: {  	[tilespmem:s21+$0x18F80] =	vst v7;
	v7 =	vadd.f32 v9, v15;
	v9 =	vadd.f32 v11, v16;
	v11 =	vld [tilespmem:$0x1FF70];
	_ =	sdelay $0x1  }
0x3d5: {  	v10 =	vmul.f32 v10, v39;
	_ =	sdelay $0x1  }
0x3d6: {  	v4 =	vadd.f32 v10, v4;
	v10 =	vld [tilespmem:$0x1FF80]  }
0x3d7: {  	v11 =	vmul.f32 v12, v11;
	v12 =	vld [tilespmem:$0x1FEB0];
	_ =	sdelay $0x1  }
0x3d8: {  	s22 =	sshll.u32 s8, $0x7  }
0x3d9: {  	s24 =	sand.u32 $0x3FFFFF80, s22;
	[tilespmem:s21+$0x18FA0] =	vst v6;
	v6 =	vld [tilespmem:$0x1FFA0]  }
0x3da: {  	[tilespmem:s24+$0x18FB0] =	vst v7;
	v7 =	vld [tilespmem:$0x1FFB0]  }
0x3db: {  	v10 =	vmul.f32 v12, v10;
	v12 =	vld [tilespmem:$0x1FEC0]  }
0x3dc: {  	v13 =	vmul.f32 v57, v55  }
0x3dd: {  	v55 =	vld [tilespmem:$0x1FED0];
	[tilespmem:s24+$0x18F80] =	vst v3  }
0x3de: {  	v3 =	vmul.f32 v13, v57;
	[tilespmem:s24+$0x18FA0] =	vst v8;
	v8 =	vld [tilespmem:$0x1FF80];
	v6 =	vadd.f32 v11, v6;
	v11 =	vmul.f32 v56, v39  }
0x3df: {  	s26 =	sshll.u32 s10, $0x7;
	[tilespmem:s21+$0x18FB0] =	vst v5;
	v13 =	vadd.f32 $9.999999740e-06, v60;
	v5 =	vadd.f32 v10, v15;
	v10 =	vld [tilespmem:$0x1FF70]  }
0x3e0: {  	s8 =	sand.u32 $0x3FFFFF80, s26;
	v3 =	vsub.f32 $1.500000000e+00, v3;
	v7 =	vadd.f32 v11, v7;
	v11 =	vld [tilespmem:$0x1FFA0];
	v12 =	vmul.f32 v12, v14  }
0x3e1: {  	v13 =	vbroadcast v13, $0xF;
	[tilespmem:s8+$0x18FA0] =	vst v6;
	v6 =	vld [tilespmem:$0x1FEE0]  }
0x3e2: {  	v60 =	vld [tilespmem:$0x1FF10];
	v3 =	vmul.f32 v3, v57;
	[tilespmem:s8+$0x18F80] =	vst v9  }
0x3e3: {  	s10 =	sshll.u32 s11, $0x7;
	v9 =	vmul.f32 $5.000000000e-01, v13;
	v8 =	vmul.f32 v55, v8;
	[tilespmem:s8+$0x18F90] =	vst v4;
	v4 =	vshrl.u32 v13, $0x1;
	v13 =	vld [tilespmem:$0x1FEF0]  }
0x3e4: {  	s11 =	sand.u32 $0x3FFFFF80, s10;
	v57 =	vld [tilespmem:$0x1FF80];
	[tilespmem:s24+$0x18F90] =	vst v0;
	v10 =	vmul.f32 v58, v10;
	v0 =	vadd.f32 v12, v16;
	v58 =	vmul.f32 v54, v50;
	v12, _, _ =	vpop (xrf2)  }
0x3e5: {  	v8 =	vadd.f32 v8, v15;
	[tilespmem:s11+$0x18F90] =	vst v7;
	v7 =	vld [tilespmem:$0x1FFB0];
	v50 =	vmul.f32 v54, v49;
	v49 =	vmul.f32 $1.562500000e-02, v12  }
0x3e6: {  	v55 =	vld [tilespmem:$0x1FF20];
	v56 =	vmul.f32 v54, v59;
	v6 =	vmul.f32 v6, v14;
	v10 =	vadd.f32 v10, v11;
	v11, _, _ =	vpop (xrf2)  }
0x3e7: {  	v59 =	vld [tilespmem:$0x1FF00];
	v11 =	vmul.f32 $1.562500000e-02, v11;
	v12 =	vmul.f32 v49, v49  }
0x3e8: {  	v4 =	vsub.s32 $0x5F3759DF, v4;
	[tilespmem:s11+$0x18FB0] =	vst v8;
	v8 =	vld [tilespmem:$0x1FF70];
	v13 =	vmul.f32 v13, v39  }
0x3e9: {  	[tilespmem:s11+$0x18F80] =	vst v0;
	v0 =	vadd.f32 v6, v16;
	v6 =	vld [tilespmem:$0x1FF80];
	v11 =	vsub.f32 v11, v12;
	v12 =	vmul.f32 v4, v9  }
0x3ea: {  	s20 =	sshll.u32 s12, $0x7;
	[tilespmem:s8+$0x18FB0] =	vst v5;
	v5 =	vld [tilespmem:$0x1FF70];
	v7 =	vadd.f32 v13, v7  }
0x3eb: {  	s21 =	sand.u32 $0x3FFFFF80, s20;
	v13 =	vld [tilespmem:$0x1FFA0];
	v12 =	vmul.f32 v4, v12  }
0x3ec: {  	[tilespmem:s21+$0x18F90] =	vst v7;
	v7 =	vld [tilespmem:$0x1FFA0]  }
0x3ed: {  	[tilespmem:s21+$0x18F80] =	vst v0;
	v0 =	vld [tilespmem:$0x1FFB0];
	v12 =	vsub.f32 $1.500000000e+00, v12  }
0x3ee: {  	v6 =	vmul.f32 v60, v6;
	v60 =	vld [tilespmem:$0x1FF80]  }
0x3ef: {  	v5 =	vmul.f32 v59, v5;
	v4 =	vmul.f32 v4, v12;
	v12 =	vld [tilespmem:$0x1FFB0]  }
0x3f0: {  	v8 =	vmul.f32 v55, v8  }
0x3f1: {  	v5 =	vadd.f32 v5, v13;
	v13 =	vmul.f32 v38, v39;
	v6 =	vadd.f32 v6, v15  }
0x3f2: {  	v36 =	vmul.f32 v36, v39;
	v24 =	vmul.f32 v63, v57;
	v59 =	vld [tilespmem:$0x1FF30]  }
0x3f3: {  	s22 =	sshll.u32 s13, $0x7;
	v7 =	vadd.f32 v8, v7;
	v0 =	vadd.f32 v13, v0;
	[tilespmem:s21+$0x18FB0] =	vst v6;
	v6 =	vld [tilespmem:$0x1FF70]  }
0x3f4: {  	s26 =	sshll.u32 s14, $0x7;
	s24 =	sand.u32 $0x3FFFFF80, s22;
	[tilespmem:s11+$0x18FA0] =	vst v10;
	v8 =	vadd.f32 v24, v15;
	v24 =	vmul.f32 v52, v60;
	v12 =	vadd.f32 v36, v12  }
0x3f5: {  	v53 =	vmul.f32 v54, v53;
	s8 =	sand.u32 $0x3FFFFF80, s26;
	v54 =	vmul.f32 v37, v14;
	[tilespmem:s24+$0x18F90] =	vst v0;
	v0 =	vld [tilespmem:$0x1FFA0]  }
0x3f6: {  	v13 =	vmul.f32 v62, v14;
	[tilespmem:s8+$0x18F90] =	vst v12;
	v12 =	vadd.f32 v24, v15  }
0x3f7: {  	v10 =	vadd.f32 v54, v16;
	[tilespmem:s21+$0x18FA0] =	vst v5;
	v11 =	vadd.f32 $9.999999740e-06, v11  }
0x3f8: {  	v5 =	vadd.f32 v13, v16;
	v13 =	vbroadcast v51, $0xF;
	v6 =	vmul.f32 v59, v6;
	[tilespmem:s8+$0x18FB0] =	vst v12;
	v12 =	vld [tilespmem:$0x1FFB0]  }
0x3f9: {  	[tilespmem:s24+$0x18F80] =	vst v10;
	v10 =	vmul.f32 v30, v14  }
0x3fa: {  	v11 =	vbroadcast v11, $0xF;
	v1 =	vsub.f32 v1, v13;
	v0 =	vadd.f32 v6, v0  }
0x3fb: {  	[tilespmem:s24+$0x18FB0] =	vst v8;
	v26 =	vsub.f32 v26, v13;
	v62 =	vsub.f32 v33, v13;
	v6 =	vmul.f32 v28, v39  }
0x3fc: {  	s10 =	sshll.u32 s15, $0x7;
	v8 =	vsub.f32 v32, v13;
	[tilespmem:s8+$0x18FA0] =	vst v0;
	v0 =	vadd.f32 v10, v16;
	v10 =	vld [tilespmem:$0x1FF70]  }
0x3fd: {  	s11 =	sand.u32 $0x3FFFFF80, s10;
	[tilespmem:s24+$0x18FA0] =	vst v7;
	v13 =	vshrl.u32 v11, $0x1;
	v11 =	vmul.f32 $5.000000000e-01, v11;
	v6 =	vadd.f32 v6, v12;
	v12 =	vld [tilespmem:$0x1FF80]  }
0x3fe: {  	v1 =	vmul.f32 v3, v1;
	v7 =	vmul.f32 v3, v26;
	[tilespmem:s11+$0x18F80] =	vst v0;
	v0 =	vld [tilespmem:$0x1FFA0]  }
0x3ff: {  	[tilespmem:s8+$0x18F80] =	vst v5;
	v13 =	vsub.s32 $0x5F3759DF, v13;
	v5 =	vmul.f32 v3, v62;
	v9 =	vmul.f32 v4, v9  }
0x400: {  	v3 =	vmul.f32 v3, v8;
	v8 =	vmul.f32 v13, v11  }
0x401: {  	v9 =	vmul.f32 v9, v4;
	v10 =	vmul.f32 v31, v10  }
0x402: {  	v8 =	vmul.f32 v13, v8;
	v12 =	vmul.f32 v35, v12  }
0x403: {  	v9 =	vsub.f32 $1.500000000e+00, v9;
	v0 =	vadd.f32 v10, v0;
	v10 =	vmul.f32 v29, v14  }
0x404: {  	v8 =	vsub.f32 $1.500000000e+00, v8;
	[tilespmem:s11+$0x18F90] =	vst v6;
	v6 =	vadd.f32 v12, v15  }
0x405: {  	[tilespmem:s11+$0x18FA0] =	vst v0;
	v0 =	vmul.f32 v9, v4;
	v4 =	vadd.f32 v10, v16;
	v10 =	vld [tilespmem:$0x1FF80]  }
0x406: {  	[tilespmem:s11+$0x18FB0] =	vst v6;
	v6 =	vmul.f32 v13, v8;
	v8 =	vld [tilespmem:$0x1FFB0];
	_ =	sdelay $0x2  }
0x407: {  	s12 =	sshll.u32 s30, $0x7;
	v9 =	vld [tilespmem:$0x1FF70];
	v12 =	vmul.f32 v25, v39  }
0x408: {  	s13 =	sand.u32 $0x3FFFFF80, s12  }
0x409: {  	[tilespmem:s13+$0x18F80] =	vst v4;
	v4 =	vld [tilespmem:$0x1FFA0];
	v2 =	vmul.f32 v2, v10;
	v8 =	vadd.f32 v12, v8  }
0x40a: {  	v12 =	vld [tilespmem:$0x1FF80]  }
0x40b: {  	v2 =	vadd.f32 v2, v15;
	[tilespmem:s13+$0x18F90] =	vst v8;
	v8 =	vld [tilespmem:$0x1FF70]  }
0x40c: {  	v9 =	vmul.f32 v27, v9  }
0x40d: {  	[tilespmem:s13+$0x18FB0] =	vst v2;
	v2 =	vld [tilespmem:$0x1FFA0]  }
0x40e: {  	v4 =	vadd.f32 v9, v4;
	v9 =	vmul.f32 v23, v14;
	_ =	sdelay $0x1  }
0x40f: {  	[tilespmem:s13+$0x18FA0] =	vst v4;
	v4 =	vadd.f32 v9, v16;
	v9 =	vld [tilespmem:$0x1FFB0];
	v12 =	vmul.f32 v20, v12;
	v8 =	vmul.f32 v22, v8  }
0x410: {  	s1 =	sshll.u32 s1, $0x7  }
0x411: {  	s1 =	sand.u32 $0x3FFFFF80, s1;
	v2 =	vadd.f32 v8, v2;
	v8 =	vadd.f32 v12, v15  }
0x412: {  	v10 =	vmul.f32 v21, v39;
	[tilespmem:s1+$0x18F80] =	vst v4  }
0x413: {  	v4 =	vmul.f32 v43, v14;
	[tilespmem:s1+$0x18FB0] =	vst v8;
	v8 =	vld [tilespmem:$0x1FFB0]  }
0x414: {  	v9 =	vadd.f32 v10, v9;
	v10 =	vbroadcast v48, $0xF  }
0x415: {  	v4 =	vadd.f32 v4, v16  }
0x416: {  	v13 =	vsub.f32 v41, v10;
	[tilespmem:s1+$0x18F90] =	vst v9;
	v9 =	vsub.f32 v40, v10;
	v12 =	vmul.f32 v44, v39  }
0x417: {  	s14 =	sshll.u32 s29, $0x7;
	v63 =	vsub.f32 v42, v10;
	[tilespmem:s1+$0x18FA0] =	vst v2;
	v2 =	vsub.f32 v34, v10;
	v10 =	vld [tilespmem:$0x1FF70]  }
0x418: {  	s15 =	sand.u32 $0x3FFFFF80, s14;
	v8 =	vadd.f32 v12, v8;
	v12 =	vld [tilespmem:$0x1FF80]  }
0x419: {  	v11 =	vmul.f32 v6, v11;
	[tilespmem:s15+$0x18F80] =	vst v4;
	v4 =	vld [tilespmem:$0x1FFA0];
	_ =	sdelay $0x1  }
0x41a: {  	v11 =	vmul.f32 v11, v6  }
0x41b: {  	v10 =	vmul.f32 v18, v10  }
0x41c: {  	v11 =	vsub.f32 $1.500000000e+00, v11;
	v12 =	vmul.f32 v19, v12  }
0x41d: {  	v4 =	vadd.f32 v10, v4;
	v10 =	vmul.f32 v53, v14  }
0x41e: {  	v6 =	vmul.f32 v11, v6;
	v11 =	vld [tilespmem:$0x1FF70];
	[tilespmem:s15+$0x18F90] =	vst v8;
	v8 =	vadd.f32 v12, v15  }
0x41f: {  	[tilespmem:s15+$0x18FA0] =	vst v4;
	v4 =	vadd.f32 v10, v16;
	v10 =	vld [tilespmem:$0x1FFB0]  }
0x420: {  	[tilespmem:s15+$0x18FB0] =	vst v8;
	v8 =	vld [tilespmem:$0x1FFA0];
	_ =	sdelay $0x1  }
0x421: {  	v18 =	vmul.f32 v56, v39  }
0x422: {  	v11 =	vmul.f32 v58, v11;
	v12 =	vld [tilespmem:$0x1FF80]  }
0x423: {  	s20 =	sshll.u32 s23, $0x7;
	v10 =	vadd.f32 v18, v10  }
0x424: {  	s21 =	sand.u32 $0x3FFFFF80, s20;
	v8 =	vadd.f32 v11, v8;
	v11 =	vld [tilespmem:$0x1FF70]  }
0x425: {  	[tilespmem:s21+$0x18F90] =	vst v10;
	v10 =	vld [tilespmem:$0x1FF80]  }
0x426: {  	[tilespmem:s21+$0x18FA0] =	vst v8;
	v8 =	vld [tilespmem:$0x1FFB0]  }
0x427: {  	v12 =	vmul.f32 v50, v12  }
0x428: {  	v1 =	vmul.f32 v1, v14;
	v7 =	vmul.f32 v7, v39  }
0x429: {  	v5 =	vmul.f32 v5, v11;
	v11 =	vmul.f32 v0, v13  }
0x42a: {  	v1 =	vadd.f32 v1, v16;
	[tilespmem:s21+$0x18F80] =	vst v4;
	v3 =	vmul.f32 v3, v10  }
0x42b: {  	s2 =	sshll.u32 s2, $0x7;
	v4 =	vadd.f32 v12, v15;
	v12 =	vmovc v15;
	v7 =	vadd.f32 v7, v8;
	v8 =	vmul.f32 v11, v14;
	v11 =	vld [tilespmem:$0x1FFA0]  }
0x42c: {  	s22 =	sand.u32 $0x3FFFFF80, s2;
	v9 =	vmul.f32 v0, v9;
	v3 =	vadd.f32 v3, v12  }
0x42d: {  	[tilespmem:s22+$0x18F80] =	vst v1;
	v1 =	vadd.f32 v8, v16;
	v8 =	vmul.f32 v0, v63;
	v0 =	vmul.f32 v0, v2;
	v2 =	vld [tilespmem:$0x1FFB0]  }
0x42e: {  	[tilespmem:s22+$0x18FB0] =	vst v3;
	v3 =	vld [tilespmem:$0x1FF80];
	_ =	sdelay $0x1  }
0x42f: {  	v10 =	vbroadcast v49, $0xF;
	[tilespmem:s21+$0x18FB0] =	vst v4;
	v4 =	vadd.f32 v5, v11;
	v5 =	vmul.f32 v9, v39;
	_ =	sdelay $0x1  }
0x430: {  	v2 =	vadd.f32 v5, v2;
	v5 =	vsub.f32 v17, v10;
	[tilespmem:s22+$0x18FA0] =	vst v4;
	v4 =	vld [tilespmem:$0x1FF70]  }
0x431: {  	v0 =	vmul.f32 v0, v3  }
0x432: {  	s23 =	sshll.u32 s3, $0x7;
	v9 =	vsub.f32 v45, v10;
	v3 =	vmul.f32 v6, v5;
	v5 =	vsub.f32 v47, v10  }
0x433: {  	s24 =	sand.u32 $0x3FFFFF80, s23  }
0x434: {  	[tilespmem:s24+$0x18F90] =	vst v2;
	v2 =	vmul.f32 v3, v39;
	v3 =	vmul.f32 v6, v5;
	v5 =	vld [tilespmem:$0x1FF70]  }
0x435: {  	[tilespmem:s22+$0x18F90] =	vst v7;
	v7 =	vmul.f32 v6, v9;
	v4 =	vmul.f32 v8, v4;
	v8 =	vsub.f32 v46, v10  }
0x436: {  	v9 =	vmov v14  }
0x437: {  	[tilespmem:s24+$0x18F80] =	vst v1;
	v1 =	vadd.f32 v4, v11;
	v4 =	vmul.f32 v7, v9;
	v7 =	vmul.f32 v6, v8  }
0x438: {  	v10 =	vmov v16;
	v6 =	vld [tilespmem:$0x1FF80]  }
0x439: {  	[tilespmem:s24+$0x18FA0] =	vst v1;
	v1 =	vadd.f32 v4, v10;
	v4 =	vmul.f32 v7, v5;
	v7 =	vld [tilespmem:$0x1FFB0];
	_ =	sdelay $0x1  }
0x43a: {  	v15 =	vld [tilespmem:$0x1FFE0]  }
0x43b: {  	v13 =	vld [tilespmem:$0x1FFC0];
	v0 =	vadd.f32 v0, v12  }
0x43c: {  	p0 =	slt.u32 s19, $0xB4;
	s26 =	sshll.u32 s7, $0x7;
	v14 =	vld [tilespmem:$0x1FFD0]  }
.Ltmp0:
0x43d: {  	s29 =	sand.u32 $0x3FFFFF80, s26;
	[tilespmem:s24+$0x18FB0] =	vst v0;
	v16 =	vld [tilespmem:$0x1FFF0];
	v0 =	vadd.f32 v2, v7;
	v2 =	vmul.f32 v3, v6;
	(pc) =	sbr.rel @p0 .LBB2_3-.Ltmp0, $4  }
0x43e: {  	[tilespmem:s29+$0x18F80] =	vst v1;
	v1 =	vadd.f32 v4, v11;
	v4 =	vld [tilespmem:$0x1FF50]  }
0x43f: {  	v3 =	vld [tilespmem:$0x1FF60];
	[tilespmem:s29+$0x18F90] =	vst v0;
	v0 =	vadd.f32 v2, v12  }
0x440: {  	s30 =	sadd.s32 $0x14, s19;
	[tilespmem:s29+$0x18FA0] =	vst v1;
	v2 =	vld [tilespmem:$0x1FF40]  }
0x441: {  	s19 =	smov.u32 s30;
	v8 =	vmov v39;
	[tilespmem:s29+$0x18FB0] =	vst v0;
	v0 =	vld [tilespmem:$0x1FF90]  }
0x442: {  	s1 =	sadd.s32 s9, s31  }
0x443: {  	s1 =	smul.u32 $0xC80, s1  }
0x444: {  	s2 =	rddreg [dreg:$0x6];
	s30 =	simm.s32 $0x0;
	p0 =	sne.s32 s0, $0x80  }
.Ltmp1:
0x445: {  	s3 =	simm.s32 $0x18F80;
	s1 =	sadd.s32 s2, s1;
	(pc) =	sbr.rel @p0 .LBB2_2-.Ltmp1, $4  }
0x446: {  	[hbm4b:s1+s30] =	stream.linear.scatter [tilespmem:s3], [sflag:$0x2], $0x6400, $0x38;
	[tilespmem:$0x1F380] =	vst v63  }
0x447: {  	_ =	swait.ge [sflag:s17], $0x6400  }
0x448: {  	[sflag:s17] =	ssyncset.done $0x0  }
0x449: {  	s31 =	smov.u32 s0;
	[sflag:s17] =	ssyncadd.s32 $0xFFFF9C00  }
0x44a: {  	s1 =	simm.s32 $0x1  }
0x44b: {  	_ =	swait.ge [sflag:s1], $0x6400  }
0x44c: {  	s2 =	rddreg [dreg:$0xe]  }
0x44d: {  	s0 =	rddreg [dreg:$0xd];
	s2 =	sadd.s32 $0x1, s2  }
0x44e: {  	p0 =	sne.s32 s2, s0  }
.Ltmp2:
0x44f: {  	_ = 	snop;
	(pc) =	sbr.rel @p0 .LBB2_1-.Ltmp2, $3  }
0x450: {  	_ =	sdelay $0x1  }
0x451: {  	[sflag:s1] =	ssyncset.done $0x0  }
0x452: {  	[sflag:s1] =	ssyncadd.s32 $0xFFFF9C00  }
0x453: {  	_ =	sfence.sel $0x180000  }
0x454: {  	[bflag:$0x0] =	sbarrier.arrive $0xFFFF  }
0x455: {  	_ =	strace $0x90000047  }
0x456: {  	s0 =	stileid.u32;
	[bflag:$0x2] =	sbarrier.arrive $0xFFFF  }
0x457: {  	p0 =	sne.s32 s0, $0x0;
	s0 =	rddreg [dreg:$0x2]  }
0x458: {  	s0 =	sadd.s32 @!p0 $0x100000, s0  }
0x459: {  	[sflag:s0] =	ssyncadd.tile.s32 @!p0 $0x1;
	_ =	shalt  }
.Lfunc_end2:
_tile_overlayer_lowered:
.L_overlay_start_2:
0x45a: {  	(tag) =	ssettag $0x2  }
0x45b: {  	s0 =	rddreg [dreg:$0x0];
	s2 =	stileid.u32  }
0x45c: {  	s1 =	rddreg [dreg:$0x1];
	p0 =	sne.s32 s2, $0x0  }
0x45d: {  	s3 =	rddreg [dreg:$0x2];
	[bflag:$0x3] =	sbarrier.arrive $0xFFFF;
	s2 =	simm.s32 @!p0 $0x1C02  }
0x45e: {  	[timem:s3], [sflag:s2] =	dma.local @!p0 [hbm:s0], s1  }
0x45f: {  	s0 =	simm.s32 @!p0 $0x2  }
0x460: {  	_ =	swait.ge @!p0 [sflag:s0], s1  }
0x461: {  	s1 =	ssub.s32 @!p0 $0x0, s1;
	[sflag:s0] =	ssyncset.done @!p0 $0x0  }
0x462: {  	[sflag:s0] =	ssyncadd.s32 @!p0 s1  }
0x463: {  	[bflag:$0x3] =	sbarrier.arrive $0xFFFF  }
0x464: {  	_ =	shalt  }

</sc_bundles>
